<compile_context>
chip_gen: v7x
topology: tpu7x:2x2x1
jax: 0.10.2.dev20260603
libtpu: 0.0.44.dev20260713+nightly
codegen_flags: <defaults>
</compile_context>

<pallas_src>
import functools

import jax
import jax.numpy as jnp
import numpy as np
from jax import lax
from jax.experimental import pallas as pl
from jax.experimental.pallas import tpu as pltpu
from jax.experimental.pallas import tpu_sc as plsc

N_NODES = 10000
N_PAD = 10240
E = 160000
E_PAD = 163840
FH = 128
NHID = 512
NFEAT = 256

NSUB = 16
STRIPE = N_PAD // NSUB
ECHUNK = 128
KC = 8
HKC = 40
NBUF = 2
ROWS_E = E_PAD // ECHUNK
CPS = ROWS_E // NSUB
CPT = ROWS_E // 32

_SC_CACHE = {}


def _sc_kernels():
    if _SC_CACHE:
        return _SC_CACHE["deg"], _SC_CACHE["agg"]

    mesh = plsc.VectorSubcoreMesh(core_axis_name="c", subcore_axis_name="s")

    @functools.partial(
        pl.kernel,
        out_type=jax.ShapeDtypeStruct((2, N_PAD, FH), jnp.float32),
        mesh=mesh,
        scratch_types=[
            pltpu.VMEM((CPT, ECHUNK), jnp.int32),
            pltpu.VMEM((ECHUNK, FH), jnp.float32),
            pltpu.VMEM_SHARED((N_PAD, FH), jnp.float32),
        ],
    )
    def _deg_kernel(dst_hbm, ones_hbm, zeros_hbm, out_hbm, idx_v, ones_v, acc_sh):
        c = lax.axis_index("c")
        s = lax.axis_index("s")
        wid = s * 2 + c
        r0 = s * STRIPE
        pltpu.sync_copy(ones_hbm, ones_v)
        pltpu.sync_copy(
            zeros_hbm.at[pl.ds(r0, STRIPE)], acc_sh.at[pl.ds(r0, STRIPE)]
        )
        pltpu.sync_copy(dst_hbm.at[pl.ds(wid * CPT, CPT)], idx_v)
        plsc.subcore_barrier()

        def _scatter_all(ssem):
            @pl.loop(0, CPT)
            def _(j):
                pltpu.make_async_copy(
                    ones_v, acc_sh.at[idx_v.at[j]], ssem
                ).start(add=True)

            @pl.loop(0, CPT)
            def _(j):
                pltpu.make_async_copy(
                    ones_v, acc_sh.at[idx_v.at[j]], ssem
                ).wait()

        pl.run_scoped(_scatter_all, ssem=pltpu.SemaphoreType.DMA)
        plsc.subcore_barrier()
        pltpu.sync_copy(
            acc_sh.at[pl.ds(r0, STRIPE)], out_hbm.at[c, pl.ds(r0, STRIPE)]
        )

    @functools.partial(
        pl.kernel,
        out_type=jax.ShapeDtypeStruct((2, N_PAD, FH), jnp.float32),
        mesh=mesh,
        scratch_types=[
            pltpu.VMEM((HKC, ECHUNK), jnp.int32),
            pltpu.VMEM((HKC, ECHUNK), jnp.int32),
            pltpu.VMEM((NBUF, ECHUNK, FH), jnp.float32),
            pltpu.VMEM_SHARED((N_PAD, FH), jnp.float32),
        ],
    )
    def _agg_kernel(u_hbm, src_hbm, dst_hbm, out_hbm, src_v, dst_v, rows_v,
                    acc_sh):
        c = lax.axis_index("c")
        s = lax.axis_index("s")
        r0 = s * STRIPE
        pltpu.sync_copy(
            u_hbm.at[pl.ds(c * N_PAD + r0, STRIPE)], acc_sh.at[pl.ds(r0, STRIPE)]
        )
        plsc.subcore_barrier()

        def _edge_loop(gsem, ssem):
            def g_copy(k, b):
                return pltpu.make_async_copy(
                    u_hbm.at[src_v.at[k]], rows_v.at[b], gsem
                )

            def s_copy(k, b):
                return pltpu.make_async_copy(
                    rows_v.at[b], acc_sh.at[dst_v.at[k]], ssem
                )

            for h in range(2):
                row0 = s * CPS + h * HKC
                pltpu.sync_copy(src_hbm.at[c, pl.ds(row0, HKC)], src_v)
                pltpu.sync_copy(dst_hbm.at[pl.ds(row0, HKC)], dst_v)

                g_copy(0, 0).start()
                g_copy(1, 1).start()
                g_copy(0, 0).wait()
                s_copy(0, 0).start(add=True)
                g_copy(1, 1).wait()
                s_copy(1, 1).start(add=True)

                @pl.loop(1, HKC // 2)
                def _(i):
                    k0 = i * 2
                    for j in range(2):
                        k = k0 + j
                        s_copy(k - 2, j).wait()
                        g_copy(k, j).start()
                        g_copy(k, j).wait()
                        s_copy(k, j).start(add=True)

                s_copy(HKC - 2, 0).wait()
                s_copy(HKC - 1, 1).wait()

        pl.run_scoped(
            _edge_loop, gsem=pltpu.SemaphoreType.DMA, ssem=pltpu.SemaphoreType.DMA
        )
        plsc.subcore_barrier()
        pltpu.sync_copy(
            acc_sh.at[pl.ds(r0, STRIPE)], out_hbm.at[c, pl.ds(r0, STRIPE)]
        )

    _SC_CACHE["deg"] = _deg_kernel
    _SC_CACHE["agg"] = _agg_kernel
    return _deg_kernel, _agg_kernel


def _tc1_body(degp_ref, x_ref, u_ref, dinv_ref):
    deg = degp_ref[0, :, 0:1] + degp_ref[1, :, 0:1] + 1.0
    dinv = lax.rsqrt(deg)
    dinv_ref[...] = dinv
    u_ref[0, :, :] = x_ref[...] * dinv


def _tc1(degp, x_pad):
    return pl.pallas_call(
        _tc1_body,
        grid=(2,),
        in_specs=[
            pl.BlockSpec((2, N_PAD, FH), lambda j: (0, 0, 0)),
            pl.BlockSpec((N_PAD, FH), lambda j: (0, j)),
        ],
        out_specs=[
            pl.BlockSpec((1, N_PAD, FH), lambda j: (j, 0, 0)),
            pl.BlockSpec((N_PAD, 1), lambda j: (0, 0)),
        ],
        out_shape=[
            jax.ShapeDtypeStruct((2, N_PAD, FH), jnp.float32),
            jax.ShapeDtypeStruct((N_PAD, 1), jnp.float32),
        ],
    )(degp, x_pad)


R2 = 2560


def _tc2_body(w1_ref, dinv_ref, mask_ref, W1_ref, b1_ref, W2_ref, u2_ref):
    dinv = dinv_ref[...]
    a0 = w1_ref[0] * dinv
    a1 = w1_ref[1] * dinv
    a = jnp.concatenate([a0, a1], axis=1)
    h = (
        jnp.dot(a, W1_ref[...], preferred_element_type=jnp.float32)
        + b1_ref[...]
    )
    h = jnp.where(h > 0, h, 0.01 * h)
    h = h * mask_ref[...].astype(jnp.float32)
    p = jnp.dot(h, W2_ref[...], preferred_element_type=jnp.float32)
    u2_ref[0, :, :] = p[:, :FH] * dinv
    u2_ref[1, :, :] = p[:, FH:] * dinv


def _tc2(w1, dinv, maskf, W1, b1, W2):
    return pl.pallas_call(
        _tc2_body,
        grid=(N_PAD // R2,),
        in_specs=[
            pl.BlockSpec((2, R2, FH), lambda i: (0, i, 0)),
            pl.BlockSpec((R2, 1), lambda i: (i, 0)),
            pl.BlockSpec((R2, NHID), lambda i: (i, 0)),
            pl.BlockSpec((NFEAT, NHID), lambda i: (0, 0)),
            pl.BlockSpec((1, NHID), lambda i: (0, 0)),
            pl.BlockSpec((NHID, NFEAT), lambda i: (0, 0)),
        ],
        out_specs=pl.BlockSpec((2, R2, FH), lambda i: (0, i, 0)),
        out_shape=jax.ShapeDtypeStruct((2, N_PAD, FH), jnp.float32),
    )(w1, dinv, maskf, W1, b1, W2)


R3 = 2000


def _tc3_body(w2_ref, dinv_ref, b2_ref, o_ref):
    dinv = dinv_ref[...]
    a0 = w2_ref[0] * dinv
    a1 = w2_ref[1] * dinv
    o = jnp.concatenate([a0, a1], axis=1) + b2_ref[...]
    o_ref[...] = jnp.where(o > 0, o, 0.01 * o)


def _tc3(w2, dinv, b2):
    return pl.pallas_call(
        _tc3_body,
        grid=(N_NODES // R3,),
        in_specs=[
            pl.BlockSpec((2, R3, FH), lambda i: (0, i, 0)),
            pl.BlockSpec((R3, 1), lambda i: (i, 0)),
            pl.BlockSpec((1, NFEAT), lambda i: (0, 0)),
        ],
        out_specs=pl.BlockSpec((R3, NFEAT), lambda i: (i, 0)),
        out_shape=jax.ShapeDtypeStruct((N_NODES, NFEAT), jnp.float32),
    )(w2, dinv, b2)


_MASK_CACHE = []


def _np_rotl(x, d):
    return ((x << np.uint32(d)) | (x >> np.uint32(32 - d))).astype(np.uint32)


def _np_threefry2x32(k0, k1, x0, x1):
    x0 = x0.astype(np.uint32).copy()
    x1 = x1.astype(np.uint32).copy()
    ks = [np.uint32(k0), np.uint32(k1),
          np.uint32(np.uint32(k0) ^ np.uint32(k1) ^ np.uint32(0x1BD11BDA))]
    rots = [[13, 15, 26, 6], [17, 29, 16, 24]]
    x0 += ks[0]
    x1 += ks[1]
    for r in range(5):
        for d in rots[r % 2]:
            x0 += x1
            x1 = _np_rotl(x1, d)
            x1 ^= x0
        x0 += ks[(r + 1) % 3]
        x1 += ks[(r + 2) % 3] + np.uint32(r + 1)
    return x0, x1


def _dropout_mask():
    if not _MASK_CACHE:
        n = N_NODES * NHID
        b0, b1 = _np_threefry2x32(np.uint32(0), np.uint32(42),
                                  np.zeros(n, np.uint32),
                                  np.arange(n, dtype=np.uint32))
        bits = b0 ^ b1
        fl = ((bits >> np.uint32(9)) | np.uint32(0x3F800000)).view(np.float32)
        keep = (fl - 1.0) < 0.5
        mf = np.zeros((N_PAD, NHID), np.float32)
        mf[:N_NODES] = keep.reshape(N_NODES, NHID).astype(np.float32) * 2.0
        _MASK_CACHE.append(jnp.asarray(mf, dtype=jnp.bfloat16))
    return _MASK_CACHE[0]


def kernel(x, edge_idx, W1, b1, W2, b2):
    ei = edge_idx.astype(jnp.int32)
    src, dst = ei[0], ei[1]
    pad_n = E_PAD - E
    pad_idx = N_NODES + (jnp.arange(pad_n, dtype=jnp.int32) % (N_PAD - N_NODES))
    src_p = jnp.concatenate([src, pad_idx])
    dst_p3 = jnp.concatenate([dst, pad_idx]).reshape(ROWS_E, ECHUNK)
    src3 = jnp.stack([src_p, src_p + N_PAD]).reshape(2, ROWS_E, ECHUNK)
    x_pad = jnp.pad(x, ((0, N_PAD - N_NODES), (0, 0)))
    ones_rows = jnp.ones((ECHUNK, FH), jnp.float32)
    zeros_rows = jnp.zeros((N_PAD, FH), jnp.float32)

    deg_k, agg_k = _sc_kernels()
    degp = deg_k(dst_p3, ones_rows, zeros_rows)
    u1, dinv = _tc1(degp, x_pad)
    w1 = agg_k(u1.reshape(2 * N_PAD, FH), src3, dst_p3)
    u2 = _tc2(w1, dinv, _dropout_mask(), W1, b1.reshape(1, NHID), W2)
    w2 = agg_k(u2.reshape(2 * N_PAD, FH), src3, dst_p3)
    return _tc3(w2, dinv, b2.reshape(1, NFEAT))

# --- scband reference (transcript-rebuilt; emitter-appended) ---
"""Pipeline reference for scband-gcndecoder-64364379898082 (READ-ONLY COPY).

The authoritative reference and input builder live on the scoring server;
editing this copy changes nothing except your own understanding.
"""

import jax, jax.numpy as jnp
import numpy as np

N_NODES = 10000
N_EDGES = 160000
NHID = 512
NFEAT = 256
IN_DIM = NHID // 2  # 256


def gcn_conv(x, edge_index, W, b, num_nodes):
    # x' = D^{-1/2} (A + I) D^{-1/2} (X W) + b  (PyG GCNConv default: add_self_loops=True, normalize=True)
    h = x @ W
    src = edge_index[0]
    dst = edge_index[1]
    loop = jnp.arange(num_nodes, dtype=edge_index.dtype)
    src = jnp.concatenate([src, loop])
    dst = jnp.concatenate([dst, loop])
    deg = jnp.zeros((num_nodes,), dtype=h.dtype).at[dst].add(1.0)
    dinv = jnp.where(deg > 0, deg ** -0.5, 0.0)
    norm = dinv[src] * dinv[dst]
    msgs = h[src] * norm[:, None]
    out = jnp.zeros((num_nodes, h.shape[1]), dtype=h.dtype).at[dst].add(msgs)
    return out + b


def setup_inputs(seed: int = 0) -> dict:
    key = jax.random.key(seed)
    k_x, k_e, k_w1, k_w2 = jax.random.split(key, 4)
    x = jax.random.normal(k_x, (N_NODES, IN_DIM), dtype=jnp.float32)
    edge_idx = jax.random.randint(k_e, (2, N_EDGES), 0, N_NODES, dtype=jnp.int64)
    # glorot-uniform init as in PyG GCNConv
    lim1 = float(np.sqrt(6.0 / (IN_DIM + NHID)))
    W1 = jax.random.uniform(k_w1, (IN_DIM, NHID), minval=-lim1, maxval=lim1, dtype=jnp.float32)
    b1 = jnp.zeros((NHID,), dtype=jnp.float32)
    lim2 = float(np.sqrt(6.0 / (NHID + NFEAT)))
    W2 = jax.random.uniform(k_w2, (NHID, NFEAT), minval=-lim2, maxval=lim2, dtype=jnp.float32)
    b2 = jnp.zeros((NFEAT,), dtype=jnp.float32)
    return {"x": x, "edge_idx": edge_idx, "W1": W1, "b1": b1, "W2": W2, "b2": b2}


def reference(x, edge_idx, W1, b1, W2, b2):
    h = gcn_conv(x, edge_idx, W1, b1, N_NODES)
    h = jax.nn.leaky_relu(h, negative_slope=0.01)
    # F.dropout(p=0.5) defaults to training=True; deterministic mask for reproducibility
    mask = jax.random.bernoulli(jax.random.key(42), p=0.5, shape=h.shape)
    h = jnp.where(mask, h / 0.5, 0.0)
    h = gcn_conv(h, edge_idx, W2, b2, N_NODES)
    return jax.nn.leaky_relu(h, negative_slope=0.01)

if __name__ == "__main__":
    import jax
    _d = setup_inputs()
    print(jax.jit(kernel)(*tuple(_d.values())))

</pallas_src>

<mosaic_0001>
#map = affine_map<(d0, d1) -> (0, 0)>
#map1 = affine_map<(d0, d1) -> (0, 0, 0)>
module attributes {stable_mosaic.version = 14 : i64} {
  func.func @_deg_kernel(%arg0: i32, %arg1: i32, %arg2: memref<1280x128xi32, #tpu.memory_space<hbm>>, %arg3: memref<128x128xf32, #tpu.memory_space<hbm>>, %arg4: memref<10240x128xf32, #tpu.memory_space<hbm>>, %arg5: memref<2x10240x128xf32, #tpu.memory_space<hbm>>, %arg6: memref<40x128xi32, #tpu.memory_space<vmem>>, %arg7: memref<128x128xf32, #tpu.memory_space<vmem>>, %arg8: memref<10240x128xf32, #tpu.memory_space<vmem_shared>>) attributes {dimension_semantics = [#tpu.dimension_semantics<core_parallel>, #tpu.dimension_semantics<subcore_parallel>], iteration_bounds = array<i64: 2, 16>, scalar_prefetch = 0 : i64, scratch_operands = 3 : i64, tpu.core_type = #tpu.core_type<sc_vector_subcore>, window_params = [{transform_indices = #map}, {transform_indices = #map}, {transform_indices = #map}, {transform_indices = #map1}]} {
    %mul3A = arith.constant 2 : i32
    %mul3A_0 = arith.muli %arg1, %mul3A : i32
    %add3A = arith.addi %mul3A_0, %arg0 : i32
    %mul3A_1 = arith.constant 640 : i32
    %mul3A_2 = arith.muli %arg1, %mul3A_1 : i32
    "tpu.region"() ({
      %run_scoped3A = tpu.sem_alloc : memref<!tpu.dma_semaphore, #tpu.memory_space<semaphore_mem>>
      tpu.enqueue_dma source(%arg3 : memref<128x128xf32, #tpu.memory_space<hbm>>) target(%arg7 : memref<128x128xf32, #tpu.memory_space<vmem>>) target_semaphore(%run_scoped3A : memref<!tpu.dma_semaphore, #tpu.memory_space<semaphore_mem>>)
      tpu.wait_dma2 semaphore(%run_scoped3A : memref<!tpu.dma_semaphore, #tpu.memory_space<semaphore_mem>>) src(%arg3 : memref<128x128xf32, #tpu.memory_space<hbm>>) dst(%arg7 : memref<128x128xf32, #tpu.memory_space<vmem>>)
      tpu.yield
    }) : () -> ()
    "tpu.region"() ({
      %run_scoped3A = tpu.sem_alloc : memref<!tpu.dma_semaphore, #tpu.memory_space<semaphore_mem>>
      %dma_start3A = arith.constant 0 : i32
      %dma_start3A_6 = tpu.memref_slice %arg8[%mul3A_2, %dma_start3A] : memref<10240x128xf32, #tpu.memory_space<vmem_shared>> -> memref<640x128xf32, #tpu.memory_space<vmem_shared>>
      %dma_start3A_7 = arith.constant 0 : i32
      %dma_start3A_8 = tpu.memref_slice %arg4[%mul3A_2, %dma_start3A_7] : memref<10240x128xf32, #tpu.memory_space<hbm>> -> memref<640x128xf32, #tpu.memory_space<hbm>>
      tpu.enqueue_dma source(%dma_start3A_8 : memref<640x128xf32, #tpu.memory_space<hbm>>) target(%dma_start3A_6 : memref<640x128xf32, #tpu.memory_space<vmem_shared>>) target_semaphore(%run_scoped3A : memref<!tpu.dma_semaphore, #tpu.memory_space<semaphore_mem>>)
      %dma_wait3A = arith.constant 0 : i32
      %dma_wait3A_9 = tpu.memref_slice %arg8[%mul3A_2, %dma_wait3A] : memref<10240x128xf32, #tpu.memory_space<vmem_shared>> -> memref<640x128xf32, #tpu.memory_space<vmem_shared>>
      %dma_wait3A_10 = arith.constant 0 : i32
      %dma_wait3A_11 = tpu.memref_slice %arg4[%mul3A_2, %dma_wait3A_10] : memref<10240x128xf32, #tpu.memory_space<hbm>> -> memref<640x128xf32, #tpu.memory_space<hbm>>
      tpu.wait_dma2 semaphore(%run_scoped3A : memref<!tpu.dma_semaphore, #tpu.memory_space<semaphore_mem>>) src(%dma_wait3A_11 : memref<640x128xf32, #tpu.memory_space<hbm>>) dst(%dma_wait3A_9 : memref<640x128xf32, #tpu.memory_space<vmem_shared>>)
      tpu.yield
    }) : () -> ()
    %mul3A_3 = arith.constant 40 : i32
    %mul3A_4 = arith.muli %add3A, %mul3A_3 : i32
    "tpu.region"() ({
      %run_scoped3A = tpu.sem_alloc : memref<!tpu.dma_semaphore, #tpu.memory_space<semaphore_mem>>
      %dma_start3A = arith.constant 0 : i32
      %dma_start3A_6 = tpu.memref_slice %arg2[%mul3A_4, %dma_start3A] : memref<1280x128xi32, #tpu.memory_space<hbm>> -> memref<40x128xi32, #tpu.memory_space<hbm>>
      %dma_start3A_7 = arith.constant 0 : i32
      %dma_start3A_8 = tpu.memref_slice %arg2[%mul3A_4, %dma_start3A_7] : memref<1280x128xi32, #tpu.memory_space<hbm>> -> memref<40x128xi32, #tpu.memory_space<hbm>>
      tpu.enqueue_dma source(%dma_start3A_8 : memref<40x128xi32, #tpu.memory_space<hbm>>) target(%arg6 : memref<40x128xi32, #tpu.memory_space<vmem>>) target_semaphore(%run_scoped3A : memref<!tpu.dma_semaphore, #tpu.memory_space<semaphore_mem>>)
      %dma_wait3A = arith.constant 0 : i32
      %dma_wait3A_9 = tpu.memref_slice %arg2[%mul3A_4, %dma_wait3A] : memref<1280x128xi32, #tpu.memory_space<hbm>> -> memref<40x128xi32, #tpu.memory_space<hbm>>
      %dma_wait3A_10 = arith.constant 0 : i32
      %dma_wait3A_11 = tpu.memref_slice %arg2[%mul3A_4, %dma_wait3A_10] : memref<1280x128xi32, #tpu.memory_space<hbm>> -> memref<40x128xi32, #tpu.memory_space<hbm>>
      tpu.wait_dma2 semaphore(%run_scoped3A : memref<!tpu.dma_semaphore, #tpu.memory_space<semaphore_mem>>) src(%dma_wait3A_11 : memref<40x128xi32, #tpu.memory_space<hbm>>) dst(%arg6 : memref<40x128xi32, #tpu.memory_space<vmem>>)
      tpu.yield
    }) : () -> ()
    %barrier3A = arith.constant 0 : index
    tpu.barrier barrier_id(%barrier3A)
    "tpu.region"() ({
      %run_scoped3A = tpu.sem_alloc : memref<!tpu.dma_semaphore, #tpu.memory_space<semaphore_mem>>
      %scan3A = arith.constant 0 : i32
      %scan3A_6 = arith.constant 40 : i32
      %scan3A_7 = arith.addi %scan3A, %scan3A_6 : i32
      %scan3A_8 = arith.constant 1 : i32
      scf.for %scan3A_15 = %scan3A to %scan3A_7 step %scan3A_8  : i32 {
        %mul3A_16 = arith.constant 1 : i32
        %mul3A_17 = arith.muli %scan3A_15, %mul3A_16 : i32
        %add3A_18 = arith.constant 0 : i32
        %add3A_19 = arith.addi %add3A_18, %mul3A_17 : i32
        %dma_start3A = arith.constant 0 : i32
        %dma_start3A_20 = tpu.memref_slice %arg6[%add3A_19, %dma_start3A] : memref<40x128xi32, #tpu.memory_space<vmem>> -> memref<1x128xi32, #tpu.memory_space<vmem>>
        %dma_start3A_21 = tpu.memref_squeeze %dma_start3A_20 : memref<1x128xi32, #tpu.memory_space<vmem>> -> memref<128xi32, #tpu.memory_space<vmem>>
        %dma_start3A_22 = arith.constant 0 : i32
        %dma_start3A_23 = arith.constant 0 : i32
        %dma_start3A_24 = tpu.memref_slice %arg8[%dma_start3A_22, %dma_start3A_23] : memref<10240x128xf32, #tpu.memory_space<vmem_shared>> -> memref<10240x128xf32, #tpu.memory_space<vmem_shared>>
        tpu.enqueue_indirect_dma source(%arg7 : memref<128x128xf32, #tpu.memory_space<vmem>>) target(%dma_start3A_24 : memref<10240x128xf32, #tpu.memory_space<vmem_shared>>) offsets(%dma_start3A_21 : memref<128xi32, #tpu.memory_space<vmem>>) semaphore(%run_scoped3A : memref<!tpu.dma_semaphore, #tpu.memory_space<semaphore_mem>>) {add = true}
      }
      %scan3A_9 = arith.constant 40 : i32
      %scan3A_10 = arith.constant 0 : i32
      %scan3A_11 = arith.constant 40 : i32
      %scan3A_12 = arith.addi %scan3A_10, %scan3A_11 : i32
      %scan3A_13 = arith.constant 1 : i32
      scf.for %scan3A_15 = %scan3A_10 to %scan3A_12 step %scan3A_13  : i32 {
        %mul3A_16 = arith.constant 1 : i32
        %mul3A_17 = arith.muli %scan3A_15, %mul3A_16 : i32
        %add3A_18 = arith.constant 0 : i32
        %add3A_19 = arith.addi %add3A_18, %mul3A_17 : i32
        %dma_wait3A = arith.constant 0 : i32
        %dma_wait3A_20 = tpu.memref_slice %arg6[%add3A_19, %dma_wait3A] : memref<40x128xi32, #tpu.memory_space<vmem>> -> memref<1x128xi32, #tpu.memory_space<vmem>>
        %dma_wait3A_21 = tpu.memref_squeeze %dma_wait3A_20 : memref<1x128xi32, #tpu.memory_space<vmem>> -> memref<128xi32, #tpu.memory_space<vmem>>
        %dma_wait3A_22 = arith.constant 0 : i32
        %dma_wait3A_23 = arith.constant 0 : i32
        %dma_wait3A_24 = tpu.memref_slice %arg8[%dma_wait3A_22, %dma_wait3A_23] : memref<10240x128xf32, #tpu.memory_space<vmem_shared>> -> memref<10240x128xf32, #tpu.memory_space<vmem_shared>>
        tpu.wait_indirect_dma semaphore(%run_scoped3A : memref<!tpu.dma_semaphore, #tpu.memory_space<semaphore_mem>>) src(%arg7 : memref<128x128xf32, #tpu.memory_space<vmem>>) dst(%dma_wait3A_24 : memref<10240x128xf32, #tpu.memory_space<vmem_shared>>)
      }
      %scan3A_14 = arith.constant 40 : i32
      tpu.yield
    }) : () -> ()
    %barrier3A_5 = arith.constant 0 : index
    tpu.barrier barrier_id(%barrier3A_5)
    "tpu.region"() ({
      %run_scoped3A = tpu.sem_alloc : memref<!tpu.dma_semaphore, #tpu.memory_space<semaphore_mem>>
      %dma_start3A = arith.constant 0 : i32
      %dma_start3A_6 = tpu.memref_slice %arg5[%arg0, %mul3A_2, %dma_start3A] : memref<2x10240x128xf32, #tpu.memory_space<hbm>> -> memref<1x640x128xf32, #tpu.memory_space<hbm>>
      %dma_start3A_7 = tpu.memref_squeeze %dma_start3A_6 : memref<1x640x128xf32, #tpu.memory_space<hbm>> -> memref<640x128xf32, #tpu.memory_space<hbm>>
      %dma_start3A_8 = arith.constant 0 : i32
      %dma_start3A_9 = tpu.memref_slice %arg8[%mul3A_2, %dma_start3A_8] : memref<10240x128xf32, #tpu.memory_space<vmem_shared>> -> memref<640x128xf32, #tpu.memory_space<vmem_shared>>
      tpu.enqueue_dma source(%dma_start3A_9 : memref<640x128xf32, #tpu.memory_space<vmem_shared>>) target(%dma_start3A_7 : memref<640x128xf32, #tpu.memory_space<hbm>>) target_semaphore(%run_scoped3A : memref<!tpu.dma_semaphore, #tpu.memory_space<semaphore_mem>>)
      %dma_wait3A = arith.constant 0 : i32
      %dma_wait3A_10 = tpu.memref_slice %arg5[%arg0, %mul3A_2, %dma_wait3A] : memref<2x10240x128xf32, #tpu.memory_space<hbm>> -> memref<1x640x128xf32, #tpu.memory_space<hbm>>
      %dma_wait3A_11 = tpu.memref_squeeze %dma_wait3A_10 : memref<1x640x128xf32, #tpu.memory_space<hbm>> -> memref<640x128xf32, #tpu.memory_space<hbm>>
      %dma_wait3A_12 = arith.constant 0 : i32
      %dma_wait3A_13 = tpu.memref_slice %arg8[%mul3A_2, %dma_wait3A_12] : memref<10240x128xf32, #tpu.memory_space<vmem_shared>> -> memref<640x128xf32, #tpu.memory_space<vmem_shared>>
      tpu.wait_dma2 semaphore(%run_scoped3A : memref<!tpu.dma_semaphore, #tpu.memory_space<semaphore_mem>>) src(%dma_wait3A_13 : memref<640x128xf32, #tpu.memory_space<vmem_shared>>) dst(%dma_wait3A_11 : memref<640x128xf32, #tpu.memory_space<hbm>>)
      tpu.yield
    }) : () -> ()
    return
  }
}

#map = affine_map<(d0, d1) -> (0, 0)>
#map1 = affine_map<(d0, d1) -> (0, 0, 0)>
module attributes {stable_mosaic.version = 14 : i64} {
  func.func @_agg_kernel(%arg0: i32, %arg1: i32, %arg2: memref<20480x128xf32, #tpu.memory_space<hbm>>, %arg3: memref<2x1280x128xi32, #tpu.memory_space<hbm>>, %arg4: memref<1280x128xi32, #tpu.memory_space<hbm>>, %arg5: memref<2x10240x128xf32, #tpu.memory_space<hbm>>, %arg6: memref<40x128xi32, #tpu.memory_space<vmem>>, %arg7: memref<40x128xi32, #tpu.memory_space<vmem>>, %arg8: memref<2x128x128xf32, #tpu.memory_space<vmem>>, %arg9: memref<10240x128xf32, #tpu.memory_space<vmem_shared>>) attributes {dimension_semantics = [#tpu.dimension_semantics<core_parallel>, #tpu.dimension_semantics<subcore_parallel>], iteration_bounds = array<i64: 2, 16>, scalar_prefetch = 0 : i64, scratch_operands = 4 : i64, tpu.core_type = #tpu.core_type<sc_vector_subcore>, window_params = [{transform_indices = #map}, {transform_indices = #map1}, {transform_indices = #map}, {transform_indices = #map1}]} {
    %mul3A = arith.constant 640 : i32
    %mul3A_0 = arith.muli %arg1, %mul3A : i32
    %mul3A_1 = arith.constant 10240 : i32
    %mul3A_2 = arith.muli %arg0, %mul3A_1 : i32
    %add3A = arith.addi %mul3A_2, %mul3A_0 : i32
    "tpu.region"() ({
      %run_scoped3A = tpu.sem_alloc : memref<!tpu.dma_semaphore, #tpu.memory_space<semaphore_mem>>
      %dma_start3A = arith.constant 0 : i32
      %dma_start3A_4 = tpu.memref_slice %arg9[%mul3A_0, %dma_start3A] : memref<10240x128xf32, #tpu.memory_space<vmem_shared>> -> memref<640x128xf32, #tpu.memory_space<vmem_shared>>
      %dma_start3A_5 = arith.constant 0 : i32
      %dma_start3A_6 = tpu.memref_slice %arg2[%add3A, %dma_start3A_5] : memref<20480x128xf32, #tpu.memory_space<hbm>> -> memref<640x128xf32, #tpu.memory_space<hbm>>
      tpu.enqueue_dma source(%dma_start3A_6 : memref<640x128xf32, #tpu.memory_space<hbm>>) target(%dma_start3A_4 : memref<640x128xf32, #tpu.memory_space<vmem_shared>>) target_semaphore(%run_scoped3A : memref<!tpu.dma_semaphore, #tpu.memory_space<semaphore_mem>>)
      %dma_wait3A = arith.constant 0 : i32
      %dma_wait3A_7 = tpu.memref_slice %arg9[%mul3A_0, %dma_wait3A] : memref<10240x128xf32, #tpu.memory_space<vmem_shared>> -> memref<640x128xf32, #tpu.memory_space<vmem_shared>>
      %dma_wait3A_8 = arith.constant 0 : i32
      %dma_wait3A_9 = tpu.memref_slice %arg2[%add3A, %dma_wait3A_8] : memref<20480x128xf32, #tpu.memory_space<hbm>> -> memref<640x128xf32, #tpu.memory_space<hbm>>
      tpu.wait_dma2 semaphore(%run_scoped3A : memref<!tpu.dma_semaphore, #tpu.memory_space<semaphore_mem>>) src(%dma_wait3A_9 : memref<640x128xf32, #tpu.memory_space<hbm>>) dst(%dma_wait3A_7 : memref<640x128xf32, #tpu.memory_space<vmem_shared>>)
      tpu.yield
    }) : () -> ()
    %barrier3A = arith.constant 0 : index
    tpu.barrier barrier_id(%barrier3A)
    "tpu.region"() ({
      %run_scoped3A = tpu.sem_alloc : memref<!tpu.dma_semaphore, #tpu.memory_space<semaphore_mem>>
      %run_scoped3A_4 = tpu.sem_alloc : memref<!tpu.dma_semaphore, #tpu.memory_space<semaphore_mem>>
      %mul3A_5 = arith.constant 80 : i32
      %mul3A_6 = arith.muli %arg1, %mul3A_5 : i32
      %add3A_7 = arith.constant 0 : i32
      %add3A_8 = arith.addi %mul3A_6, %add3A_7 : i32
      "tpu.region"() ({
        %run_scoped3A_212 = tpu.sem_alloc : memref<!tpu.dma_semaphore, #tpu.memory_space<semaphore_mem>>
        %dma_start3A_213 = arith.constant 0 : i32
        %dma_start3A_214 = tpu.memref_slice %arg3[%arg0, %add3A_8, %dma_start3A_213] : memref<2x1280x128xi32, #tpu.memory_space<hbm>> -> memref<1x40x128xi32, #tpu.memory_space<hbm>>
        %dma_start3A_215 = tpu.memref_squeeze %dma_start3A_214 : memref<1x40x128xi32, #tpu.memory_space<hbm>> -> memref<40x128xi32, #tpu.memory_space<hbm>>
        %dma_start3A_216 = arith.constant 0 : i32
        %dma_start3A_217 = tpu.memref_slice %arg3[%arg0, %add3A_8, %dma_start3A_216] : memref<2x1280x128xi32, #tpu.memory_space<hbm>> -> memref<1x40x128xi32, #tpu.memory_space<hbm>>
        %dma_start3A_218 = tpu.memref_squeeze %dma_start3A_217 : memref<1x40x128xi32, #tpu.memory_space<hbm>> -> memref<40x128xi32, #tpu.memory_space<hbm>>
        tpu.enqueue_dma source(%dma_start3A_218 : memref<40x128xi32, #tpu.memory_space<hbm>>) target(%arg6 : memref<40x128xi32, #tpu.memory_space<vmem>>) target_semaphore(%run_scoped3A_212 : memref<!tpu.dma_semaphore, #tpu.memory_space<semaphore_mem>>)
        %dma_wait3A_219 = arith.constant 0 : i32
        %dma_wait3A_220 = tpu.memref_slice %arg3[%arg0, %add3A_8, %dma_wait3A_219] : memref<2x1280x128xi32, #tpu.memory_space<hbm>> -> memref<1x40x128xi32, #tpu.memory_space<hbm>>
        %dma_wait3A_221 = tpu.memref_squeeze %dma_wait3A_220 : memref<1x40x128xi32, #tpu.memory_space<hbm>> -> memref<40x128xi32, #tpu.memory_space<hbm>>
        %dma_wait3A_222 = arith.constant 0 : i32
        %dma_wait3A_223 = tpu.memref_slice %arg3[%arg0, %add3A_8, %dma_wait3A_222] : memref<2x1280x128xi32, #tpu.memory_space<hbm>> -> memref<1x40x128xi32, #tpu.memory_space<hbm>>
        %dma_wait3A_224 = tpu.memref_squeeze %dma_wait3A_223 : memref<1x40x128xi32, #tpu.memory_space<hbm>> -> memref<40x128xi32, #tpu.memory_space<hbm>>
        tpu.wait_dma2 semaphore(%run_scoped3A_212 : memref<!tpu.dma_semaphore, #tpu.memory_space<semaphore_mem>>) src(%dma_wait3A_224 : memref<40x128xi32, #tpu.memory_space<hbm>>) dst(%arg6 : memref<40x128xi32, #tpu.memory_space<vmem>>)
        tpu.yield
      }) : () -> ()
      "tpu.region"() ({
        %run_scoped3A_212 = tpu.sem_alloc : memref<!tpu.dma_semaphore, #tpu.memory_space<semaphore_mem>>
        %dma_start3A_213 = arith.constant 0 : i32
        %dma_start3A_214 = tpu.memref_slice %arg4[%add3A_8, %dma_start3A_213] : memref<1280x128xi32, #tpu.memory_space<hbm>> -> memref<40x128xi32, #tpu.memory_space<hbm>>
        %dma_start3A_215 = arith.constant 0 : i32
        %dma_start3A_216 = tpu.memref_slice %arg4[%add3A_8, %dma_start3A_215] : memref<1280x128xi32, #tpu.memory_space<hbm>> -> memref<40x128xi32, #tpu.memory_space<hbm>>
        tpu.enqueue_dma source(%dma_start3A_216 : memref<40x128xi32, #tpu.memory_space<hbm>>) target(%arg7 : memref<40x128xi32, #tpu.memory_space<vmem>>) target_semaphore(%run_scoped3A_212 : memref<!tpu.dma_semaphore, #tpu.memory_space<semaphore_mem>>)
        %dma_wait3A_217 = arith.constant 0 : i32
        %dma_wait3A_218 = tpu.memref_slice %arg4[%add3A_8, %dma_wait3A_217] : memref<1280x128xi32, #tpu.memory_space<hbm>> -> memref<40x128xi32, #tpu.memory_space<hbm>>
        %dma_wait3A_219 = arith.constant 0 : i32
        %dma_wait3A_220 = tpu.memref_slice %arg4[%add3A_8, %dma_wait3A_219] : memref<1280x128xi32, #tpu.memory_space<hbm>> -> memref<40x128xi32, #tpu.memory_space<hbm>>
        tpu.wait_dma2 semaphore(%run_scoped3A_212 : memref<!tpu.dma_semaphore, #tpu.memory_space<semaphore_mem>>) src(%dma_wait3A_220 : memref<40x128xi32, #tpu.memory_space<hbm>>) dst(%arg7 : memref<40x128xi32, #tpu.memory_space<vmem>>)
        tpu.yield
      }) : () -> ()
      %dma_start3A = arith.constant 0 : i32
      %dma_start3A_9 = arith.constant 0 : i32
      %dma_start3A_10 = arith.constant 0 : i32
      %dma_start3A_11 = arith.constant 0 : i32
      %dma_start3A_12 = tpu.memref_slice %arg8[%dma_start3A_9, %dma_start3A_10, %dma_start3A_11] : memref<2x128x128xf32, #tpu.memory_space<vmem>> -> memref<1x128x128xf32, #tpu.memory_space<vmem>>
      %dma_start3A_13 = tpu.memref_squeeze %dma_start3A_12 : memref<1x128x128xf32, #tpu.memory_space<vmem>> -> memref<128x128xf32, #tpu.memory_space<vmem>>
      %dma_start3A_14 = arith.constant 0 : i32
      %dma_start3A_15 = tpu.memref_slice %arg6[%dma_start3A, %dma_start3A_14] : memref<40x128xi32, #tpu.memory_space<vmem>> -> memref<1x128xi32, #tpu.memory_space<vmem>>
      %dma_start3A_16 = tpu.memref_squeeze %dma_start3A_15 : memref<1x128xi32, #tpu.memory_space<vmem>> -> memref<128xi32, #tpu.memory_space<vmem>>
      %dma_start3A_17 = arith.constant 0 : i32
      %dma_start3A_18 = arith.constant 0 : i32
      %dma_start3A_19 = tpu.memref_slice %arg2[%dma_start3A_17, %dma_start3A_18] : memref<20480x128xf32, #tpu.memory_space<hbm>> -> memref<20480x128xf32, #tpu.memory_space<hbm>>
      tpu.enqueue_indirect_dma source(%dma_start3A_19 : memref<20480x128xf32, #tpu.memory_space<hbm>>) target(%dma_start3A_13 : memref<128x128xf32, #tpu.memory_space<vmem>>) offsets(%dma_start3A_16 : memref<128xi32, #tpu.memory_space<vmem>>) semaphore(%run_scoped3A : memref<!tpu.dma_semaphore, #tpu.memory_space<semaphore_mem>>)
      %dma_start3A_20 = arith.constant 1 : i32
      %dma_start3A_21 = arith.constant 1 : i32
      %dma_start3A_22 = arith.constant 0 : i32
      %dma_start3A_23 = arith.constant 0 : i32
      %dma_start3A_24 = tpu.memref_slice %arg8[%dma_start3A_21, %dma_start3A_22, %dma_start3A_23] : memref<2x128x128xf32, #tpu.memory_space<vmem>> -> memref<1x128x128xf32, #tpu.memory_space<vmem>>
      %dma_start3A_25 = tpu.memref_squeeze %dma_start3A_24 : memref<1x128x128xf32, #tpu.memory_space<vmem>> -> memref<128x128xf32, #tpu.memory_space<vmem>>
      %dma_start3A_26 = arith.constant 0 : i32
      %dma_start3A_27 = tpu.memref_slice %arg6[%dma_start3A_20, %dma_start3A_26] : memref<40x128xi32, #tpu.memory_space<vmem>> -> memref<1x128xi32, #tpu.memory_space<vmem>>
      %dma_start3A_28 = tpu.memref_squeeze %dma_start3A_27 : memref<1x128xi32, #tpu.memory_space<vmem>> -> memref<128xi32, #tpu.memory_space<vmem>>
      %dma_start3A_29 = arith.constant 0 : i32
      %dma_start3A_30 = arith.constant 0 : i32
      %dma_start3A_31 = tpu.memref_slice %arg2[%dma_start3A_29, %dma_start3A_30] : memref<20480x128xf32, #tpu.memory_space<hbm>> -> memref<20480x128xf32, #tpu.memory_space<hbm>>
      tpu.enqueue_indirect_dma source(%dma_start3A_31 : memref<20480x128xf32, #tpu.memory_space<hbm>>) target(%dma_start3A_25 : memref<128x128xf32, #tpu.memory_space<vmem>>) offsets(%dma_start3A_28 : memref<128xi32, #tpu.memory_space<vmem>>) semaphore(%run_scoped3A : memref<!tpu.dma_semaphore, #tpu.memory_space<semaphore_mem>>)
      %dma_wait3A = arith.constant 0 : i32
      %dma_wait3A_32 = arith.constant 0 : i32
      %dma_wait3A_33 = arith.constant 0 : i32
      %dma_wait3A_34 = arith.constant 0 : i32
      %dma_wait3A_35 = tpu.memref_slice %arg8[%dma_wait3A_32, %dma_wait3A_33, %dma_wait3A_34] : memref<2x128x128xf32, #tpu.memory_space<vmem>> -> memref<1x128x128xf32, #tpu.memory_space<vmem>>
      %dma_wait3A_36 = tpu.memref_squeeze %dma_wait3A_35 : memref<1x128x128xf32, #tpu.memory_space<vmem>> -> memref<128x128xf32, #tpu.memory_space<vmem>>
      %dma_wait3A_37 = arith.constant 0 : i32
      %dma_wait3A_38 = tpu.memref_slice %arg6[%dma_wait3A, %dma_wait3A_37] : memref<40x128xi32, #tpu.memory_space<vmem>> -> memref<1x128xi32, #tpu.memory_space<vmem>>
      %dma_wait3A_39 = tpu.memref_squeeze %dma_wait3A_38 : memref<1x128xi32, #tpu.memory_space<vmem>> -> memref<128xi32, #tpu.memory_space<vmem>>
      %dma_wait3A_40 = arith.constant 0 : i32
      %dma_wait3A_41 = arith.constant 0 : i32
      %dma_wait3A_42 = tpu.memref_slice %arg2[%dma_wait3A_40, %dma_wait3A_41] : memref<20480x128xf32, #tpu.memory_space<hbm>> -> memref<20480x128xf32, #tpu.memory_space<hbm>>
      tpu.wait_indirect_dma semaphore(%run_scoped3A : memref<!tpu.dma_semaphore, #tpu.memory_space<semaphore_mem>>) src(%dma_wait3A_42 : memref<20480x128xf32, #tpu.memory_space<hbm>>) dst(%dma_wait3A_36 : memref<128x128xf32, #tpu.memory_space<vmem>>)
      %dma_start3A_43 = arith.constant 0 : i32
      %dma_start3A_44 = arith.constant 0 : i32
      %dma_start3A_45 = arith.constant 0 : i32
      %dma_start3A_46 = arith.constant 0 : i32
      %dma_start3A_47 = tpu.memref_slice %arg8[%dma_start3A_43, %dma_start3A_45, %dma_start3A_46] : memref<2x128x128xf32, #tpu.memory_space<vmem>> -> memref<1x128x128xf32, #tpu.memory_space<vmem>>
      %dma_start3A_48 = tpu.memref_squeeze %dma_start3A_47 : memref<1x128x128xf32, #tpu.memory_space<vmem>> -> memref<128x128xf32, #tpu.memory_space<vmem>>
      %dma_start3A_49 = arith.constant 0 : i32
      %dma_start3A_50 = tpu.memref_slice %arg7[%dma_start3A_44, %dma_start3A_49] : memref<40x128xi32, #tpu.memory_space<vmem>> -> memref<1x128xi32, #tpu.memory_space<vmem>>
      %dma_start3A_51 = tpu.memref_squeeze %dma_start3A_50 : memref<1x128xi32, #tpu.memory_space<vmem>> -> memref<128xi32, #tpu.memory_space<vmem>>
      %dma_start3A_52 = arith.constant 0 : i32
      %dma_start3A_53 = arith.constant 0 : i32
      %dma_start3A_54 = tpu.memref_slice %arg9[%dma_start3A_52, %dma_start3A_53] : memref<10240x128xf32, #tpu.memory_space<vmem_shared>> -> memref<10240x128xf32, #tpu.memory_space<vmem_shared>>
      tpu.enqueue_indirect_dma source(%dma_start3A_48 : memref<128x128xf32, #tpu.memory_space<vmem>>) target(%dma_start3A_54 : memref<10240x128xf32, #tpu.memory_space<vmem_shared>>) offsets(%dma_start3A_51 : memref<128xi32, #tpu.memory_space<vmem>>) semaphore(%run_scoped3A_4 : memref<!tpu.dma_semaphore, #tpu.memory_space<semaphore_mem>>) {add = true}
      %dma_wait3A_55 = arith.constant 1 : i32
      %dma_wait3A_56 = arith.constant 1 : i32
      %dma_wait3A_57 = arith.constant 0 : i32
      %dma_wait3A_58 = arith.constant 0 : i32
      %dma_wait3A_59 = tpu.memref_slice %arg8[%dma_wait3A_56, %dma_wait3A_57, %dma_wait3A_58] : memref<2x128x128xf32, #tpu.memory_space<vmem>> -> memref<1x128x128xf32, #tpu.memory_space<vmem>>
      %dma_wait3A_60 = tpu.memref_squeeze %dma_wait3A_59 : memref<1x128x128xf32, #tpu.memory_space<vmem>> -> memref<128x128xf32, #tpu.memory_space<vmem>>
      %dma_wait3A_61 = arith.constant 0 : i32
      %dma_wait3A_62 = tpu.memref_slice %arg6[%dma_wait3A_55, %dma_wait3A_61] : memref<40x128xi32, #tpu.memory_space<vmem>> -> memref<1x128xi32, #tpu.memory_space<vmem>>
      %dma_wait3A_63 = tpu.memref_squeeze %dma_wait3A_62 : memref<1x128xi32, #tpu.memory_space<vmem>> -> memref<128xi32, #tpu.memory_space<vmem>>
      %dma_wait3A_64 = arith.constant 0 : i32
      %dma_wait3A_65 = arith.constant 0 : i32
      %dma_wait3A_66 = tpu.memref_slice %arg2[%dma_wait3A_64, %dma_wait3A_65] : memref<20480x128xf32, #tpu.memory_space<hbm>> -> memref<20480x128xf32, #tpu.memory_space<hbm>>
      tpu.wait_indirect_dma semaphore(%run_scoped3A : memref<!tpu.dma_semaphore, #tpu.memory_space<semaphore_mem>>) src(%dma_wait3A_66 : memref<20480x128xf32, #tpu.memory_space<hbm>>) dst(%dma_wait3A_60 : memref<128x128xf32, #tpu.memory_space<vmem>>)
      %dma_start3A_67 = arith.constant 1 : i32
      %dma_start3A_68 = arith.constant 1 : i32
      %dma_start3A_69 = arith.constant 0 : i32
      %dma_start3A_70 = arith.constant 0 : i32
      %dma_start3A_71 = tpu.memref_slice %arg8[%dma_start3A_67, %dma_start3A_69, %dma_start3A_70] : memref<2x128x128xf32, #tpu.memory_space<vmem>> -> memref<1x128x128xf32, #tpu.memory_space<vmem>>
      %dma_start3A_72 = tpu.memref_squeeze %dma_start3A_71 : memref<1x128x128xf32, #tpu.memory_space<vmem>> -> memref<128x128xf32, #tpu.memory_space<vmem>>
      %dma_start3A_73 = arith.constant 0 : i32
      %dma_start3A_74 = tpu.memref_slice %arg7[%dma_start3A_68, %dma_start3A_73] : memref<40x128xi32, #tpu.memory_space<vmem>> -> memref<1x128xi32, #tpu.memory_space<vmem>>
      %dma_start3A_75 = tpu.memref_squeeze %dma_start3A_74 : memref<1x128xi32, #tpu.memory_space<vmem>> -> memref<128xi32, #tpu.memory_space<vmem>>
      %dma_start3A_76 = arith.constant 0 : i32
      %dma_start3A_77 = arith.constant 0 : i32
      %dma_start3A_78 = tpu.memref_slice %arg9[%dma_start3A_76, %dma_start3A_77] : memref<10240x128xf32, #tpu.memory_space<vmem_shared>> -> memref<10240x128xf32, #tpu.memory_space<vmem_shared>>
      tpu.enqueue_indirect_dma source(%dma_start3A_72 : memref<128x128xf32, #tpu.memory_space<vmem>>) target(%dma_start3A_78 : memref<10240x128xf32, #tpu.memory_space<vmem_shared>>) offsets(%dma_start3A_75 : memref<128xi32, #tpu.memory_space<vmem>>) semaphore(%run_scoped3A_4 : memref<!tpu.dma_semaphore, #tpu.memory_space<semaphore_mem>>) {add = true}
      %scan3A = arith.constant 0 : i32
      %scan3A_79 = arith.constant 19 : i32
      %scan3A_80 = arith.addi %scan3A, %scan3A_79 : i32
      %scan3A_81 = arith.constant 1 : i32
      scf.for %scan3A_212 = %scan3A to %scan3A_80 step %scan3A_81  : i32 {
        %mul3A_213 = arith.constant 1 : i32
        %mul3A_214 = arith.muli %scan3A_212, %mul3A_213 : i32
        %add3A_215 = arith.constant 1 : i32
        %add3A_216 = arith.addi %add3A_215, %mul3A_214 : i32
        %mul3A_217 = arith.constant 2 : i32
        %mul3A_218 = arith.muli %add3A_216, %mul3A_217 : i32
        %add3A_219 = arith.constant 0 : i32
        %add3A_220 = arith.addi %mul3A_218, %add3A_219 : i32
        %sub3A = arith.constant 2 : i32
        %sub3A_221 = arith.subi %add3A_220, %sub3A : i32
        %dma_wait3A_222 = arith.constant 0 : i32
        %dma_wait3A_223 = arith.constant 0 : i32
        %dma_wait3A_224 = arith.constant 0 : i32
        %dma_wait3A_225 = tpu.memref_slice %arg8[%dma_wait3A_222, %dma_wait3A_223, %dma_wait3A_224] : memref<2x128x128xf32, #tpu.memory_space<vmem>> -> memref<1x128x128xf32, #tpu.memory_space<vmem>>
        %dma_wait3A_226 = tpu.memref_squeeze %dma_wait3A_225 : memref<1x128x128xf32, #tpu.memory_space<vmem>> -> memref<128x128xf32, #tpu.memory_space<vmem>>
        %dma_wait3A_227 = arith.constant 0 : i32
        %dma_wait3A_228 = tpu.memref_slice %arg7[%sub3A_221, %dma_wait3A_227] : memref<40x128xi32, #tpu.memory_space<vmem>> -> memref<1x128xi32, #tpu.memory_space<vmem>>
        %dma_wait3A_229 = tpu.memref_squeeze %dma_wait3A_228 : memref<1x128xi32, #tpu.memory_space<vmem>> -> memref<128xi32, #tpu.memory_space<vmem>>
        %dma_wait3A_230 = arith.constant 0 : i32
        %dma_wait3A_231 = arith.constant 0 : i32
        %dma_wait3A_232 = tpu.memref_slice %arg9[%dma_wait3A_230, %dma_wait3A_231] : memref<10240x128xf32, #tpu.memory_space<vmem_shared>> -> memref<10240x128xf32, #tpu.memory_space<vmem_shared>>
        tpu.wait_indirect_dma semaphore(%run_scoped3A_4 : memref<!tpu.dma_semaphore, #tpu.memory_space<semaphore_mem>>) src(%dma_wait3A_226 : memref<128x128xf32, #tpu.memory_space<vmem>>) dst(%dma_wait3A_232 : memref<10240x128xf32, #tpu.memory_space<vmem_shared>>)
        %dma_start3A_233 = arith.constant 0 : i32
        %dma_start3A_234 = arith.constant 0 : i32
        %dma_start3A_235 = arith.constant 0 : i32
        %dma_start3A_236 = tpu.memref_slice %arg8[%dma_start3A_233, %dma_start3A_234, %dma_start3A_235] : memref<2x128x128xf32, #tpu.memory_space<vmem>> -> memref<1x128x128xf32, #tpu.memory_space<vmem>>
        %dma_start3A_237 = tpu.memref_squeeze %dma_start3A_236 : memref<1x128x128xf32, #tpu.memory_space<vmem>> -> memref<128x128xf32, #tpu.memory_space<vmem>>
        %dma_start3A_238 = arith.constant 0 : i32
        %dma_start3A_239 = tpu.memref_slice %arg6[%add3A_220, %dma_start3A_238] : memref<40x128xi32, #tpu.memory_space<vmem>> -> memref<1x128xi32, #tpu.memory_space<vmem>>
        %dma_start3A_240 = tpu.memref_squeeze %dma_start3A_239 : memref<1x128xi32, #tpu.memory_space<vmem>> -> memref<128xi32, #tpu.memory_space<vmem>>
        %dma_start3A_241 = arith.constant 0 : i32
        %dma_start3A_242 = arith.constant 0 : i32
        %dma_start3A_243 = tpu.memref_slice %arg2[%dma_start3A_241, %dma_start3A_242] : memref<20480x128xf32, #tpu.memory_space<hbm>> -> memref<20480x128xf32, #tpu.memory_space<hbm>>
        tpu.enqueue_indirect_dma source(%dma_start3A_243 : memref<20480x128xf32, #tpu.memory_space<hbm>>) target(%dma_start3A_237 : memref<128x128xf32, #tpu.memory_space<vmem>>) offsets(%dma_start3A_240 : memref<128xi32, #tpu.memory_space<vmem>>) semaphore(%run_scoped3A : memref<!tpu.dma_semaphore, #tpu.memory_space<semaphore_mem>>)
        %dma_wait3A_244 = arith.constant 0 : i32
        %dma_wait3A_245 = arith.constant 0 : i32
        %dma_wait3A_246 = arith.constant 0 : i32
        %dma_wait3A_247 = tpu.memref_slice %arg8[%dma_wait3A_244, %dma_wait3A_245, %dma_wait3A_246] : memref<2x128x128xf32, #tpu.memory_space<vmem>> -> memref<1x128x128xf32, #tpu.memory_space<vmem>>
        %dma_wait3A_248 = tpu.memref_squeeze %dma_wait3A_247 : memref<1x128x128xf32, #tpu.memory_space<vmem>> -> memref<128x128xf32, #tpu.memory_space<vmem>>
        %dma_wait3A_249 = arith.constant 0 : i32
        %dma_wait3A_250 = tpu.memref_slice %arg6[%add3A_220, %dma_wait3A_249] : memref<40x128xi32, #tpu.memory_space<vmem>> -> memref<1x128xi32, #tpu.memory_space<vmem>>
        %dma_wait3A_251 = tpu.memref_squeeze %dma_wait3A_250 : memref<1x128xi32, #tpu.memory_space<vmem>> -> memref<128xi32, #tpu.memory_space<vmem>>
        %dma_wait3A_252 = arith.constant 0 : i32
        %dma_wait3A_253 = arith.constant 0 : i32
        %dma_wait3A_254 = tpu.memref_slice %arg2[%dma_wait3A_252, %dma_wait3A_253] : memref<20480x128xf32, #tpu.memory_space<hbm>> -> memref<20480x128xf32, #tpu.memory_space<hbm>>
        tpu.wait_indirect_dma semaphore(%run_scoped3A : memref<!tpu.dma_semaphore, #tpu.memory_space<semaphore_mem>>) src(%dma_wait3A_254 : memref<20480x128xf32, #tpu.memory_space<hbm>>) dst(%dma_wait3A_248 : memref<128x128xf32, #tpu.memory_space<vmem>>)
        %dma_start3A_255 = arith.constant 0 : i32
        %dma_start3A_256 = arith.constant 0 : i32
        %dma_start3A_257 = arith.constant 0 : i32
        %dma_start3A_258 = tpu.memref_slice %arg8[%dma_start3A_255, %dma_start3A_256, %dma_start3A_257] : memref<2x128x128xf32, #tpu.memory_space<vmem>> -> memref<1x128x128xf32, #tpu.memory_space<vmem>>
        %dma_start3A_259 = tpu.memref_squeeze %dma_start3A_258 : memref<1x128x128xf32, #tpu.memory_space<vmem>> -> memref<128x128xf32, #tpu.memory_space<vmem>>
        %dma_start3A_260 = arith.constant 0 : i32
        %dma_start3A_261 = tpu.memref_slice %arg7[%add3A_220, %dma_start3A_260] : memref<40x128xi32, #tpu.memory_space<vmem>> -> memref<1x128xi32, #tpu.memory_space<vmem>>
        %dma_start3A_262 = tpu.memref_squeeze %dma_start3A_261 : memref<1x128xi32, #tpu.memory_space<vmem>> -> memref<128xi32, #tpu.memory_space<vmem>>
        %dma_start3A_263 = arith.constant 0 : i32
        %dma_start3A_264 = arith.constant 0 : i32
        %dma_start3A_265 = tpu.memref_slice %arg9[%dma_start3A_263, %dma_start3A_264] : memref<10240x128xf32, #tpu.memory_space<vmem_shared>> -> memref<10240x128xf32, #tpu.memory_space<vmem_shared>>
        tpu.enqueue_indirect_dma source(%dma_start3A_259 : memref<128x128xf32, #tpu.memory_space<vmem>>) target(%dma_start3A_265 : memref<10240x128xf32, #tpu.memory_space<vmem_shared>>) offsets(%dma_start3A_262 : memref<128xi32, #tpu.memory_space<vmem>>) semaphore(%run_scoped3A_4 : memref<!tpu.dma_semaphore, #tpu.memory_space<semaphore_mem>>) {add = true}
        %add3A_266 = arith.constant 1 : i32
        %add3A_267 = arith.addi %mul3A_218, %add3A_266 : i32
        %sub3A_268 = arith.constant 2 : i32
        %sub3A_269 = arith.subi %add3A_267, %sub3A_268 : i32
        %dma_wait3A_270 = arith.constant 1 : i32
        %dma_wait3A_271 = arith.constant 0 : i32
        %dma_wait3A_272 = arith.constant 0 : i32
        %dma_wait3A_273 = tpu.memref_slice %arg8[%dma_wait3A_270, %dma_wait3A_271, %dma_wait3A_272] : memref<2x128x128xf32, #tpu.memory_space<vmem>> -> memref<1x128x128xf32, #tpu.memory_space<vmem>>
        %dma_wait3A_274 = tpu.memref_squeeze %dma_wait3A_273 : memref<1x128x128xf32, #tpu.memory_space<vmem>> -> memref<128x128xf32, #tpu.memory_space<vmem>>
        %dma_wait3A_275 = arith.constant 0 : i32
        %dma_wait3A_276 = tpu.memref_slice %arg7[%sub3A_269, %dma_wait3A_275] : memref<40x128xi32, #tpu.memory_space<vmem>> -> memref<1x128xi32, #tpu.memory_space<vmem>>
        %dma_wait3A_277 = tpu.memref_squeeze %dma_wait3A_276 : memref<1x128xi32, #tpu.memory_space<vmem>> -> memref<128xi32, #tpu.memory_space<vmem>>
        %dma_wait3A_278 = arith.constant 0 : i32
        %dma_wait3A_279 = arith.constant 0 : i32
        %dma_wait3A_280 = tpu.memref_slice %arg9[%dma_wait3A_278, %dma_wait3A_279] : memref<10240x128xf32, #tpu.memory_space<vmem_shared>> -> memref<10240x128xf32, #tpu.memory_space<vmem_shared>>
        tpu.wait_indirect_dma semaphore(%run_scoped3A_4 : memref<!tpu.dma_semaphore, #tpu.memory_space<semaphore_mem>>) src(%dma_wait3A_274 : memref<128x128xf32, #tpu.memory_space<vmem>>) dst(%dma_wait3A_280 : memref<10240x128xf32, #tpu.memory_space<vmem_shared>>)
        %dma_start3A_281 = arith.constant 1 : i32
        %dma_start3A_282 = arith.constant 0 : i32
        %dma_start3A_283 = arith.constant 0 : i32
        %dma_start3A_284 = tpu.memref_slice %arg8[%dma_start3A_281, %dma_start3A_282, %dma_start3A_283] : memref<2x128x128xf32, #tpu.memory_space<vmem>> -> memref<1x128x128xf32, #tpu.memory_space<vmem>>
        %dma_start3A_285 = tpu.memref_squeeze %dma_start3A_284 : memref<1x128x128xf32, #tpu.memory_space<vmem>> -> memref<128x128xf32, #tpu.memory_space<vmem>>
        %dma_start3A_286 = arith.constant 0 : i32
        %dma_start3A_287 = tpu.memref_slice %arg6[%add3A_267, %dma_start3A_286] : memref<40x128xi32, #tpu.memory_space<vmem>> -> memref<1x128xi32, #tpu.memory_space<vmem>>
        %dma_start3A_288 = tpu.memref_squeeze %dma_start3A_287 : memref<1x128xi32, #tpu.memory_space<vmem>> -> memref<128xi32, #tpu.memory_space<vmem>>
        %dma_start3A_289 = arith.constant 0 : i32
        %dma_start3A_290 = arith.constant 0 : i32
        %dma_start3A_291 = tpu.memref_slice %arg2[%dma_start3A_289, %dma_start3A_290] : memref<20480x128xf32, #tpu.memory_space<hbm>> -> memref<20480x128xf32, #tpu.memory_space<hbm>>
        tpu.enqueue_indirect_dma source(%dma_start3A_291 : memref<20480x128xf32, #tpu.memory_space<hbm>>) target(%dma_start3A_285 : memref<128x128xf32, #tpu.memory_space<vmem>>) offsets(%dma_start3A_288 : memref<128xi32, #tpu.memory_space<vmem>>) semaphore(%run_scoped3A : memref<!tpu.dma_semaphore, #tpu.memory_space<semaphore_mem>>)
        %dma_wait3A_292 = arith.constant 1 : i32
        %dma_wait3A_293 = arith.constant 0 : i32
        %dma_wait3A_294 = arith.constant 0 : i32
        %dma_wait3A_295 = tpu.memref_slice %arg8[%dma_wait3A_292, %dma_wait3A_293, %dma_wait3A_294] : memref<2x128x128xf32, #tpu.memory_space<vmem>> -> memref<1x128x128xf32, #tpu.memory_space<vmem>>
        %dma_wait3A_296 = tpu.memref_squeeze %dma_wait3A_295 : memref<1x128x128xf32, #tpu.memory_space<vmem>> -> memref<128x128xf32, #tpu.memory_space<vmem>>
        %dma_wait3A_297 = arith.constant 0 : i32
        %dma_wait3A_298 = tpu.memref_slice %arg6[%add3A_267, %dma_wait3A_297] : memref<40x128xi32, #tpu.memory_space<vmem>> -> memref<1x128xi32, #tpu.memory_space<vmem>>
        %dma_wait3A_299 = tpu.memref_squeeze %dma_wait3A_298 : memref<1x128xi32, #tpu.memory_space<vmem>> -> memref<128xi32, #tpu.memory_space<vmem>>
        %dma_wait3A_300 = arith.constant 0 : i32
        %dma_wait3A_301 = arith.constant 0 : i32
        %dma_wait3A_302 = tpu.memref_slice %arg2[%dma_wait3A_300, %dma_wait3A_301] : memref<20480x128xf32, #tpu.memory_space<hbm>> -> memref<20480x128xf32, #tpu.memory_space<hbm>>
        tpu.wait_indirect_dma semaphore(%run_scoped3A : memref<!tpu.dma_semaphore, #tpu.memory_space<semaphore_mem>>) src(%dma_wait3A_302 : memref<20480x128xf32, #tpu.memory_space<hbm>>) dst(%dma_wait3A_296 : memref<128x128xf32, #tpu.memory_space<vmem>>)
        %dma_start3A_303 = arith.constant 1 : i32
        %dma_start3A_304 = arith.constant 0 : i32
        %dma_start3A_305 = arith.constant 0 : i32
        %dma_start3A_306 = tpu.memref_slice %arg8[%dma_start3A_303, %dma_start3A_304, %dma_start3A_305] : memref<2x128x128xf32, #tpu.memory_space<vmem>> -> memref<1x128x128xf32, #tpu.memory_space<vmem>>
        %dma_start3A_307 = tpu.memref_squeeze %dma_start3A_306 : memref<1x128x128xf32, #tpu.memory_space<vmem>> -> memref<128x128xf32, #tpu.memory_space<vmem>>
        %dma_start3A_308 = arith.constant 0 : i32
        %dma_start3A_309 = tpu.memref_slice %arg7[%add3A_267, %dma_start3A_308] : memref<40x128xi32, #tpu.memory_space<vmem>> -> memref<1x128xi32, #tpu.memory_space<vmem>>
        %dma_start3A_310 = tpu.memref_squeeze %dma_start3A_309 : memref<1x128xi32, #tpu.memory_space<vmem>> -> memref<128xi32, #tpu.memory_space<vmem>>
        %dma_start3A_311 = arith.constant 0 : i32
        %dma_start3A_312 = arith.constant 0 : i32
        %dma_start3A_313 = tpu.memref_slice %arg9[%dma_start3A_311, %dma_start3A_312] : memref<10240x128xf32, #tpu.memory_space<vmem_shared>> -> memref<10240x128xf32, #tpu.memory_space<vmem_shared>>
        tpu.enqueue_indirect_dma source(%dma_start3A_307 : memref<128x128xf32, #tpu.memory_space<vmem>>) target(%dma_start3A_313 : memref<10240x128xf32, #tpu.memory_space<vmem_shared>>) offsets(%dma_start3A_310 : memref<128xi32, #tpu.memory_space<vmem>>) semaphore(%run_scoped3A_4 : memref<!tpu.dma_semaphore, #tpu.memory_space<semaphore_mem>>) {add = true}
      }
      %scan3A_82 = arith.constant 19 : i32
      %dma_wait3A_83 = arith.constant 0 : i32
      %dma_wait3A_84 = arith.constant 38 : i32
      %dma_wait3A_85 = arith.constant 0 : i32
      %dma_wait3A_86 = arith.constant 0 : i32
      %dma_wait3A_87 = tpu.memref_slice %arg8[%dma_wait3A_83, %dma_wait3A_85, %dma_wait3A_86] : memref<2x128x128xf32, #tpu.memory_space<vmem>> -> memref<1x128x128xf32, #tpu.memory_space<vmem>>
      %dma_wait3A_88 = tpu.memref_squeeze %dma_wait3A_87 : memref<1x128x128xf32, #tpu.memory_space<vmem>> -> memref<128x128xf32, #tpu.memory_space<vmem>>
      %dma_wait3A_89 = arith.constant 0 : i32
      %dma_wait3A_90 = tpu.memref_slice %arg7[%dma_wait3A_84, %dma_wait3A_89] : memref<40x128xi32, #tpu.memory_space<vmem>> -> memref<1x128xi32, #tpu.memory_space<vmem>>
      %dma_wait3A_91 = tpu.memref_squeeze %dma_wait3A_90 : memref<1x128xi32, #tpu.memory_space<vmem>> -> memref<128xi32, #tpu.memory_space<vmem>>
      %dma_wait3A_92 = arith.constant 0 : i32
      %dma_wait3A_93 = arith.constant 0 : i32
      %dma_wait3A_94 = tpu.memref_slice %arg9[%dma_wait3A_92, %dma_wait3A_93] : memref<10240x128xf32, #tpu.memory_space<vmem_shared>> -> memref<10240x128xf32, #tpu.memory_space<vmem_shared>>
      tpu.wait_indirect_dma semaphore(%run_scoped3A_4 : memref<!tpu.dma_semaphore, #tpu.memory_space<semaphore_mem>>) src(%dma_wait3A_88 : memref<128x128xf32, #tpu.memory_space<vmem>>) dst(%dma_wait3A_94 : memref<10240x128xf32, #tpu.memory_space<vmem_shared>>)
      %dma_wait3A_95 = arith.constant 1 : i32
      %dma_wait3A_96 = arith.constant 39 : i32
      %dma_wait3A_97 = arith.constant 0 : i32
      %dma_wait3A_98 = arith.constant 0 : i32
      %dma_wait3A_99 = tpu.memref_slice %arg8[%dma_wait3A_95, %dma_wait3A_97, %dma_wait3A_98] : memref<2x128x128xf32, #tpu.memory_space<vmem>> -> memref<1x128x128xf32, #tpu.memory_space<vmem>>
      %dma_wait3A_100 = tpu.memref_squeeze %dma_wait3A_99 : memref<1x128x128xf32, #tpu.memory_space<vmem>> -> memref<128x128xf32, #tpu.memory_space<vmem>>
      %dma_wait3A_101 = arith.constant 0 : i32
      %dma_wait3A_102 = tpu.memref_slice %arg7[%dma_wait3A_96, %dma_wait3A_101] : memref<40x128xi32, #tpu.memory_space<vmem>> -> memref<1x128xi32, #tpu.memory_space<vmem>>
      %dma_wait3A_103 = tpu.memref_squeeze %dma_wait3A_102 : memref<1x128xi32, #tpu.memory_space<vmem>> -> memref<128xi32, #tpu.memory_space<vmem>>
      %dma_wait3A_104 = arith.constant 0 : i32
      %dma_wait3A_105 = arith.constant 0 : i32
      %dma_wait3A_106 = tpu.memref_slice %arg9[%dma_wait3A_104, %dma_wait3A_105] : memref<10240x128xf32, #tpu.memory_space<vmem_shared>> -> memref<10240x128xf32, #tpu.memory_space<vmem_shared>>
      tpu.wait_indirect_dma semaphore(%run_scoped3A_4 : memref<!tpu.dma_semaphore, #tpu.memory_space<semaphore_mem>>) src(%dma_wait3A_100 : memref<128x128xf32, #tpu.memory_space<vmem>>) dst(%dma_wait3A_106 : memref<10240x128xf32, #tpu.memory_space<vmem_shared>>)
      %mul3A_107 = arith.constant 80 : i32
      %mul3A_108 = arith.muli %arg1, %mul3A_107 : i32
      %add3A_109 = arith.constant 40 : i32
      %add3A_110 = arith.addi %mul3A_108, %add3A_109 : i32
      "tpu.region"() ({
        %run_scoped3A_212 = tpu.sem_alloc : memref<!tpu.dma_semaphore, #tpu.memory_space<semaphore_mem>>
        %dma_start3A_213 = arith.constant 0 : i32
        %dma_start3A_214 = tpu.memref_slice %arg3[%arg0, %add3A_110, %dma_start3A_213] : memref<2x1280x128xi32, #tpu.memory_space<hbm>> -> memref<1x40x128xi32, #tpu.memory_space<hbm>>
        %dma_start3A_215 = tpu.memref_squeeze %dma_start3A_214 : memref<1x40x128xi32, #tpu.memory_space<hbm>> -> memref<40x128xi32, #tpu.memory_space<hbm>>
        %dma_start3A_216 = arith.constant 0 : i32
        %dma_start3A_217 = tpu.memref_slice %arg3[%arg0, %add3A_110, %dma_start3A_216] : memref<2x1280x128xi32, #tpu.memory_space<hbm>> -> memref<1x40x128xi32, #tpu.memory_space<hbm>>
        %dma_start3A_218 = tpu.memref_squeeze %dma_start3A_217 : memref<1x40x128xi32, #tpu.memory_space<hbm>> -> memref<40x128xi32, #tpu.memory_space<hbm>>
        tpu.enqueue_dma source(%dma_start3A_218 : memref<40x128xi32, #tpu.memory_space<hbm>>) target(%arg6 : memref<40x128xi32, #tpu.memory_space<vmem>>) target_semaphore(%run_scoped3A_212 : memref<!tpu.dma_semaphore, #tpu.memory_space<semaphore_mem>>)
        %dma_wait3A_219 = arith.constant 0 : i32
        %dma_wait3A_220 = tpu.memref_slice %arg3[%arg0, %add3A_110, %dma_wait3A_219] : memref<2x1280x128xi32, #tpu.memory_space<hbm>> -> memref<1x40x128xi32, #tpu.memory_space<hbm>>
        %dma_wait3A_221 = tpu.memref_squeeze %dma_wait3A_220 : memref<1x40x128xi32, #tpu.memory_space<hbm>> -> memref<40x128xi32, #tpu.memory_space<hbm>>
        %dma_wait3A_222 = arith.constant 0 : i32
        %dma_wait3A_223 = tpu.memref_slice %arg3[%arg0, %add3A_110, %dma_wait3A_222] : memref<2x1280x128xi32, #tpu.memory_space<hbm>> -> memref<1x40x128xi32, #tpu.memory_space<hbm>>
        %dma_wait3A_224 = tpu.memref_squeeze %dma_wait3A_223 : memref<1x40x128xi32, #tpu.memory_space<hbm>> -> memref<40x128xi32, #tpu.memory_space<hbm>>
        tpu.wait_dma2 semaphore(%run_scoped3A_212 : memref<!tpu.dma_semaphore, #tpu.memory_space<semaphore_mem>>) src(%dma_wait3A_224 : memref<40x128xi32, #tpu.memory_space<hbm>>) dst(%arg6 : memref<40x128xi32, #tpu.memory_space<vmem>>)
        tpu.yield
      }) : () -> ()
      "tpu.region"() ({
        %run_scoped3A_212 = tpu.sem_alloc : memref<!tpu.dma_semaphore, #tpu.memory_space<semaphore_mem>>
        %dma_start3A_213 = arith.constant 0 : i32
        %dma_start3A_214 = tpu.memref_slice %arg4[%add3A_110, %dma_start3A_213] : memref<1280x128xi32, #tpu.memory_space<hbm>> -> memref<40x128xi32, #tpu.memory_space<hbm>>
        %dma_start3A_215 = arith.constant 0 : i32
        %dma_start3A_216 = tpu.memref_slice %arg4[%add3A_110, %dma_start3A_215] : memref<1280x128xi32, #tpu.memory_space<hbm>> -> memref<40x128xi32, #tpu.memory_space<hbm>>
        tpu.enqueue_dma source(%dma_start3A_216 : memref<40x128xi32, #tpu.memory_space<hbm>>) target(%arg7 : memref<40x128xi32, #tpu.memory_space<vmem>>) target_semaphore(%run_scoped3A_212 : memref<!tpu.dma_semaphore, #tpu.memory_space<semaphore_mem>>)
        %dma_wait3A_217 = arith.constant 0 : i32
        %dma_wait3A_218 = tpu.memref_slice %arg4[%add3A_110, %dma_wait3A_217] : memref<1280x128xi32, #tpu.memory_space<hbm>> -> memref<40x128xi32, #tpu.memory_space<hbm>>
        %dma_wait3A_219 = arith.constant 0 : i32
        %dma_wait3A_220 = tpu.memref_slice %arg4[%add3A_110, %dma_wait3A_219] : memref<1280x128xi32, #tpu.memory_space<hbm>> -> memref<40x128xi32, #tpu.memory_space<hbm>>
        tpu.wait_dma2 semaphore(%run_scoped3A_212 : memref<!tpu.dma_semaphore, #tpu.memory_space<semaphore_mem>>) src(%dma_wait3A_220 : memref<40x128xi32, #tpu.memory_space<hbm>>) dst(%arg7 : memref<40x128xi32, #tpu.memory_space<vmem>>)
        tpu.yield
      }) : () -> ()
      %dma_start3A_111 = arith.constant 0 : i32
      %dma_start3A_112 = arith.constant 0 : i32
      %dma_start3A_113 = arith.constant 0 : i32
      %dma_start3A_114 = arith.constant 0 : i32
      %dma_start3A_115 = tpu.memref_slice %arg8[%dma_start3A_112, %dma_start3A_113, %dma_start3A_114] : memref<2x128x128xf32, #tpu.memory_space<vmem>> -> memref<1x128x128xf32, #tpu.memory_space<vmem>>
      %dma_start3A_116 = tpu.memref_squeeze %dma_start3A_115 : memref<1x128x128xf32, #tpu.memory_space<vmem>> -> memref<128x128xf32, #tpu.memory_space<vmem>>
      %dma_start3A_117 = arith.constant 0 : i32
      %dma_start3A_118 = tpu.memref_slice %arg6[%dma_start3A_111, %dma_start3A_117] : memref<40x128xi32, #tpu.memory_space<vmem>> -> memref<1x128xi32, #tpu.memory_space<vmem>>
      %dma_start3A_119 = tpu.memref_squeeze %dma_start3A_118 : memref<1x128xi32, #tpu.memory_space<vmem>> -> memref<128xi32, #tpu.memory_space<vmem>>
      %dma_start3A_120 = arith.constant 0 : i32
      %dma_start3A_121 = arith.constant 0 : i32
      %dma_start3A_122 = tpu.memref_slice %arg2[%dma_start3A_120, %dma_start3A_121] : memref<20480x128xf32, #tpu.memory_space<hbm>> -> memref<20480x128xf32, #tpu.memory_space<hbm>>
      tpu.enqueue_indirect_dma source(%dma_start3A_122 : memref<20480x128xf32, #tpu.memory_space<hbm>>) target(%dma_start3A_116 : memref<128x128xf32, #tpu.memory_space<vmem>>) offsets(%dma_start3A_119 : memref<128xi32, #tpu.memory_space<vmem>>) semaphore(%run_scoped3A : memref<!tpu.dma_semaphore, #tpu.memory_space<semaphore_mem>>)
      %dma_start3A_123 = arith.constant 1 : i32
      %dma_start3A_124 = arith.constant 1 : i32
      %dma_start3A_125 = arith.constant 0 : i32
      %dma_start3A_126 = arith.constant 0 : i32
      %dma_start3A_127 = tpu.memref_slice %arg8[%dma_start3A_124, %dma_start3A_125, %dma_start3A_126] : memref<2x128x128xf32, #tpu.memory_space<vmem>> -> memref<1x128x128xf32, #tpu.memory_space<vmem>>
      %dma_start3A_128 = tpu.memref_squeeze %dma_start3A_127 : memref<1x128x128xf32, #tpu.memory_space<vmem>> -> memref<128x128xf32, #tpu.memory_space<vmem>>
      %dma_start3A_129 = arith.constant 0 : i32
      %dma_start3A_130 = tpu.memref_slice %arg6[%dma_start3A_123, %dma_start3A_129] : memref<40x128xi32, #tpu.memory_space<vmem>> -> memref<1x128xi32, #tpu.memory_space<vmem>>
      %dma_start3A_131 = tpu.memref_squeeze %dma_start3A_130 : memref<1x128xi32, #tpu.memory_space<vmem>> -> memref<128xi32, #tpu.memory_space<vmem>>
      %dma_start3A_132 = arith.constant 0 : i32
      %dma_start3A_133 = arith.constant 0 : i32
      %dma_start3A_134 = tpu.memref_slice %arg2[%dma_start3A_132, %dma_start3A_133] : memref<20480x128xf32, #tpu.memory_space<hbm>> -> memref<20480x128xf32, #tpu.memory_space<hbm>>
      tpu.enqueue_indirect_dma source(%dma_start3A_134 : memref<20480x128xf32, #tpu.memory_space<hbm>>) target(%dma_start3A_128 : memref<128x128xf32, #tpu.memory_space<vmem>>) offsets(%dma_start3A_131 : memref<128xi32, #tpu.memory_space<vmem>>) semaphore(%run_scoped3A : memref<!tpu.dma_semaphore, #tpu.memory_space<semaphore_mem>>)
      %dma_wait3A_135 = arith.constant 0 : i32
      %dma_wait3A_136 = arith.constant 0 : i32
      %dma_wait3A_137 = arith.constant 0 : i32
      %dma_wait3A_138 = arith.constant 0 : i32
      %dma_wait3A_139 = tpu.memref_slice %arg8[%dma_wait3A_136, %dma_wait3A_137, %dma_wait3A_138] : memref<2x128x128xf32, #tpu.memory_space<vmem>> -> memref<1x128x128xf32, #tpu.memory_space<vmem>>
      %dma_wait3A_140 = tpu.memref_squeeze %dma_wait3A_139 : memref<1x128x128xf32, #tpu.memory_space<vmem>> -> memref<128x128xf32, #tpu.memory_space<vmem>>
      %dma_wait3A_141 = arith.constant 0 : i32
      %dma_wait3A_142 = tpu.memref_slice %arg6[%dma_wait3A_135, %dma_wait3A_141] : memref<40x128xi32, #tpu.memory_space<vmem>> -> memref<1x128xi32, #tpu.memory_space<vmem>>
      %dma_wait3A_143 = tpu.memref_squeeze %dma_wait3A_142 : memref<1x128xi32, #tpu.memory_space<vmem>> -> memref<128xi32, #tpu.memory_space<vmem>>
      %dma_wait3A_144 = arith.constant 0 : i32
      %dma_wait3A_145 = arith.constant 0 : i32
      %dma_wait3A_146 = tpu.memref_slice %arg2[%dma_wait3A_144, %dma_wait3A_145] : memref<20480x128xf32, #tpu.memory_space<hbm>> -> memref<20480x128xf32, #tpu.memory_space<hbm>>
      tpu.wait_indirect_dma semaphore(%run_scoped3A : memref<!tpu.dma_semaphore, #tpu.memory_space<semaphore_mem>>) src(%dma_wait3A_146 : memref<20480x128xf32, #tpu.memory_space<hbm>>) dst(%dma_wait3A_140 : memref<128x128xf32, #tpu.memory_space<vmem>>)
      %dma_start3A_147 = arith.constant 0 : i32
      %dma_start3A_148 = arith.constant 0 : i32
      %dma_start3A_149 = arith.constant 0 : i32
      %dma_start3A_150 = arith.constant 0 : i32
      %dma_start3A_151 = tpu.memref_slice %arg8[%dma_start3A_147, %dma_start3A_149, %dma_start3A_150] : memref<2x128x128xf32, #tpu.memory_space<vmem>> -> memref<1x128x128xf32, #tpu.memory_space<vmem>>
      %dma_start3A_152 = tpu.memref_squeeze %dma_start3A_151 : memref<1x128x128xf32, #tpu.memory_space<vmem>> -> memref<128x128xf32, #tpu.memory_space<vmem>>
      %dma_start3A_153 = arith.constant 0 : i32
      %dma_start3A_154 = tpu.memref_slice %arg7[%dma_start3A_148, %dma_start3A_153] : memref<40x128xi32, #tpu.memory_space<vmem>> -> memref<1x128xi32, #tpu.memory_space<vmem>>
      %dma_start3A_155 = tpu.memref_squeeze %dma_start3A_154 : memref<1x128xi32, #tpu.memory_space<vmem>> -> memref<128xi32, #tpu.memory_space<vmem>>
      %dma_start3A_156 = arith.constant 0 : i32
      %dma_start3A_157 = arith.constant 0 : i32
      %dma_start3A_158 = tpu.memref_slice %arg9[%dma_start3A_156, %dma_start3A_157] : memref<10240x128xf32, #tpu.memory_space<vmem_shared>> -> memref<10240x128xf32, #tpu.memory_space<vmem_shared>>
      tpu.enqueue_indirect_dma source(%dma_start3A_152 : memref<128x128xf32, #tpu.memory_space<vmem>>) target(%dma_start3A_158 : memref<10240x128xf32, #tpu.memory_space<vmem_shared>>) offsets(%dma_start3A_155 : memref<128xi32, #tpu.memory_space<vmem>>) semaphore(%run_scoped3A_4 : memref<!tpu.dma_semaphore, #tpu.memory_space<semaphore_mem>>) {add = true}
      %dma_wait3A_159 = arith.constant 1 : i32
      %dma_wait3A_160 = arith.constant 1 : i32
      %dma_wait3A_161 = arith.constant 0 : i32
      %dma_wait3A_162 = arith.constant 0 : i32
      %dma_wait3A_163 = tpu.memref_slice %arg8[%dma_wait3A_160, %dma_wait3A_161, %dma_wait3A_162] : memref<2x128x128xf32, #tpu.memory_space<vmem>> -> memref<1x128x128xf32, #tpu.memory_space<vmem>>
      %dma_wait3A_164 = tpu.memref_squeeze %dma_wait3A_163 : memref<1x128x128xf32, #tpu.memory_space<vmem>> -> memref<128x128xf32, #tpu.memory_space<vmem>>
      %dma_wait3A_165 = arith.constant 0 : i32
      %dma_wait3A_166 = tpu.memref_slice %arg6[%dma_wait3A_159, %dma_wait3A_165] : memref<40x128xi32, #tpu.memory_space<vmem>> -> memref<1x128xi32, #tpu.memory_space<vmem>>
      %dma_wait3A_167 = tpu.memref_squeeze %dma_wait3A_166 : memref<1x128xi32, #tpu.memory_space<vmem>> -> memref<128xi32, #tpu.memory_space<vmem>>
      %dma_wait3A_168 = arith.constant 0 : i32
      %dma_wait3A_169 = arith.constant 0 : i32
      %dma_wait3A_170 = tpu.memref_slice %arg2[%dma_wait3A_168, %dma_wait3A_169] : memref<20480x128xf32, #tpu.memory_space<hbm>> -> memref<20480x128xf32, #tpu.memory_space<hbm>>
      tpu.wait_indirect_dma semaphore(%run_scoped3A : memref<!tpu.dma_semaphore, #tpu.memory_space<semaphore_mem>>) src(%dma_wait3A_170 : memref<20480x128xf32, #tpu.memory_space<hbm>>) dst(%dma_wait3A_164 : memref<128x128xf32, #tpu.memory_space<vmem>>)
      %dma_start3A_171 = arith.constant 1 : i32
      %dma_start3A_172 = arith.constant 1 : i32
      %dma_start3A_173 = arith.constant 0 : i32
      %dma_start3A_174 = arith.constant 0 : i32
      %dma_start3A_175 = tpu.memref_slice %arg8[%dma_start3A_171, %dma_start3A_173, %dma_start3A_174] : memref<2x128x128xf32, #tpu.memory_space<vmem>> -> memref<1x128x128xf32, #tpu.memory_space<vmem>>
      %dma_start3A_176 = tpu.memref_squeeze %dma_start3A_175 : memref<1x128x128xf32, #tpu.memory_space<vmem>> -> memref<128x128xf32, #tpu.memory_space<vmem>>
      %dma_start3A_177 = arith.constant 0 : i32
      %dma_start3A_178 = tpu.memref_slice %arg7[%dma_start3A_172, %dma_start3A_177] : memref<40x128xi32, #tpu.memory_space<vmem>> -> memref<1x128xi32, #tpu.memory_space<vmem>>
      %dma_start3A_179 = tpu.memref_squeeze %dma_start3A_178 : memref<1x128xi32, #tpu.memory_space<vmem>> -> memref<128xi32, #tpu.memory_space<vmem>>
      %dma_start3A_180 = arith.constant 0 : i32
      %dma_start3A_181 = arith.constant 0 : i32
      %dma_start3A_182 = tpu.memref_slice %arg9[%dma_start3A_180, %dma_start3A_181] : memref<10240x128xf32, #tpu.memory_space<vmem_shared>> -> memref<10240x128xf32, #tpu.memory_space<vmem_shared>>
      tpu.enqueue_indirect_dma source(%dma_start3A_176 : memref<128x128xf32, #tpu.memory_space<vmem>>) target(%dma_start3A_182 : memref<10240x128xf32, #tpu.memory_space<vmem_shared>>) offsets(%dma_start3A_179 : memref<128xi32, #tpu.memory_space<vmem>>) semaphore(%run_scoped3A_4 : memref<!tpu.dma_semaphore, #tpu.memory_space<semaphore_mem>>) {add = true}
      %scan3A_183 = arith.constant 0 : i32
      %scan3A_184 = arith.constant 19 : i32
      %scan3A_185 = arith.addi %scan3A_183, %scan3A_184 : i32
      %scan3A_186 = arith.constant 1 : i32
      scf.for %scan3A_212 = %scan3A_183 to %scan3A_185 step %scan3A_186  : i32 {
        %mul3A_213 = arith.constant 1 : i32
        %mul3A_214 = arith.muli %scan3A_212, %mul3A_213 : i32
        %add3A_215 = arith.constant 1 : i32
        %add3A_216 = arith.addi %add3A_215, %mul3A_214 : i32
        %mul3A_217 = arith.constant 2 : i32
        %mul3A_218 = arith.muli %add3A_216, %mul3A_217 : i32
        %add3A_219 = arith.constant 0 : i32
        %add3A_220 = arith.addi %mul3A_218, %add3A_219 : i32
        %sub3A = arith.constant 2 : i32
        %sub3A_221 = arith.subi %add3A_220, %sub3A : i32
        %dma_wait3A_222 = arith.constant 0 : i32
        %dma_wait3A_223 = arith.constant 0 : i32
        %dma_wait3A_224 = arith.constant 0 : i32
        %dma_wait3A_225 = tpu.memref_slice %arg8[%dma_wait3A_222, %dma_wait3A_223, %dma_wait3A_224] : memref<2x128x128xf32, #tpu.memory_space<vmem>> -> memref<1x128x128xf32, #tpu.memory_space<vmem>>
        %dma_wait3A_226 = tpu.memref_squeeze %dma_wait3A_225 : memref<1x128x128xf32, #tpu.memory_space<vmem>> -> memref<128x128xf32, #tpu.memory_space<vmem>>
        %dma_wait3A_227 = arith.constant 0 : i32
        %dma_wait3A_228 = tpu.memref_slice %arg7[%sub3A_221, %dma_wait3A_227] : memref<40x128xi32, #tpu.memory_space<vmem>> -> memref<1x128xi32, #tpu.memory_space<vmem>>
        %dma_wait3A_229 = tpu.memref_squeeze %dma_wait3A_228 : memref<1x128xi32, #tpu.memory_space<vmem>> -> memref<128xi32, #tpu.memory_space<vmem>>
        %dma_wait3A_230 = arith.constant 0 : i32
        %dma_wait3A_231 = arith.constant 0 : i32
        %dma_wait3A_232 = tpu.memref_slice %arg9[%dma_wait3A_230, %dma_wait3A_231] : memref<10240x128xf32, #tpu.memory_space<vmem_shared>> -> memref<10240x128xf32, #tpu.memory_space<vmem_shared>>
        tpu.wait_indirect_dma semaphore(%run_scoped3A_4 : memref<!tpu.dma_semaphore, #tpu.memory_space<semaphore_mem>>) src(%dma_wait3A_226 : memref<128x128xf32, #tpu.memory_space<vmem>>) dst(%dma_wait3A_232 : memref<10240x128xf32, #tpu.memory_space<vmem_shared>>)
        %dma_start3A_233 = arith.constant 0 : i32
        %dma_start3A_234 = arith.constant 0 : i32
        %dma_start3A_235 = arith.constant 0 : i32
        %dma_start3A_236 = tpu.memref_slice %arg8[%dma_start3A_233, %dma_start3A_234, %dma_start3A_235] : memref<2x128x128xf32, #tpu.memory_space<vmem>> -> memref<1x128x128xf32, #tpu.memory_space<vmem>>
        %dma_start3A_237 = tpu.memref_squeeze %dma_start3A_236 : memref<1x128x128xf32, #tpu.memory_space<vmem>> -> memref<128x128xf32, #tpu.memory_space<vmem>>
        %dma_start3A_238 = arith.constant 0 : i32
        %dma_start3A_239 = tpu.memref_slice %arg6[%add3A_220, %dma_start3A_238] : memref<40x128xi32, #tpu.memory_space<vmem>> -> memref<1x128xi32, #tpu.memory_space<vmem>>
        %dma_start3A_240 = tpu.memref_squeeze %dma_start3A_239 : memref<1x128xi32, #tpu.memory_space<vmem>> -> memref<128xi32, #tpu.memory_space<vmem>>
        %dma_start3A_241 = arith.constant 0 : i32
        %dma_start3A_242 = arith.constant 0 : i32
        %dma_start3A_243 = tpu.memref_slice %arg2[%dma_start3A_241, %dma_start3A_242] : memref<20480x128xf32, #tpu.memory_space<hbm>> -> memref<20480x128xf32, #tpu.memory_space<hbm>>
        tpu.enqueue_indirect_dma source(%dma_start3A_243 : memref<20480x128xf32, #tpu.memory_space<hbm>>) target(%dma_start3A_237 : memref<128x128xf32, #tpu.memory_space<vmem>>) offsets(%dma_start3A_240 : memref<128xi32, #tpu.memory_space<vmem>>) semaphore(%run_scoped3A : memref<!tpu.dma_semaphore, #tpu.memory_space<semaphore_mem>>)
        %dma_wait3A_244 = arith.constant 0 : i32
        %dma_wait3A_245 = arith.constant 0 : i32
        %dma_wait3A_246 = arith.constant 0 : i32
        %dma_wait3A_247 = tpu.memref_slice %arg8[%dma_wait3A_244, %dma_wait3A_245, %dma_wait3A_246] : memref<2x128x128xf32, #tpu.memory_space<vmem>> -> memref<1x128x128xf32, #tpu.memory_space<vmem>>
        %dma_wait3A_248 = tpu.memref_squeeze %dma_wait3A_247 : memref<1x128x128xf32, #tpu.memory_space<vmem>> -> memref<128x128xf32, #tpu.memory_space<vmem>>
        %dma_wait3A_249 = arith.constant 0 : i32
        %dma_wait3A_250 = tpu.memref_slice %arg6[%add3A_220, %dma_wait3A_249] : memref<40x128xi32, #tpu.memory_space<vmem>> -> memref<1x128xi32, #tpu.memory_space<vmem>>
        %dma_wait3A_251 = tpu.memref_squeeze %dma_wait3A_250 : memref<1x128xi32, #tpu.memory_space<vmem>> -> memref<128xi32, #tpu.memory_space<vmem>>
        %dma_wait3A_252 = arith.constant 0 : i32
        %dma_wait3A_253 = arith.constant 0 : i32
        %dma_wait3A_254 = tpu.memref_slice %arg2[%dma_wait3A_252, %dma_wait3A_253] : memref<20480x128xf32, #tpu.memory_space<hbm>> -> memref<20480x128xf32, #tpu.memory_space<hbm>>
        tpu.wait_indirect_dma semaphore(%run_scoped3A : memref<!tpu.dma_semaphore, #tpu.memory_space<semaphore_mem>>) src(%dma_wait3A_254 : memref<20480x128xf32, #tpu.memory_space<hbm>>) dst(%dma_wait3A_248 : memref<128x128xf32, #tpu.memory_space<vmem>>)
        %dma_start3A_255 = arith.constant 0 : i32
        %dma_start3A_256 = arith.constant 0 : i32
        %dma_start3A_257 = arith.constant 0 : i32
        %dma_start3A_258 = tpu.memref_slice %arg8[%dma_start3A_255, %dma_start3A_256, %dma_start3A_257] : memref<2x128x128xf32, #tpu.memory_space<vmem>> -> memref<1x128x128xf32, #tpu.memory_space<vmem>>
        %dma_start3A_259 = tpu.memref_squeeze %dma_start3A_258 : memref<1x128x128xf32, #tpu.memory_space<vmem>> -> memref<128x128xf32, #tpu.memory_space<vmem>>
        %dma_start3A_260 = arith.constant 0 : i32
        %dma_start3A_261 = tpu.memref_slice %arg7[%add3A_220, %dma_start3A_260] : memref<40x128xi32, #tpu.memory_space<vmem>> -> memref<1x128xi32, #tpu.memory_space<vmem>>
        %dma_start3A_262 = tpu.memref_squeeze %dma_start3A_261 : memref<1x128xi32, #tpu.memory_space<vmem>> -> memref<128xi32, #tpu.memory_space<vmem>>
        %dma_start3A_263 = arith.constant 0 : i32
        %dma_start3A_264 = arith.constant 0 : i32
        %dma_start3A_265 = tpu.memref_slice %arg9[%dma_start3A_263, %dma_start3A_264] : memref<10240x128xf32, #tpu.memory_space<vmem_shared>> -> memref<10240x128xf32, #tpu.memory_space<vmem_shared>>
        tpu.enqueue_indirect_dma source(%dma_start3A_259 : memref<128x128xf32, #tpu.memory_space<vmem>>) target(%dma_start3A_265 : memref<10240x128xf32, #tpu.memory_space<vmem_shared>>) offsets(%dma_start3A_262 : memref<128xi32, #tpu.memory_space<vmem>>) semaphore(%run_scoped3A_4 : memref<!tpu.dma_semaphore, #tpu.memory_space<semaphore_mem>>) {add = true}
        %add3A_266 = arith.constant 1 : i32
        %add3A_267 = arith.addi %mul3A_218, %add3A_266 : i32
        %sub3A_268 = arith.constant 2 : i32
        %sub3A_269 = arith.subi %add3A_267, %sub3A_268 : i32
        %dma_wait3A_270 = arith.constant 1 : i32
        %dma_wait3A_271 = arith.constant 0 : i32
        %dma_wait3A_272 = arith.constant 0 : i32
        %dma_wait3A_273 = tpu.memref_slice %arg8[%dma_wait3A_270, %dma_wait3A_271, %dma_wait3A_272] : memref<2x128x128xf32, #tpu.memory_space<vmem>> -> memref<1x128x128xf32, #tpu.memory_space<vmem>>
        %dma_wait3A_274 = tpu.memref_squeeze %dma_wait3A_273 : memref<1x128x128xf32, #tpu.memory_space<vmem>> -> memref<128x128xf32, #tpu.memory_space<vmem>>
        %dma_wait3A_275 = arith.constant 0 : i32
        %dma_wait3A_276 = tpu.memref_slice %arg7[%sub3A_269, %dma_wait3A_275] : memref<40x128xi32, #tpu.memory_space<vmem>> -> memref<1x128xi32, #tpu.memory_space<vmem>>
        %dma_wait3A_277 = tpu.memref_squeeze %dma_wait3A_276 : memref<1x128xi32, #tpu.memory_space<vmem>> -> memref<128xi32, #tpu.memory_space<vmem>>
        %dma_wait3A_278 = arith.constant 0 : i32
        %dma_wait3A_279 = arith.constant 0 : i32
        %dma_wait3A_280 = tpu.memref_slice %arg9[%dma_wait3A_278, %dma_wait3A_279] : memref<10240x128xf32, #tpu.memory_space<vmem_shared>> -> memref<10240x128xf32, #tpu.memory_space<vmem_shared>>
        tpu.wait_indirect_dma semaphore(%run_scoped3A_4 : memref<!tpu.dma_semaphore, #tpu.memory_space<semaphore_mem>>) src(%dma_wait3A_274 : memref<128x128xf32, #tpu.memory_space<vmem>>) dst(%dma_wait3A_280 : memref<10240x128xf32, #tpu.memory_space<vmem_shared>>)
        %dma_start3A_281 = arith.constant 1 : i32
        %dma_start3A_282 = arith.constant 0 : i32
        %dma_start3A_283 = arith.constant 0 : i32
        %dma_start3A_284 = tpu.memref_slice %arg8[%dma_start3A_281, %dma_start3A_282, %dma_start3A_283] : memref<2x128x128xf32, #tpu.memory_space<vmem>> -> memref<1x128x128xf32, #tpu.memory_space<vmem>>
        %dma_start3A_285 = tpu.memref_squeeze %dma_start3A_284 : memref<1x128x128xf32, #tpu.memory_space<vmem>> -> memref<128x128xf32, #tpu.memory_space<vmem>>
        %dma_start3A_286 = arith.constant 0 : i32
        %dma_start3A_287 = tpu.memref_slice %arg6[%add3A_267, %dma_start3A_286] : memref<40x128xi32, #tpu.memory_space<vmem>> -> memref<1x128xi32, #tpu.memory_space<vmem>>
        %dma_start3A_288 = tpu.memref_squeeze %dma_start3A_287 : memref<1x128xi32, #tpu.memory_space<vmem>> -> memref<128xi32, #tpu.memory_space<vmem>>
        %dma_start3A_289 = arith.constant 0 : i32
        %dma_start3A_290 = arith.constant 0 : i32
        %dma_start3A_291 = tpu.memref_slice %arg2[%dma_start3A_289, %dma_start3A_290] : memref<20480x128xf32, #tpu.memory_space<hbm>> -> memref<20480x128xf32, #tpu.memory_space<hbm>>
        tpu.enqueue_indirect_dma source(%dma_start3A_291 : memref<20480x128xf32, #tpu.memory_space<hbm>>) target(%dma_start3A_285 : memref<128x128xf32, #tpu.memory_space<vmem>>) offsets(%dma_start3A_288 : memref<128xi32, #tpu.memory_space<vmem>>) semaphore(%run_scoped3A : memref<!tpu.dma_semaphore, #tpu.memory_space<semaphore_mem>>)
        %dma_wait3A_292 = arith.constant 1 : i32
        %dma_wait3A_293 = arith.constant 0 : i32
        %dma_wait3A_294 = arith.constant 0 : i32
        %dma_wait3A_295 = tpu.memref_slice %arg8[%dma_wait3A_292, %dma_wait3A_293, %dma_wait3A_294] : memref<2x128x128xf32, #tpu.memory_space<vmem>> -> memref<1x128x128xf32, #tpu.memory_space<vmem>>
        %dma_wait3A_296 = tpu.memref_squeeze %dma_wait3A_295 : memref<1x128x128xf32, #tpu.memory_space<vmem>> -> memref<128x128xf32, #tpu.memory_space<vmem>>
        %dma_wait3A_297 = arith.constant 0 : i32
        %dma_wait3A_298 = tpu.memref_slice %arg6[%add3A_267, %dma_wait3A_297] : memref<40x128xi32, #tpu.memory_space<vmem>> -> memref<1x128xi32, #tpu.memory_space<vmem>>
        %dma_wait3A_299 = tpu.memref_squeeze %dma_wait3A_298 : memref<1x128xi32, #tpu.memory_space<vmem>> -> memref<128xi32, #tpu.memory_space<vmem>>
        %dma_wait3A_300 = arith.constant 0 : i32
        %dma_wait3A_301 = arith.constant 0 : i32
        %dma_wait3A_302 = tpu.memref_slice %arg2[%dma_wait3A_300, %dma_wait3A_301] : memref<20480x128xf32, #tpu.memory_space<hbm>> -> memref<20480x128xf32, #tpu.memory_space<hbm>>
        tpu.wait_indirect_dma semaphore(%run_scoped3A : memref<!tpu.dma_semaphore, #tpu.memory_space<semaphore_mem>>) src(%dma_wait3A_302 : memref<20480x128xf32, #tpu.memory_space<hbm>>) dst(%dma_wait3A_296 : memref<128x128xf32, #tpu.memory_space<vmem>>)
        %dma_start3A_303 = arith.constant 1 : i32
        %dma_start3A_304 = arith.constant 0 : i32
        %dma_start3A_305 = arith.constant 0 : i32
        %dma_start3A_306 = tpu.memref_slice %arg8[%dma_start3A_303, %dma_start3A_304, %dma_start3A_305] : memref<2x128x128xf32, #tpu.memory_space<vmem>> -> memref<1x128x128xf32, #tpu.memory_space<vmem>>
        %dma_start3A_307 = tpu.memref_squeeze %dma_start3A_306 : memref<1x128x128xf32, #tpu.memory_space<vmem>> -> memref<128x128xf32, #tpu.memory_space<vmem>>
        %dma_start3A_308 = arith.constant 0 : i32
        %dma_start3A_309 = tpu.memref_slice %arg7[%add3A_267, %dma_start3A_308] : memref<40x128xi32, #tpu.memory_space<vmem>> -> memref<1x128xi32, #tpu.memory_space<vmem>>
        %dma_start3A_310 = tpu.memref_squeeze %dma_start3A_309 : memref<1x128xi32, #tpu.memory_space<vmem>> -> memref<128xi32, #tpu.memory_space<vmem>>
        %dma_start3A_311 = arith.constant 0 : i32
        %dma_start3A_312 = arith.constant 0 : i32
        %dma_start3A_313 = tpu.memref_slice %arg9[%dma_start3A_311, %dma_start3A_312] : memref<10240x128xf32, #tpu.memory_space<vmem_shared>> -> memref<10240x128xf32, #tpu.memory_space<vmem_shared>>
        tpu.enqueue_indirect_dma source(%dma_start3A_307 : memref<128x128xf32, #tpu.memory_space<vmem>>) target(%dma_start3A_313 : memref<10240x128xf32, #tpu.memory_space<vmem_shared>>) offsets(%dma_start3A_310 : memref<128xi32, #tpu.memory_space<vmem>>) semaphore(%run_scoped3A_4 : memref<!tpu.dma_semaphore, #tpu.memory_space<semaphore_mem>>) {add = true}
      }
      %scan3A_187 = arith.constant 19 : i32
      %dma_wait3A_188 = arith.constant 0 : i32
      %dma_wait3A_189 = arith.constant 38 : i32
      %dma_wait3A_190 = arith.constant 0 : i32
      %dma_wait3A_191 = arith.constant 0 : i32
      %dma_wait3A_192 = tpu.memref_slice %arg8[%dma_wait3A_188, %dma_wait3A_190, %dma_wait3A_191] : memref<2x128x128xf32, #tpu.memory_space<vmem>> -> memref<1x128x128xf32, #tpu.memory_space<vmem>>
      %dma_wait3A_193 = tpu.memref_squeeze %dma_wait3A_192 : memref<1x128x128xf32, #tpu.memory_space<vmem>> -> memref<128x128xf32, #tpu.memory_space<vmem>>
      %dma_wait3A_194 = arith.constant 0 : i32
      %dma_wait3A_195 = tpu.memref_slice %arg7[%dma_wait3A_189, %dma_wait3A_194] : memref<40x128xi32, #tpu.memory_space<vmem>> -> memref<1x128xi32, #tpu.memory_space<vmem>>
      %dma_wait3A_196 = tpu.memref_squeeze %dma_wait3A_195 : memref<1x128xi32, #tpu.memory_space<vmem>> -> memref<128xi32, #tpu.memory_space<vmem>>
      %dma_wait3A_197 = arith.constant 0 : i32
      %dma_wait3A_198 = arith.constant 0 : i32
      %dma_wait3A_199 = tpu.memref_slice %arg9[%dma_wait3A_197, %dma_wait3A_198] : memref<10240x128xf32, #tpu.memory_space<vmem_shared>> -> memref<10240x128xf32, #tpu.memory_space<vmem_shared>>
      tpu.wait_indirect_dma semaphore(%run_scoped3A_4 : memref<!tpu.dma_semaphore, #tpu.memory_space<semaphore_mem>>) src(%dma_wait3A_193 : memref<128x128xf32, #tpu.memory_space<vmem>>) dst(%dma_wait3A_199 : memref<10240x128xf32, #tpu.memory_space<vmem_shared>>)
      %dma_wait3A_200 = arith.constant 1 : i32
      %dma_wait3A_201 = arith.constant 39 : i32
      %dma_wait3A_202 = arith.constant 0 : i32
      %dma_wait3A_203 = arith.constant 0 : i32
      %dma_wait3A_204 = tpu.memref_slice %arg8[%dma_wait3A_200, %dma_wait3A_202, %dma_wait3A_203] : memref<2x128x128xf32, #tpu.memory_space<vmem>> -> memref<1x128x128xf32, #tpu.memory_space<vmem>>
      %dma_wait3A_205 = tpu.memref_squeeze %dma_wait3A_204 : memref<1x128x128xf32, #tpu.memory_space<vmem>> -> memref<128x128xf32, #tpu.memory_space<vmem>>
      %dma_wait3A_206 = arith.constant 0 : i32
      %dma_wait3A_207 = tpu.memref_slice %arg7[%dma_wait3A_201, %dma_wait3A_206] : memref<40x128xi32, #tpu.memory_space<vmem>> -> memref<1x128xi32, #tpu.memory_space<vmem>>
      %dma_wait3A_208 = tpu.memref_squeeze %dma_wait3A_207 : memref<1x128xi32, #tpu.memory_space<vmem>> -> memref<128xi32, #tpu.memory_space<vmem>>
      %dma_wait3A_209 = arith.constant 0 : i32
      %dma_wait3A_210 = arith.constant 0 : i32
      %dma_wait3A_211 = tpu.memref_slice %arg9[%dma_wait3A_209, %dma_wait3A_210] : memref<10240x128xf32, #tpu.memory_space<vmem_shared>> -> memref<10240x128xf32, #tpu.memory_space<vmem_shared>>
      tpu.wait_indirect_dma semaphore(%run_scoped3A_4 : memref<!tpu.dma_semaphore, #tpu.memory_space<semaphore_mem>>) src(%dma_wait3A_205 : memref<128x128xf32, #tpu.memory_space<vmem>>) dst(%dma_wait3A_211 : memref<10240x128xf32, #tpu.memory_space<vmem_shared>>)
      tpu.yield
    }) : () -> ()
    %barrier3A_3 = arith.constant 0 : index
    tpu.barrier barrier_id(%barrier3A_3)
    "tpu.region"() ({
      %run_scoped3A = tpu.sem_alloc : memref<!tpu.dma_semaphore, #tpu.memory_space<semaphore_mem>>
      %dma_start3A = arith.constant 0 : i32
      %dma_start3A_4 = tpu.memref_slice %arg5[%arg0, %mul3A_0, %dma_start3A] : memref<2x10240x128xf32, #tpu.memory_space<hbm>> -> memref<1x640x128xf32, #tpu.memory_space<hbm>>
      %dma_start3A_5 = tpu.memref_squeeze %dma_start3A_4 : memref<1x640x128xf32, #tpu.memory_space<hbm>> -> memref<640x128xf32, #tpu.memory_space<hbm>>
      %dma_start3A_6 = arith.constant 0 : i32
      %dma_start3A_7 = tpu.memref_slice %arg9[%mul3A_0, %dma_start3A_6] : memref<10240x128xf32, #tpu.memory_space<vmem_shared>> -> memref<640x128xf32, #tpu.memory_space<vmem_shared>>
      tpu.enqueue_dma source(%dma_start3A_7 : memref<640x128xf32, #tpu.memory_space<vmem_shared>>) target(%dma_start3A_5 : memref<640x128xf32, #tpu.memory_space<hbm>>) target_semaphore(%run_scoped3A : memref<!tpu.dma_semaphore, #tpu.memory_space<semaphore_mem>>)
      %dma_wait3A = arith.constant 0 : i32
      %dma_wait3A_8 = tpu.memref_slice %arg5[%arg0, %mul3A_0, %dma_wait3A] : memref<2x10240x128xf32, #tpu.memory_space<hbm>> -> memref<1x640x128xf32, #tpu.memory_space<hbm>>
      %dma_wait3A_9 = tpu.memref_squeeze %dma_wait3A_8 : memref<1x640x128xf32, #tpu.memory_space<hbm>> -> memref<640x128xf32, #tpu.memory_space<hbm>>
      %dma_wait3A_10 = arith.constant 0 : i32
      %dma_wait3A_11 = tpu.memref_slice %arg9[%mul3A_0, %dma_wait3A_10] : memref<10240x128xf32, #tpu.memory_space<vmem_shared>> -> memref<640x128xf32, #tpu.memory_space<vmem_shared>>
      tpu.wait_dma2 semaphore(%run_scoped3A : memref<!tpu.dma_semaphore, #tpu.memory_space<semaphore_mem>>) src(%dma_wait3A_11 : memref<640x128xf32, #tpu.memory_space<vmem_shared>>) dst(%dma_wait3A_9 : memref<640x128xf32, #tpu.memory_space<hbm>>)
      tpu.yield
    }) : () -> ()
    return
  }
}

#map = affine_map<(d0, d1) -> (0, 0)>
#map1 = affine_map<(d0, d1) -> (0, 0, 0)>
module attributes {stable_mosaic.version = 14 : i64} {
  func.func @_agg_kernel(%arg0: i32, %arg1: i32, %arg2: memref<20480x128xf32, #tpu.memory_space<hbm>>, %arg3: memref<2x1280x128xi32, #tpu.memory_space<hbm>>, %arg4: memref<1280x128xi32, #tpu.memory_space<hbm>>, %arg5: memref<2x10240x128xf32, #tpu.memory_space<hbm>>, %arg6: memref<40x128xi32, #tpu.memory_space<vmem>>, %arg7: memref<40x128xi32, #tpu.memory_space<vmem>>, %arg8: memref<2x128x128xf32, #tpu.memory_space<vmem>>, %arg9: memref<10240x128xf32, #tpu.memory_space<vmem_shared>>) attributes {dimension_semantics = [#tpu.dimension_semantics<core_parallel>, #tpu.dimension_semantics<subcore_parallel>], iteration_bounds = array<i64: 2, 16>, scalar_prefetch = 0 : i64, scratch_operands = 4 : i64, tpu.core_type = #tpu.core_type<sc_vector_subcore>, window_params = [{transform_indices = #map}, {transform_indices = #map1}, {transform_indices = #map}, {transform_indices = #map1}]} {
    %mul3A = arith.constant 640 : i32
    %mul3A_0 = arith.muli %arg1, %mul3A : i32
    %mul3A_1 = arith.constant 10240 : i32
    %mul3A_2 = arith.muli %arg0, %mul3A_1 : i32
    %add3A = arith.addi %mul3A_2, %mul3A_0 : i32
    "tpu.region"() ({
      %run_scoped3A = tpu.sem_alloc : memref<!tpu.dma_semaphore, #tpu.memory_space<semaphore_mem>>
      %dma_start3A = arith.constant 0 : i32
      %dma_start3A_4 = tpu.memref_slice %arg9[%mul3A_0, %dma_start3A] : memref<10240x128xf32, #tpu.memory_space<vmem_shared>> -> memref<640x128xf32, #tpu.memory_space<vmem_shared>>
      %dma_start3A_5 = arith.constant 0 : i32
      %dma_start3A_6 = tpu.memref_slice %arg2[%add3A, %dma_start3A_5] : memref<20480x128xf32, #tpu.memory_space<hbm>> -> memref<640x128xf32, #tpu.memory_space<hbm>>
      tpu.enqueue_dma source(%dma_start3A_6 : memref<640x128xf32, #tpu.memory_space<hbm>>) target(%dma_start3A_4 : memref<640x128xf32, #tpu.memory_space<vmem_shared>>) target_semaphore(%run_scoped3A : memref<!tpu.dma_semaphore, #tpu.memory_space<semaphore_mem>>)
      %dma_wait3A = arith.constant 0 : i32
      %dma_wait3A_7 = tpu.memref_slice %arg9[%mul3A_0, %dma_wait3A] : memref<10240x128xf32, #tpu.memory_space<vmem_shared>> -> memref<640x128xf32, #tpu.memory_space<vmem_shared>>
      %dma_wait3A_8 = arith.constant 0 : i32
      %dma_wait3A_9 = tpu.memref_slice %arg2[%add3A, %dma_wait3A_8] : memref<20480x128xf32, #tpu.memory_space<hbm>> -> memref<640x128xf32, #tpu.memory_space<hbm>>
      tpu.wait_dma2 semaphore(%run_scoped3A : memref<!tpu.dma_semaphore, #tpu.memory_space<semaphore_mem>>) src(%dma_wait3A_9 : memref<640x128xf32, #tpu.memory_space<hbm>>) dst(%dma_wait3A_7 : memref<640x128xf32, #tpu.memory_space<vmem_shared>>)
      tpu.yield
    }) : () -> ()
    %barrier3A = arith.constant 0 : index
    tpu.barrier barrier_id(%barrier3A)
    "tpu.region"() ({
      %run_scoped3A = tpu.sem_alloc : memref<!tpu.dma_semaphore, #tpu.memory_space<semaphore_mem>>
      %run_scoped3A_4 = tpu.sem_alloc : memref<!tpu.dma_semaphore, #tpu.memory_space<semaphore_mem>>
      %mul3A_5 = arith.constant 80 : i32
      %mul3A_6 = arith.muli %arg1, %mul3A_5 : i32
      %add3A_7 = arith.constant 0 : i32
      %add3A_8 = arith.addi %mul3A_6, %add3A_7 : i32
      "tpu.region"() ({
        %run_scoped3A_212 = tpu.sem_alloc : memref<!tpu.dma_semaphore, #tpu.memory_space<semaphore_mem>>
        %dma_start3A_213 = arith.constant 0 : i32
        %dma_start3A_214 = tpu.memref_slice %arg3[%arg0, %add3A_8, %dma_start3A_213] : memref<2x1280x128xi32, #tpu.memory_space<hbm>> -> memref<1x40x128xi32, #tpu.memory_space<hbm>>
        %dma_start3A_215 = tpu.memref_squeeze %dma_start3A_214 : memref<1x40x128xi32, #tpu.memory_space<hbm>> -> memref<40x128xi32, #tpu.memory_space<hbm>>
        %dma_start3A_216 = arith.constant 0 : i32
        %dma_start3A_217 = tpu.memref_slice %arg3[%arg0, %add3A_8, %dma_start3A_216] : memref<2x1280x128xi32, #tpu.memory_space<hbm>> -> memref<1x40x128xi32, #tpu.memory_space<hbm>>
        %dma_start3A_218 = tpu.memref_squeeze %dma_start3A_217 : memref<1x40x128xi32, #tpu.memory_space<hbm>> -> memref<40x128xi32, #tpu.memory_space<hbm>>
        tpu.enqueue_dma source(%dma_start3A_218 : memref<40x128xi32, #tpu.memory_space<hbm>>) target(%arg6 : memref<40x128xi32, #tpu.memory_space<vmem>>) target_semaphore(%run_scoped3A_212 : memref<!tpu.dma_semaphore, #tpu.memory_space<semaphore_mem>>)
        %dma_wait3A_219 = arith.constant 0 : i32
        %dma_wait3A_220 = tpu.memref_slice %arg3[%arg0, %add3A_8, %dma_wait3A_219] : memref<2x1280x128xi32, #tpu.memory_space<hbm>> -> memref<1x40x128xi32, #tpu.memory_space<hbm>>
        %dma_wait3A_221 = tpu.memref_squeeze %dma_wait3A_220 : memref<1x40x128xi32, #tpu.memory_space<hbm>> -> memref<40x128xi32, #tpu.memory_space<hbm>>
        %dma_wait3A_222 = arith.constant 0 : i32
        %dma_wait3A_223 = tpu.memref_slice %arg3[%arg0, %add3A_8, %dma_wait3A_222] : memref<2x1280x128xi32, #tpu.memory_space<hbm>> -> memref<1x40x128xi32, #tpu.memory_space<hbm>>
        %dma_wait3A_224 = tpu.memref_squeeze %dma_wait3A_223 : memref<1x40x128xi32, #tpu.memory_space<hbm>> -> memref<40x128xi32, #tpu.memory_space<hbm>>
        tpu.wait_dma2 semaphore(%run_scoped3A_212 : memref<!tpu.dma_semaphore, #tpu.memory_space<semaphore_mem>>) src(%dma_wait3A_224 : memref<40x128xi32, #tpu.memory_space<hbm>>) dst(%arg6 : memref<40x128xi32, #tpu.memory_space<vmem>>)
        tpu.yield
      }) : () -> ()
      "tpu.region"() ({
        %run_scoped3A_212 = tpu.sem_alloc : memref<!tpu.dma_semaphore, #tpu.memory_space<semaphore_mem>>
        %dma_start3A_213 = arith.constant 0 : i32
        %dma_start3A_214 = tpu.memref_slice %arg4[%add3A_8, %dma_start3A_213] : memref<1280x128xi32, #tpu.memory_space<hbm>> -> memref<40x128xi32, #tpu.memory_space<hbm>>
        %dma_start3A_215 = arith.constant 0 : i32
        %dma_start3A_216 = tpu.memref_slice %arg4[%add3A_8, %dma_start3A_215] : memref<1280x128xi32, #tpu.memory_space<hbm>> -> memref<40x128xi32, #tpu.memory_space<hbm>>
        tpu.enqueue_dma source(%dma_start3A_216 : memref<40x128xi32, #tpu.memory_space<hbm>>) target(%arg7 : memref<40x128xi32, #tpu.memory_space<vmem>>) target_semaphore(%run_scoped3A_212 : memref<!tpu.dma_semaphore, #tpu.memory_space<semaphore_mem>>)
        %dma_wait3A_217 = arith.constant 0 : i32
        %dma_wait3A_218 = tpu.memref_slice %arg4[%add3A_8, %dma_wait3A_217] : memref<1280x128xi32, #tpu.memory_space<hbm>> -> memref<40x128xi32, #tpu.memory_space<hbm>>
        %dma_wait3A_219 = arith.constant 0 : i32
        %dma_wait3A_220 = tpu.memref_slice %arg4[%add3A_8, %dma_wait3A_219] : memref<1280x128xi32, #tpu.memory_space<hbm>> -> memref<40x128xi32, #tpu.memory_space<hbm>>
        tpu.wait_dma2 semaphore(%run_scoped3A_212 : memref<!tpu.dma_semaphore, #tpu.memory_space<semaphore_mem>>) src(%dma_wait3A_220 : memref<40x128xi32, #tpu.memory_space<hbm>>) dst(%arg7 : memref<40x128xi32, #tpu.memory_space<vmem>>)
        tpu.yield
      }) : () -> ()
      %dma_start3A = arith.constant 0 : i32
      %dma_start3A_9 = arith.constant 0 : i32
      %dma_start3A_10 = arith.constant 0 : i32
      %dma_start3A_11 = arith.constant 0 : i32
      %dma_start3A_12 = tpu.memref_slice %arg8[%dma_start3A_9, %dma_start3A_10, %dma_start3A_11] : memref<2x128x128xf32, #tpu.memory_space<vmem>> -> memref<1x128x128xf32, #tpu.memory_space<vmem>>
      %dma_start3A_13 = tpu.memref_squeeze %dma_start3A_12 : memref<1x128x128xf32, #tpu.memory_space<vmem>> -> memref<128x128xf32, #tpu.memory_space<vmem>>
      %dma_start3A_14 = arith.constant 0 : i32
      %dma_start3A_15 = tpu.memref_slice %arg6[%dma_start3A, %dma_start3A_14] : memref<40x128xi32, #tpu.memory_space<vmem>> -> memref<1x128xi32, #tpu.memory_space<vmem>>
      %dma_start3A_16 = tpu.memref_squeeze %dma_start3A_15 : memref<1x128xi32, #tpu.memory_space<vmem>> -> memref<128xi32, #tpu.memory_space<vmem>>
      %dma_start3A_17 = arith.constant 0 : i32
      %dma_start3A_18 = arith.constant 0 : i32
      %dma_start3A_19 = tpu.memref_slice %arg2[%dma_start3A_17, %dma_start3A_18] : memref<20480x128xf32, #tpu.memory_space<hbm>> -> memref<20480x128xf32, #tpu.memory_space<hbm>>
      tpu.enqueue_indirect_dma source(%dma_start3A_19 : memref<20480x128xf32, #tpu.memory_space<hbm>>) target(%dma_start3A_13 : memref<128x128xf32, #tpu.memory_space<vmem>>) offsets(%dma_start3A_16 : memref<128xi32, #tpu.memory_space<vmem>>) semaphore(%run_scoped3A : memref<!tpu.dma_semaphore, #tpu.memory_space<semaphore_mem>>)
      %dma_start3A_20 = arith.constant 1 : i32
      %dma_start3A_21 = arith.constant 1 : i32
      %dma_start3A_22 = arith.constant 0 : i32
      %dma_start3A_23 = arith.constant 0 : i32
      %dma_start3A_24 = tpu.memref_slice %arg8[%dma_start3A_21, %dma_start3A_22, %dma_start3A_23] : memref<2x128x128xf32, #tpu.memory_space<vmem>> -> memref<1x128x128xf32, #tpu.memory_space<vmem>>
      %dma_start3A_25 = tpu.memref_squeeze %dma_start3A_24 : memref<1x128x128xf32, #tpu.memory_space<vmem>> -> memref<128x128xf32, #tpu.memory_space<vmem>>
      %dma_start3A_26 = arith.constant 0 : i32
      %dma_start3A_27 = tpu.memref_slice %arg6[%dma_start3A_20, %dma_start3A_26] : memref<40x128xi32, #tpu.memory_space<vmem>> -> memref<1x128xi32, #tpu.memory_space<vmem>>
      %dma_start3A_28 = tpu.memref_squeeze %dma_start3A_27 : memref<1x128xi32, #tpu.memory_space<vmem>> -> memref<128xi32, #tpu.memory_space<vmem>>
      %dma_start3A_29 = arith.constant 0 : i32
      %dma_start3A_30 = arith.constant 0 : i32
      %dma_start3A_31 = tpu.memref_slice %arg2[%dma_start3A_29, %dma_start3A_30] : memref<20480x128xf32, #tpu.memory_space<hbm>> -> memref<20480x128xf32, #tpu.memory_space<hbm>>
      tpu.enqueue_indirect_dma source(%dma_start3A_31 : memref<20480x128xf32, #tpu.memory_space<hbm>>) target(%dma_start3A_25 : memref<128x128xf32, #tpu.memory_space<vmem>>) offsets(%dma_start3A_28 : memref<128xi32, #tpu.memory_space<vmem>>) semaphore(%run_scoped3A : memref<!tpu.dma_semaphore, #tpu.memory_space<semaphore_mem>>)
      %dma_wait3A = arith.constant 0 : i32
      %dma_wait3A_32 = arith.constant 0 : i32
      %dma_wait3A_33 = arith.constant 0 : i32
      %dma_wait3A_34 = arith.constant 0 : i32
      %dma_wait3A_35 = tpu.memref_slice %arg8[%dma_wait3A_32, %dma_wait3A_33, %dma_wait3A_34] : memref<2x128x128xf32, #tpu.memory_space<vmem>> -> memref<1x128x128xf32, #tpu.memory_space<vmem>>
      %dma_wait3A_36 = tpu.memref_squeeze %dma_wait3A_35 : memref<1x128x128xf32, #tpu.memory_space<vmem>> -> memref<128x128xf32, #tpu.memory_space<vmem>>
      %dma_wait3A_37 = arith.constant 0 : i32
      %dma_wait3A_38 = tpu.memref_slice %arg6[%dma_wait3A, %dma_wait3A_37] : memref<40x128xi32, #tpu.memory_space<vmem>> -> memref<1x128xi32, #tpu.memory_space<vmem>>
      %dma_wait3A_39 = tpu.memref_squeeze %dma_wait3A_38 : memref<1x128xi32, #tpu.memory_space<vmem>> -> memref<128xi32, #tpu.memory_space<vmem>>
      %dma_wait3A_40 = arith.constant 0 : i32
      %dma_wait3A_41 = arith.constant 0 : i32
      %dma_wait3A_42 = tpu.memref_slice %arg2[%dma_wait3A_40, %dma_wait3A_41] : memref<20480x128xf32, #tpu.memory_space<hbm>> -> memref<20480x128xf32, #tpu.memory_space<hbm>>
      tpu.wait_indirect_dma semaphore(%run_scoped3A : memref<!tpu.dma_semaphore, #tpu.memory_space<semaphore_mem>>) src(%dma_wait3A_42 : memref<20480x128xf32, #tpu.memory_space<hbm>>) dst(%dma_wait3A_36 : memref<128x128xf32, #tpu.memory_space<vmem>>)
      %dma_start3A_43 = arith.constant 0 : i32
      %dma_start3A_44 = arith.constant 0 : i32
      %dma_start3A_45 = arith.constant 0 : i32
      %dma_start3A_46 = arith.constant 0 : i32
      %dma_start3A_47 = tpu.memref_slice %arg8[%dma_start3A_43, %dma_start3A_45, %dma_start3A_46] : memref<2x128x128xf32, #tpu.memory_space<vmem>> -> memref<1x128x128xf32, #tpu.memory_space<vmem>>
      %dma_start3A_48 = tpu.memref_squeeze %dma_start3A_47 : memref<1x128x128xf32, #tpu.memory_space<vmem>> -> memref<128x128xf32, #tpu.memory_space<vmem>>
      %dma_start3A_49 = arith.constant 0 : i32
      %dma_start3A_50 = tpu.memref_slice %arg7[%dma_start3A_44, %dma_start3A_49] : memref<40x128xi32, #tpu.memory_space<vmem>> -> memref<1x128xi32, #tpu.memory_space<vmem>>
      %dma_start3A_51 = tpu.memref_squeeze %dma_start3A_50 : memref<1x128xi32, #tpu.memory_space<vmem>> -> memref<128xi32, #tpu.memory_space<vmem>>
      %dma_start3A_52 = arith.constant 0 : i32
      %dma_start3A_53 = arith.constant 0 : i32
      %dma_start3A_54 = tpu.memref_slice %arg9[%dma_start3A_52, %dma_start3A_53] : memref<10240x128xf32, #tpu.memory_space<vmem_shared>> -> memref<10240x128xf32, #tpu.memory_space<vmem_shared>>
      tpu.enqueue_indirect_dma source(%dma_start3A_48 : memref<128x128xf32, #tpu.memory_space<vmem>>) target(%dma_start3A_54 : memref<10240x128xf32, #tpu.memory_space<vmem_shared>>) offsets(%dma_start3A_51 : memref<128xi32, #tpu.memory_space<vmem>>) semaphore(%run_scoped3A_4 : memref<!tpu.dma_semaphore, #tpu.memory_space<semaphore_mem>>) {add = true}
      %dma_wait3A_55 = arith.constant 1 : i32
      %dma_wait3A_56 = arith.constant 1 : i32
      %dma_wait3A_57 = arith.constant 0 : i32
      %dma_wait3A_58 = arith.constant 0 : i32
      %dma_wait3A_59 = tpu.memref_slice %arg8[%dma_wait3A_56, %dma_wait3A_57, %dma_wait3A_58] : memref<2x128x128xf32, #tpu.memory_space<vmem>> -> memref<1x128x128xf32, #tpu.memory_space<vmem>>
      %dma_wait3A_60 = tpu.memref_squeeze %dma_wait3A_59 : memref<1x128x128xf32, #tpu.memory_space<vmem>> -> memref<128x128xf32, #tpu.memory_space<vmem>>
      %dma_wait3A_61 = arith.constant 0 : i32
      %dma_wait3A_62 = tpu.memref_slice %arg6[%dma_wait3A_55, %dma_wait3A_61] : memref<40x128xi32, #tpu.memory_space<vmem>> -> memref<1x128xi32, #tpu.memory_space<vmem>>
      %dma_wait3A_63 = tpu.memref_squeeze %dma_wait3A_62 : memref<1x128xi32, #tpu.memory_space<vmem>> -> memref<128xi32, #tpu.memory_space<vmem>>
      %dma_wait3A_64 = arith.constant 0 : i32
      %dma_wait3A_65 = arith.constant 0 : i32
      %dma_wait3A_66 = tpu.memref_slice %arg2[%dma_wait3A_64, %dma_wait3A_65] : memref<20480x128xf32, #tpu.memory_space<hbm>> -> memref<20480x128xf32, #tpu.memory_space<hbm>>
      tpu.wait_indirect_dma semaphore(%run_scoped3A : memref<!tpu.dma_semaphore, #tpu.memory_space<semaphore_mem>>) src(%dma_wait3A_66 : memref<20480x128xf32, #tpu.memory_space<hbm>>) dst(%dma_wait3A_60 : memref<128x128xf32, #tpu.memory_space<vmem>>)
      %dma_start3A_67 = arith.constant 1 : i32
      %dma_start3A_68 = arith.constant 1 : i32
      %dma_start3A_69 = arith.constant 0 : i32
      %dma_start3A_70 = arith.constant 0 : i32
      %dma_start3A_71 = tpu.memref_slice %arg8[%dma_start3A_67, %dma_start3A_69, %dma_start3A_70] : memref<2x128x128xf32, #tpu.memory_space<vmem>> -> memref<1x128x128xf32, #tpu.memory_space<vmem>>
      %dma_start3A_72 = tpu.memref_squeeze %dma_start3A_71 : memref<1x128x128xf32, #tpu.memory_space<vmem>> -> memref<128x128xf32, #tpu.memory_space<vmem>>
      %dma_start3A_73 = arith.constant 0 : i32
      %dma_start3A_74 = tpu.memref_slice %arg7[%dma_start3A_68, %dma_start3A_73] : memref<40x128xi32, #tpu.memory_space<vmem>> -> memref<1x128xi32, #tpu.memory_space<vmem>>
      %dma_start3A_75 = tpu.memref_squeeze %dma_start3A_74 : memref<1x128xi32, #tpu.memory_space<vmem>> -> memref<128xi32, #tpu.memory_space<vmem>>
      %dma_start3A_76 = arith.constant 0 : i32
      %dma_start3A_77 = arith.constant 0 : i32
      %dma_start3A_78 = tpu.memref_slice %arg9[%dma_start3A_76, %dma_start3A_77] : memref<10240x128xf32, #tpu.memory_space<vmem_shared>> -> memref<10240x128xf32, #tpu.memory_space<vmem_shared>>
      tpu.enqueue_indirect_dma source(%dma_start3A_72 : memref<128x128xf32, #tpu.memory_space<vmem>>) target(%dma_start3A_78 : memref<10240x128xf32, #tpu.memory_space<vmem_shared>>) offsets(%dma_start3A_75 : memref<128xi32, #tpu.memory_space<vmem>>) semaphore(%run_scoped3A_4 : memref<!tpu.dma_semaphore, #tpu.memory_space<semaphore_mem>>) {add = true}
      %scan3A = arith.constant 0 : i32
      %scan3A_79 = arith.constant 19 : i32
      %scan3A_80 = arith.addi %scan3A, %scan3A_79 : i32
      %scan3A_81 = arith.constant 1 : i32
      scf.for %scan3A_212 = %scan3A to %scan3A_80 step %scan3A_81  : i32 {
        %mul3A_213 = arith.constant 1 : i32
        %mul3A_214 = arith.muli %scan3A_212, %mul3A_213 : i32
        %add3A_215 = arith.constant 1 : i32
        %add3A_216 = arith.addi %add3A_215, %mul3A_214 : i32
        %mul3A_217 = arith.constant 2 : i32
        %mul3A_218 = arith.muli %add3A_216, %mul3A_217 : i32
        %add3A_219 = arith.constant 0 : i32
        %add3A_220 = arith.addi %mul3A_218, %add3A_219 : i32
        %sub3A = arith.constant 2 : i32
        %sub3A_221 = arith.subi %add3A_220, %sub3A : i32
        %dma_wait3A_222 = arith.constant 0 : i32
        %dma_wait3A_223 = arith.constant 0 : i32
        %dma_wait3A_224 = arith.constant 0 : i32
        %dma_wait3A_225 = tpu.memref_slice %arg8[%dma_wait3A_222, %dma_wait3A_223, %dma_wait3A_224] : memref<2x128x128xf32, #tpu.memory_space<vmem>> -> memref<1x128x128xf32, #tpu.memory_space<vmem>>
        %dma_wait3A_226 = tpu.memref_squeeze %dma_wait3A_225 : memref<1x128x128xf32, #tpu.memory_space<vmem>> -> memref<128x128xf32, #tpu.memory_space<vmem>>
        %dma_wait3A_227 = arith.constant 0 : i32
        %dma_wait3A_228 = tpu.memref_slice %arg7[%sub3A_221, %dma_wait3A_227] : memref<40x128xi32, #tpu.memory_space<vmem>> -> memref<1x128xi32, #tpu.memory_space<vmem>>
        %dma_wait3A_229 = tpu.memref_squeeze %dma_wait3A_228 : memref<1x128xi32, #tpu.memory_space<vmem>> -> memref<128xi32, #tpu.memory_space<vmem>>
        %dma_wait3A_230 = arith.constant 0 : i32
        %dma_wait3A_231 = arith.constant 0 : i32
        %dma_wait3A_232 = tpu.memref_slice %arg9[%dma_wait3A_230, %dma_wait3A_231] : memref<10240x128xf32, #tpu.memory_space<vmem_shared>> -> memref<10240x128xf32, #tpu.memory_space<vmem_shared>>
        tpu.wait_indirect_dma semaphore(%run_scoped3A_4 : memref<!tpu.dma_semaphore, #tpu.memory_space<semaphore_mem>>) src(%dma_wait3A_226 : memref<128x128xf32, #tpu.memory_space<vmem>>) dst(%dma_wait3A_232 : memref<10240x128xf32, #tpu.memory_space<vmem_shared>>)
        %dma_start3A_233 = arith.constant 0 : i32
        %dma_start3A_234 = arith.constant 0 : i32
        %dma_start3A_235 = arith.constant 0 : i32
        %dma_start3A_236 = tpu.memref_slice %arg8[%dma_start3A_233, %dma_start3A_234, %dma_start3A_235] : memref<2x128x128xf32, #tpu.memory_space<vmem>> -> memref<1x128x128xf32, #tpu.memory_space<vmem>>
        %dma_start3A_237 = tpu.memref_squeeze %dma_start3A_236 : memref<1x128x128xf32, #tpu.memory_space<vmem>> -> memref<128x128xf32, #tpu.memory_space<vmem>>
        %dma_start3A_238 = arith.constant 0 : i32
        %dma_start3A_239 = tpu.memref_slice %arg6[%add3A_220, %dma_start3A_238] : memref<40x128xi32, #tpu.memory_space<vmem>> -> memref<1x128xi32, #tpu.memory_space<vmem>>
        %dma_start3A_240 = tpu.memref_squeeze %dma_start3A_239 : memref<1x128xi32, #tpu.memory_space<vmem>> -> memref<128xi32, #tpu.memory_space<vmem>>
        %dma_start3A_241 = arith.constant 0 : i32
        %dma_start3A_242 = arith.constant 0 : i32
        %dma_start3A_243 = tpu.memref_slice %arg2[%dma_start3A_241, %dma_start3A_242] : memref<20480x128xf32, #tpu.memory_space<hbm>> -> memref<20480x128xf32, #tpu.memory_space<hbm>>
        tpu.enqueue_indirect_dma source(%dma_start3A_243 : memref<20480x128xf32, #tpu.memory_space<hbm>>) target(%dma_start3A_237 : memref<128x128xf32, #tpu.memory_space<vmem>>) offsets(%dma_start3A_240 : memref<128xi32, #tpu.memory_space<vmem>>) semaphore(%run_scoped3A : memref<!tpu.dma_semaphore, #tpu.memory_space<semaphore_mem>>)
        %dma_wait3A_244 = arith.constant 0 : i32
        %dma_wait3A_245 = arith.constant 0 : i32
        %dma_wait3A_246 = arith.constant 0 : i32
        %dma_wait3A_247 = tpu.memref_slice %arg8[%dma_wait3A_244, %dma_wait3A_245, %dma_wait3A_246] : memref<2x128x128xf32, #tpu.memory_space<vmem>> -> memref<1x128x128xf32, #tpu.memory_space<vmem>>
        %dma_wait3A_248 = tpu.memref_squeeze %dma_wait3A_247 : memref<1x128x128xf32, #tpu.memory_space<vmem>> -> memref<128x128xf32, #tpu.memory_space<vmem>>
        %dma_wait3A_249 = arith.constant 0 : i32
        %dma_wait3A_250 = tpu.memref_slice %arg6[%add3A_220, %dma_wait3A_249] : memref<40x128xi32, #tpu.memory_space<vmem>> -> memref<1x128xi32, #tpu.memory_space<vmem>>
        %dma_wait3A_251 = tpu.memref_squeeze %dma_wait3A_250 : memref<1x128xi32, #tpu.memory_space<vmem>> -> memref<128xi32, #tpu.memory_space<vmem>>
        %dma_wait3A_252 = arith.constant 0 : i32
        %dma_wait3A_253 = arith.constant 0 : i32
        %dma_wait3A_254 = tpu.memref_slice %arg2[%dma_wait3A_252, %dma_wait3A_253] : memref<20480x128xf32, #tpu.memory_space<hbm>> -> memref<20480x128xf32, #tpu.memory_space<hbm>>
        tpu.wait_indirect_dma semaphore(%run_scoped3A : memref<!tpu.dma_semaphore, #tpu.memory_space<semaphore_mem>>) src(%dma_wait3A_254 : memref<20480x128xf32, #tpu.memory_space<hbm>>) dst(%dma_wait3A_248 : memref<128x128xf32, #tpu.memory_space<vmem>>)
        %dma_start3A_255 = arith.constant 0 : i32
        %dma_start3A_256 = arith.constant 0 : i32
        %dma_start3A_257 = arith.constant 0 : i32
        %dma_start3A_258 = tpu.memref_slice %arg8[%dma_start3A_255, %dma_start3A_256, %dma_start3A_257] : memref<2x128x128xf32, #tpu.memory_space<vmem>> -> memref<1x128x128xf32, #tpu.memory_space<vmem>>
        %dma_start3A_259 = tpu.memref_squeeze %dma_start3A_258 : memref<1x128x128xf32, #tpu.memory_space<vmem>> -> memref<128x128xf32, #tpu.memory_space<vmem>>
        %dma_start3A_260 = arith.constant 0 : i32
        %dma_start3A_261 = tpu.memref_slice %arg7[%add3A_220, %dma_start3A_260] : memref<40x128xi32, #tpu.memory_space<vmem>> -> memref<1x128xi32, #tpu.memory_space<vmem>>
        %dma_start3A_262 = tpu.memref_squeeze %dma_start3A_261 : memref<1x128xi32, #tpu.memory_space<vmem>> -> memref<128xi32, #tpu.memory_space<vmem>>
        %dma_start3A_263 = arith.constant 0 : i32
        %dma_start3A_264 = arith.constant 0 : i32
        %dma_start3A_265 = tpu.memref_slice %arg9[%dma_start3A_263, %dma_start3A_264] : memref<10240x128xf32, #tpu.memory_space<vmem_shared>> -> memref<10240x128xf32, #tpu.memory_space<vmem_shared>>
        tpu.enqueue_indirect_dma source(%dma_start3A_259 : memref<128x128xf32, #tpu.memory_space<vmem>>) target(%dma_start3A_265 : memref<10240x128xf32, #tpu.memory_space<vmem_shared>>) offsets(%dma_start3A_262 : memref<128xi32, #tpu.memory_space<vmem>>) semaphore(%run_scoped3A_4 : memref<!tpu.dma_semaphore, #tpu.memory_space<semaphore_mem>>) {add = true}
        %add3A_266 = arith.constant 1 : i32
        %add3A_267 = arith.addi %mul3A_218, %add3A_266 : i32
        %sub3A_268 = arith.constant 2 : i32
        %sub3A_269 = arith.subi %add3A_267, %sub3A_268 : i32
        %dma_wait3A_270 = arith.constant 1 : i32
        %dma_wait3A_271 = arith.constant 0 : i32
        %dma_wait3A_272 = arith.constant 0 : i32
        %dma_wait3A_273 = tpu.memref_slice %arg8[%dma_wait3A_270, %dma_wait3A_271, %dma_wait3A_272] : memref<2x128x128xf32, #tpu.memory_space<vmem>> -> memref<1x128x128xf32, #tpu.memory_space<vmem>>
        %dma_wait3A_274 = tpu.memref_squeeze %dma_wait3A_273 : memref<1x128x128xf32, #tpu.memory_space<vmem>> -> memref<128x128xf32, #tpu.memory_space<vmem>>
        %dma_wait3A_275 = arith.constant 0 : i32
        %dma_wait3A_276 = tpu.memref_slice %arg7[%sub3A_269, %dma_wait3A_275] : memref<40x128xi32, #tpu.memory_space<vmem>> -> memref<1x128xi32, #tpu.memory_space<vmem>>
        %dma_wait3A_277 = tpu.memref_squeeze %dma_wait3A_276 : memref<1x128xi32, #tpu.memory_space<vmem>> -> memref<128xi32, #tpu.memory_space<vmem>>
        %dma_wait3A_278 = arith.constant 0 : i32
        %dma_wait3A_279 = arith.constant 0 : i32
        %dma_wait3A_280 = tpu.memref_slice %arg9[%dma_wait3A_278, %dma_wait3A_279] : memref<10240x128xf32, #tpu.memory_space<vmem_shared>> -> memref<10240x128xf32, #tpu.memory_space<vmem_shared>>
        tpu.wait_indirect_dma semaphore(%run_scoped3A_4 : memref<!tpu.dma_semaphore, #tpu.memory_space<semaphore_mem>>) src(%dma_wait3A_274 : memref<128x128xf32, #tpu.memory_space<vmem>>) dst(%dma_wait3A_280 : memref<10240x128xf32, #tpu.memory_space<vmem_shared>>)
        %dma_start3A_281 = arith.constant 1 : i32
        %dma_start3A_282 = arith.constant 0 : i32
        %dma_start3A_283 = arith.constant 0 : i32
        %dma_start3A_284 = tpu.memref_slice %arg8[%dma_start3A_281, %dma_start3A_282, %dma_start3A_283] : memref<2x128x128xf32, #tpu.memory_space<vmem>> -> memref<1x128x128xf32, #tpu.memory_space<vmem>>
        %dma_start3A_285 = tpu.memref_squeeze %dma_start3A_284 : memref<1x128x128xf32, #tpu.memory_space<vmem>> -> memref<128x128xf32, #tpu.memory_space<vmem>>
        %dma_start3A_286 = arith.constant 0 : i32
        %dma_start3A_287 = tpu.memref_slice %arg6[%add3A_267, %dma_start3A_286] : memref<40x128xi32, #tpu.memory_space<vmem>> -> memref<1x128xi32, #tpu.memory_space<vmem>>
        %dma_start3A_288 = tpu.memref_squeeze %dma_start3A_287 : memref<1x128xi32, #tpu.memory_space<vmem>> -> memref<128xi32, #tpu.memory_space<vmem>>
        %dma_start3A_289 = arith.constant 0 : i32
        %dma_start3A_290 = arith.constant 0 : i32
        %dma_start3A_291 = tpu.memref_slice %arg2[%dma_start3A_289, %dma_start3A_290] : memref<20480x128xf32, #tpu.memory_space<hbm>> -> memref<20480x128xf32, #tpu.memory_space<hbm>>
        tpu.enqueue_indirect_dma source(%dma_start3A_291 : memref<20480x128xf32, #tpu.memory_space<hbm>>) target(%dma_start3A_285 : memref<128x128xf32, #tpu.memory_space<vmem>>) offsets(%dma_start3A_288 : memref<128xi32, #tpu.memory_space<vmem>>) semaphore(%run_scoped3A : memref<!tpu.dma_semaphore, #tpu.memory_space<semaphore_mem>>)
        %dma_wait3A_292 = arith.constant 1 : i32
        %dma_wait3A_293 = arith.constant 0 : i32
        %dma_wait3A_294 = arith.constant 0 : i32
        %dma_wait3A_295 = tpu.memref_slice %arg8[%dma_wait3A_292, %dma_wait3A_293, %dma_wait3A_294] : memref<2x128x128xf32, #tpu.memory_space<vmem>> -> memref<1x128x128xf32, #tpu.memory_space<vmem>>
        %dma_wait3A_296 = tpu.memref_squeeze %dma_wait3A_295 : memref<1x128x128xf32, #tpu.memory_space<vmem>> -> memref<128x128xf32, #tpu.memory_space<vmem>>
        %dma_wait3A_297 = arith.constant 0 : i32
        %dma_wait3A_298 = tpu.memref_slice %arg6[%add3A_267, %dma_wait3A_297] : memref<40x128xi32, #tpu.memory_space<vmem>> -> memref<1x128xi32, #tpu.memory_space<vmem>>
        %dma_wait3A_299 = tpu.memref_squeeze %dma_wait3A_298 : memref<1x128xi32, #tpu.memory_space<vmem>> -> memref<128xi32, #tpu.memory_space<vmem>>
        %dma_wait3A_300 = arith.constant 0 : i32
        %dma_wait3A_301 = arith.constant 0 : i32
        %dma_wait3A_302 = tpu.memref_slice %arg2[%dma_wait3A_300, %dma_wait3A_301] : memref<20480x128xf32, #tpu.memory_space<hbm>> -> memref<20480x128xf32, #tpu.memory_space<hbm>>
        tpu.wait_indirect_dma semaphore(%run_scoped3A : memref<!tpu.dma_semaphore, #tpu.memory_space<semaphore_mem>>) src(%dma_wait3A_302 : memref<20480x128xf32, #tpu.memory_space<hbm>>) dst(%dma_wait3A_296 : memref<128x128xf32, #tpu.memory_space<vmem>>)
        %dma_start3A_303 = arith.constant 1 : i32
        %dma_start3A_304 = arith.constant 0 : i32
        %dma_start3A_305 = arith.constant 0 : i32
        %dma_start3A_306 = tpu.memref_slice %arg8[%dma_start3A_303, %dma_start3A_304, %dma_start3A_305] : memref<2x128x128xf32, #tpu.memory_space<vmem>> -> memref<1x128x128xf32, #tpu.memory_space<vmem>>
        %dma_start3A_307 = tpu.memref_squeeze %dma_start3A_306 : memref<1x128x128xf32, #tpu.memory_space<vmem>> -> memref<128x128xf32, #tpu.memory_space<vmem>>
        %dma_start3A_308 = arith.constant 0 : i32
        %dma_start3A_309 = tpu.memref_slice %arg7[%add3A_267, %dma_start3A_308] : memref<40x128xi32, #tpu.memory_space<vmem>> -> memref<1x128xi32, #tpu.memory_space<vmem>>
        %dma_start3A_310 = tpu.memref_squeeze %dma_start3A_309 : memref<1x128xi32, #tpu.memory_space<vmem>> -> memref<128xi32, #tpu.memory_space<vmem>>
        %dma_start3A_311 = arith.constant 0 : i32
        %dma_start3A_312 = arith.constant 0 : i32
        %dma_start3A_313 = tpu.memref_slice %arg9[%dma_start3A_311, %dma_start3A_312] : memref<10240x128xf32, #tpu.memory_space<vmem_shared>> -> memref<10240x128xf32, #tpu.memory_space<vmem_shared>>
        tpu.enqueue_indirect_dma source(%dma_start3A_307 : memref<128x128xf32, #tpu.memory_space<vmem>>) target(%dma_start3A_313 : memref<10240x128xf32, #tpu.memory_space<vmem_shared>>) offsets(%dma_start3A_310 : memref<128xi32, #tpu.memory_space<vmem>>) semaphore(%run_scoped3A_4 : memref<!tpu.dma_semaphore, #tpu.memory_space<semaphore_mem>>) {add = true}
      }
      %scan3A_82 = arith.constant 19 : i32
      %dma_wait3A_83 = arith.constant 0 : i32
      %dma_wait3A_84 = arith.constant 38 : i32
      %dma_wait3A_85 = arith.constant 0 : i32
      %dma_wait3A_86 = arith.constant 0 : i32
      %dma_wait3A_87 = tpu.memref_slice %arg8[%dma_wait3A_83, %dma_wait3A_85, %dma_wait3A_86] : memref<2x128x128xf32, #tpu.memory_space<vmem>> -> memref<1x128x128xf32, #tpu.memory_space<vmem>>
      %dma_wait3A_88 = tpu.memref_squeeze %dma_wait3A_87 : memref<1x128x128xf32, #tpu.memory_space<vmem>> -> memref<128x128xf32, #tpu.memory_space<vmem>>
      %dma_wait3A_89 = arith.constant 0 : i32
      %dma_wait3A_90 = tpu.memref_slice %arg7[%dma_wait3A_84, %dma_wait3A_89] : memref<40x128xi32, #tpu.memory_space<vmem>> -> memref<1x128xi32, #tpu.memory_space<vmem>>
      %dma_wait3A_91 = tpu.memref_squeeze %dma_wait3A_90 : memref<1x128xi32, #tpu.memory_space<vmem>> -> memref<128xi32, #tpu.memory_space<vmem>>
      %dma_wait3A_92 = arith.constant 0 : i32
      %dma_wait3A_93 = arith.constant 0 : i32
      %dma_wait3A_94 = tpu.memref_slice %arg9[%dma_wait3A_92, %dma_wait3A_93] : memref<10240x128xf32, #tpu.memory_space<vmem_shared>> -> memref<10240x128xf32, #tpu.memory_space<vmem_shared>>
      tpu.wait_indirect_dma semaphore(%run_scoped3A_4 : memref<!tpu.dma_semaphore, #tpu.memory_space<semaphore_mem>>) src(%dma_wait3A_88 : memref<128x128xf32, #tpu.memory_space<vmem>>) dst(%dma_wait3A_94 : memref<10240x128xf32, #tpu.memory_space<vmem_shared>>)
      %dma_wait3A_95 = arith.constant 1 : i32
      %dma_wait3A_96 = arith.constant 39 : i32
      %dma_wait3A_97 = arith.constant 0 : i32
      %dma_wait3A_98 = arith.constant 0 : i32
      %dma_wait3A_99 = tpu.memref_slice %arg8[%dma_wait3A_95, %dma_wait3A_97, %dma_wait3A_98] : memref<2x128x128xf32, #tpu.memory_space<vmem>> -> memref<1x128x128xf32, #tpu.memory_space<vmem>>
      %dma_wait3A_100 = tpu.memref_squeeze %dma_wait3A_99 : memref<1x128x128xf32, #tpu.memory_space<vmem>> -> memref<128x128xf32, #tpu.memory_space<vmem>>
      %dma_wait3A_101 = arith.constant 0 : i32
      %dma_wait3A_102 = tpu.memref_slice %arg7[%dma_wait3A_96, %dma_wait3A_101] : memref<40x128xi32, #tpu.memory_space<vmem>> -> memref<1x128xi32, #tpu.memory_space<vmem>>
      %dma_wait3A_103 = tpu.memref_squeeze %dma_wait3A_102 : memref<1x128xi32, #tpu.memory_space<vmem>> -> memref<128xi32, #tpu.memory_space<vmem>>
      %dma_wait3A_104 = arith.constant 0 : i32
      %dma_wait3A_105 = arith.constant 0 : i32
      %dma_wait3A_106 = tpu.memref_slice %arg9[%dma_wait3A_104, %dma_wait3A_105] : memref<10240x128xf32, #tpu.memory_space<vmem_shared>> -> memref<10240x128xf32, #tpu.memory_space<vmem_shared>>
      tpu.wait_indirect_dma semaphore(%run_scoped3A_4 : memref<!tpu.dma_semaphore, #tpu.memory_space<semaphore_mem>>) src(%dma_wait3A_100 : memref<128x128xf32, #tpu.memory_space<vmem>>) dst(%dma_wait3A_106 : memref<10240x128xf32, #tpu.memory_space<vmem_shared>>)
      %mul3A_107 = arith.constant 80 : i32
      %mul3A_108 = arith.muli %arg1, %mul3A_107 : i32
      %add3A_109 = arith.constant 40 : i32
      %add3A_110 = arith.addi %mul3A_108, %add3A_109 : i32
      "tpu.region"() ({
        %run_scoped3A_212 = tpu.sem_alloc : memref<!tpu.dma_semaphore, #tpu.memory_space<semaphore_mem>>
        %dma_start3A_213 = arith.constant 0 : i32
        %dma_start3A_214 = tpu.memref_slice %arg3[%arg0, %add3A_110, %dma_start3A_213] : memref<2x1280x128xi32, #tpu.memory_space<hbm>> -> memref<1x40x128xi32, #tpu.memory_space<hbm>>
        %dma_start3A_215 = tpu.memref_squeeze %dma_start3A_214 : memref<1x40x128xi32, #tpu.memory_space<hbm>> -> memref<40x128xi32, #tpu.memory_space<hbm>>
        %dma_start3A_216 = arith.constant 0 : i32
        %dma_start3A_217 = tpu.memref_slice %arg3[%arg0, %add3A_110, %dma_start3A_216] : memref<2x1280x128xi32, #tpu.memory_space<hbm>> -> memref<1x40x128xi32, #tpu.memory_space<hbm>>
        %dma_start3A_218 = tpu.memref_squeeze %dma_start3A_217 : memref<1x40x128xi32, #tpu.memory_space<hbm>> -> memref<40x128xi32, #tpu.memory_space<hbm>>
        tpu.enqueue_dma source(%dma_start3A_218 : memref<40x128xi32, #tpu.memory_space<hbm>>) target(%arg6 : memref<40x128xi32, #tpu.memory_space<vmem>>) target_semaphore(%run_scoped3A_212 : memref<!tpu.dma_semaphore, #tpu.memory_space<semaphore_mem>>)
        %dma_wait3A_219 = arith.constant 0 : i32
        %dma_wait3A_220 = tpu.memref_slice %arg3[%arg0, %add3A_110, %dma_wait3A_219] : memref<2x1280x128xi32, #tpu.memory_space<hbm>> -> memref<1x40x128xi32, #tpu.memory_space<hbm>>
        %dma_wait3A_221 = tpu.memref_squeeze %dma_wait3A_220 : memref<1x40x128xi32, #tpu.memory_space<hbm>> -> memref<40x128xi32, #tpu.memory_space<hbm>>
        %dma_wait3A_222 = arith.constant 0 : i32
        %dma_wait3A_223 = tpu.memref_slice %arg3[%arg0, %add3A_110, %dma_wait3A_222] : memref<2x1280x128xi32, #tpu.memory_space<hbm>> -> memref<1x40x128xi32, #tpu.memory_space<hbm>>
        %dma_wait3A_224 = tpu.memref_squeeze %dma_wait3A_223 : memref<1x40x128xi32, #tpu.memory_space<hbm>> -> memref<40x128xi32, #tpu.memory_space<hbm>>
        tpu.wait_dma2 semaphore(%run_scoped3A_212 : memref<!tpu.dma_semaphore, #tpu.memory_space<semaphore_mem>>) src(%dma_wait3A_224 : memref<40x128xi32, #tpu.memory_space<hbm>>) dst(%arg6 : memref<40x128xi32, #tpu.memory_space<vmem>>)
        tpu.yield
      }) : () -> ()
      "tpu.region"() ({
        %run_scoped3A_212 = tpu.sem_alloc : memref<!tpu.dma_semaphore, #tpu.memory_space<semaphore_mem>>
        %dma_start3A_213 = arith.constant 0 : i32
        %dma_start3A_214 = tpu.memref_slice %arg4[%add3A_110, %dma_start3A_213] : memref<1280x128xi32, #tpu.memory_space<hbm>> -> memref<40x128xi32, #tpu.memory_space<hbm>>
        %dma_start3A_215 = arith.constant 0 : i32
        %dma_start3A_216 = tpu.memref_slice %arg4[%add3A_110, %dma_start3A_215] : memref<1280x128xi32, #tpu.memory_space<hbm>> -> memref<40x128xi32, #tpu.memory_space<hbm>>
        tpu.enqueue_dma source(%dma_start3A_216 : memref<40x128xi32, #tpu.memory_space<hbm>>) target(%arg7 : memref<40x128xi32, #tpu.memory_space<vmem>>) target_semaphore(%run_scoped3A_212 : memref<!tpu.dma_semaphore, #tpu.memory_space<semaphore_mem>>)
        %dma_wait3A_217 = arith.constant 0 : i32
        %dma_wait3A_218 = tpu.memref_slice %arg4[%add3A_110, %dma_wait3A_217] : memref<1280x128xi32, #tpu.memory_space<hbm>> -> memref<40x128xi32, #tpu.memory_space<hbm>>
        %dma_wait3A_219 = arith.constant 0 : i32
        %dma_wait3A_220 = tpu.memref_slice %arg4[%add3A_110, %dma_wait3A_219] : memref<1280x128xi32, #tpu.memory_space<hbm>> -> memref<40x128xi32, #tpu.memory_space<hbm>>
        tpu.wait_dma2 semaphore(%run_scoped3A_212 : memref<!tpu.dma_semaphore, #tpu.memory_space<semaphore_mem>>) src(%dma_wait3A_220 : memref<40x128xi32, #tpu.memory_space<hbm>>) dst(%arg7 : memref<40x128xi32, #tpu.memory_space<vmem>>)
        tpu.yield
      }) : () -> ()
      %dma_start3A_111 = arith.constant 0 : i32
      %dma_start3A_112 = arith.constant 0 : i32
      %dma_start3A_113 = arith.constant 0 : i32
      %dma_start3A_114 = arith.constant 0 : i32
      %dma_start3A_115 = tpu.memref_slice %arg8[%dma_start3A_112, %dma_start3A_113, %dma_start3A_114] : memref<2x128x128xf32, #tpu.memory_space<vmem>> -> memref<1x128x128xf32, #tpu.memory_space<vmem>>
      %dma_start3A_116 = tpu.memref_squeeze %dma_start3A_115 : memref<1x128x128xf32, #tpu.memory_space<vmem>> -> memref<128x128xf32, #tpu.memory_space<vmem>>
      %dma_start3A_117 = arith.constant 0 : i32
      %dma_start3A_118 = tpu.memref_slice %arg6[%dma_start3A_111, %dma_start3A_117] : memref<40x128xi32, #tpu.memory_space<vmem>> -> memref<1x128xi32, #tpu.memory_space<vmem>>
      %dma_start3A_119 = tpu.memref_squeeze %dma_start3A_118 : memref<1x128xi32, #tpu.memory_space<vmem>> -> memref<128xi32, #tpu.memory_space<vmem>>
      %dma_start3A_120 = arith.constant 0 : i32
      %dma_start3A_121 = arith.constant 0 : i32
      %dma_start3A_122 = tpu.memref_slice %arg2[%dma_start3A_120, %dma_start3A_121] : memref<20480x128xf32, #tpu.memory_space<hbm>> -> memref<20480x128xf32, #tpu.memory_space<hbm>>
      tpu.enqueue_indirect_dma source(%dma_start3A_122 : memref<20480x128xf32, #tpu.memory_space<hbm>>) target(%dma_start3A_116 : memref<128x128xf32, #tpu.memory_space<vmem>>) offsets(%dma_start3A_119 : memref<128xi32, #tpu.memory_space<vmem>>) semaphore(%run_scoped3A : memref<!tpu.dma_semaphore, #tpu.memory_space<semaphore_mem>>)
      %dma_start3A_123 = arith.constant 1 : i32
      %dma_start3A_124 = arith.constant 1 : i32
      %dma_start3A_125 = arith.constant 0 : i32
      %dma_start3A_126 = arith.constant 0 : i32
      %dma_start3A_127 = tpu.memref_slice %arg8[%dma_start3A_124, %dma_start3A_125, %dma_start3A_126] : memref<2x128x128xf32, #tpu.memory_space<vmem>> -> memref<1x128x128xf32, #tpu.memory_space<vmem>>
      %dma_start3A_128 = tpu.memref_squeeze %dma_start3A_127 : memref<1x128x128xf32, #tpu.memory_space<vmem>> -> memref<128x128xf32, #tpu.memory_space<vmem>>
      %dma_start3A_129 = arith.constant 0 : i32
      %dma_start3A_130 = tpu.memref_slice %arg6[%dma_start3A_123, %dma_start3A_129] : memref<40x128xi32, #tpu.memory_space<vmem>> -> memref<1x128xi32, #tpu.memory_space<vmem>>
      %dma_start3A_131 = tpu.memref_squeeze %dma_start3A_130 : memref<1x128xi32, #tpu.memory_space<vmem>> -> memref<128xi32, #tpu.memory_space<vmem>>
      %dma_start3A_132 = arith.constant 0 : i32
      %dma_start3A_133 = arith.constant 0 : i32
      %dma_start3A_134 = tpu.memref_slice %arg2[%dma_start3A_132, %dma_start3A_133] : memref<20480x128xf32, #tpu.memory_space<hbm>> -> memref<20480x128xf32, #tpu.memory_space<hbm>>
      tpu.enqueue_indirect_dma source(%dma_start3A_134 : memref<20480x128xf32, #tpu.memory_space<hbm>>) target(%dma_start3A_128 : memref<128x128xf32, #tpu.memory_space<vmem>>) offsets(%dma_start3A_131 : memref<128xi32, #tpu.memory_space<vmem>>) semaphore(%run_scoped3A : memref<!tpu.dma_semaphore, #tpu.memory_space<semaphore_mem>>)
      %dma_wait3A_135 = arith.constant 0 : i32
      %dma_wait3A_136 = arith.constant 0 : i32
      %dma_wait3A_137 = arith.constant 0 : i32
      %dma_wait3A_138 = arith.constant 0 : i32
      %dma_wait3A_139 = tpu.memref_slice %arg8[%dma_wait3A_136, %dma_wait3A_137, %dma_wait3A_138] : memref<2x128x128xf32, #tpu.memory_space<vmem>> -> memref<1x128x128xf32, #tpu.memory_space<vmem>>
      %dma_wait3A_140 = tpu.memref_squeeze %dma_wait3A_139 : memref<1x128x128xf32, #tpu.memory_space<vmem>> -> memref<128x128xf32, #tpu.memory_space<vmem>>
      %dma_wait3A_141 = arith.constant 0 : i32
      %dma_wait3A_142 = tpu.memref_slice %arg6[%dma_wait3A_135, %dma_wait3A_141] : memref<40x128xi32, #tpu.memory_space<vmem>> -> memref<1x128xi32, #tpu.memory_space<vmem>>
      %dma_wait3A_143 = tpu.memref_squeeze %dma_wait3A_142 : memref<1x128xi32, #tpu.memory_space<vmem>> -> memref<128xi32, #tpu.memory_space<vmem>>
      %dma_wait3A_144 = arith.constant 0 : i32
      %dma_wait3A_145 = arith.constant 0 : i32
      %dma_wait3A_146 = tpu.memref_slice %arg2[%dma_wait3A_144, %dma_wait3A_145] : memref<20480x128xf32, #tpu.memory_space<hbm>> -> memref<20480x128xf32, #tpu.memory_space<hbm>>
      tpu.wait_indirect_dma semaphore(%run_scoped3A : memref<!tpu.dma_semaphore, #tpu.memory_space<semaphore_mem>>) src(%dma_wait3A_146 : memref<20480x128xf32, #tpu.memory_space<hbm>>) dst(%dma_wait3A_140 : memref<128x128xf32, #tpu.memory_space<vmem>>)
      %dma_start3A_147 = arith.constant 0 : i32
      %dma_start3A_148 = arith.constant 0 : i32
      %dma_start3A_149 = arith.constant 0 : i32
      %dma_start3A_150 = arith.constant 0 : i32
      %dma_start3A_151 = tpu.memref_slice %arg8[%dma_start3A_147, %dma_start3A_149, %dma_start3A_150] : memref<2x128x128xf32, #tpu.memory_space<vmem>> -> memref<1x128x128xf32, #tpu.memory_space<vmem>>
      %dma_start3A_152 = tpu.memref_squeeze %dma_start3A_151 : memref<1x128x128xf32, #tpu.memory_space<vmem>> -> memref<128x128xf32, #tpu.memory_space<vmem>>
      %dma_start3A_153 = arith.constant 0 : i32
      %dma_start3A_154 = tpu.memref_slice %arg7[%dma_start3A_148, %dma_start3A_153] : memref<40x128xi32, #tpu.memory_space<vmem>> -> memref<1x128xi32, #tpu.memory_space<vmem>>
      %dma_start3A_155 = tpu.memref_squeeze %dma_start3A_154 : memref<1x128xi32, #tpu.memory_space<vmem>> -> memref<128xi32, #tpu.memory_space<vmem>>
      %dma_start3A_156 = arith.constant 0 : i32
      %dma_start3A_157 = arith.constant 0 : i32
      %dma_start3A_158 = tpu.memref_slice %arg9[%dma_start3A_156, %dma_start3A_157] : memref<10240x128xf32, #tpu.memory_space<vmem_shared>> -> memref<10240x128xf32, #tpu.memory_space<vmem_shared>>
      tpu.enqueue_indirect_dma source(%dma_start3A_152 : memref<128x128xf32, #tpu.memory_space<vmem>>) target(%dma_start3A_158 : memref<10240x128xf32, #tpu.memory_space<vmem_shared>>) offsets(%dma_start3A_155 : memref<128xi32, #tpu.memory_space<vmem>>) semaphore(%run_scoped3A_4 : memref<!tpu.dma_semaphore, #tpu.memory_space<semaphore_mem>>) {add = true}
      %dma_wait3A_159 = arith.constant 1 : i32
      %dma_wait3A_160 = arith.constant 1 : i32
      %dma_wait3A_161 = arith.constant 0 : i32
      %dma_wait3A_162 = arith.constant 0 : i32
      %dma_wait3A_163 = tpu.memref_slice %arg8[%dma_wait3A_160, %dma_wait3A_161, %dma_wait3A_162] : memref<2x128x128xf32, #tpu.memory_space<vmem>> -> memref<1x128x128xf32, #tpu.memory_space<vmem>>
      %dma_wait3A_164 = tpu.memref_squeeze %dma_wait3A_163 : memref<1x128x128xf32, #tpu.memory_space<vmem>> -> memref<128x128xf32, #tpu.memory_space<vmem>>
      %dma_wait3A_165 = arith.constant 0 : i32
      %dma_wait3A_166 = tpu.memref_slice %arg6[%dma_wait3A_159, %dma_wait3A_165] : memref<40x128xi32, #tpu.memory_space<vmem>> -> memref<1x128xi32, #tpu.memory_space<vmem>>
      %dma_wait3A_167 = tpu.memref_squeeze %dma_wait3A_166 : memref<1x128xi32, #tpu.memory_space<vmem>> -> memref<128xi32, #tpu.memory_space<vmem>>
      %dma_wait3A_168 = arith.constant 0 : i32
      %dma_wait3A_169 = arith.constant 0 : i32
      %dma_wait3A_170 = tpu.memref_slice %arg2[%dma_wait3A_168, %dma_wait3A_169] : memref<20480x128xf32, #tpu.memory_space<hbm>> -> memref<20480x128xf32, #tpu.memory_space<hbm>>
      tpu.wait_indirect_dma semaphore(%run_scoped3A : memref<!tpu.dma_semaphore, #tpu.memory_space<semaphore_mem>>) src(%dma_wait3A_170 : memref<20480x128xf32, #tpu.memory_space<hbm>>) dst(%dma_wait3A_164 : memref<128x128xf32, #tpu.memory_space<vmem>>)
      %dma_start3A_171 = arith.constant 1 : i32
      %dma_start3A_172 = arith.constant 1 : i32
      %dma_start3A_173 = arith.constant 0 : i32
      %dma_start3A_174 = arith.constant 0 : i32
      %dma_start3A_175 = tpu.memref_slice %arg8[%dma_start3A_171, %dma_start3A_173, %dma_start3A_174] : memref<2x128x128xf32, #tpu.memory_space<vmem>> -> memref<1x128x128xf32, #tpu.memory_space<vmem>>
      %dma_start3A_176 = tpu.memref_squeeze %dma_start3A_175 : memref<1x128x128xf32, #tpu.memory_space<vmem>> -> memref<128x128xf32, #tpu.memory_space<vmem>>
      %dma_start3A_177 = arith.constant 0 : i32
      %dma_start3A_178 = tpu.memref_slice %arg7[%dma_start3A_172, %dma_start3A_177] : memref<40x128xi32, #tpu.memory_space<vmem>> -> memref<1x128xi32, #tpu.memory_space<vmem>>
      %dma_start3A_179 = tpu.memref_squeeze %dma_start3A_178 : memref<1x128xi32, #tpu.memory_space<vmem>> -> memref<128xi32, #tpu.memory_space<vmem>>
      %dma_start3A_180 = arith.constant 0 : i32
      %dma_start3A_181 = arith.constant 0 : i32
      %dma_start3A_182 = tpu.memref_slice %arg9[%dma_start3A_180, %dma_start3A_181] : memref<10240x128xf32, #tpu.memory_space<vmem_shared>> -> memref<10240x128xf32, #tpu.memory_space<vmem_shared>>
      tpu.enqueue_indirect_dma source(%dma_start3A_176 : memref<128x128xf32, #tpu.memory_space<vmem>>) target(%dma_start3A_182 : memref<10240x128xf32, #tpu.memory_space<vmem_shared>>) offsets(%dma_start3A_179 : memref<128xi32, #tpu.memory_space<vmem>>) semaphore(%run_scoped3A_4 : memref<!tpu.dma_semaphore, #tpu.memory_space<semaphore_mem>>) {add = true}
      %scan3A_183 = arith.constant 0 : i32
      %scan3A_184 = arith.constant 19 : i32
      %scan3A_185 = arith.addi %scan3A_183, %scan3A_184 : i32
      %scan3A_186 = arith.constant 1 : i32
      scf.for %scan3A_212 = %scan3A_183 to %scan3A_185 step %scan3A_186  : i32 {
        %mul3A_213 = arith.constant 1 : i32
        %mul3A_214 = arith.muli %scan3A_212, %mul3A_213 : i32
        %add3A_215 = arith.constant 1 : i32
        %add3A_216 = arith.addi %add3A_215, %mul3A_214 : i32
        %mul3A_217 = arith.constant 2 : i32
        %mul3A_218 = arith.muli %add3A_216, %mul3A_217 : i32
        %add3A_219 = arith.constant 0 : i32
        %add3A_220 = arith.addi %mul3A_218, %add3A_219 : i32
        %sub3A = arith.constant 2 : i32
        %sub3A_221 = arith.subi %add3A_220, %sub3A : i32
        %dma_wait3A_222 = arith.constant 0 : i32
        %dma_wait3A_223 = arith.constant 0 : i32
        %dma_wait3A_224 = arith.constant 0 : i32
        %dma_wait3A_225 = tpu.memref_slice %arg8[%dma_wait3A_222, %dma_wait3A_223, %dma_wait3A_224] : memref<2x128x128xf32, #tpu.memory_space<vmem>> -> memref<1x128x128xf32, #tpu.memory_space<vmem>>
        %dma_wait3A_226 = tpu.memref_squeeze %dma_wait3A_225 : memref<1x128x128xf32, #tpu.memory_space<vmem>> -> memref<128x128xf32, #tpu.memory_space<vmem>>
        %dma_wait3A_227 = arith.constant 0 : i32
        %dma_wait3A_228 = tpu.memref_slice %arg7[%sub3A_221, %dma_wait3A_227] : memref<40x128xi32, #tpu.memory_space<vmem>> -> memref<1x128xi32, #tpu.memory_space<vmem>>
        %dma_wait3A_229 = tpu.memref_squeeze %dma_wait3A_228 : memref<1x128xi32, #tpu.memory_space<vmem>> -> memref<128xi32, #tpu.memory_space<vmem>>
        %dma_wait3A_230 = arith.constant 0 : i32
        %dma_wait3A_231 = arith.constant 0 : i32
        %dma_wait3A_232 = tpu.memref_slice %arg9[%dma_wait3A_230, %dma_wait3A_231] : memref<10240x128xf32, #tpu.memory_space<vmem_shared>> -> memref<10240x128xf32, #tpu.memory_space<vmem_shared>>
        tpu.wait_indirect_dma semaphore(%run_scoped3A_4 : memref<!tpu.dma_semaphore, #tpu.memory_space<semaphore_mem>>) src(%dma_wait3A_226 : memref<128x128xf32, #tpu.memory_space<vmem>>) dst(%dma_wait3A_232 : memref<10240x128xf32, #tpu.memory_space<vmem_shared>>)
        %dma_start3A_233 = arith.constant 0 : i32
        %dma_start3A_234 = arith.constant 0 : i32
        %dma_start3A_235 = arith.constant 0 : i32
        %dma_start3A_236 = tpu.memref_slice %arg8[%dma_start3A_233, %dma_start3A_234, %dma_start3A_235] : memref<2x128x128xf32, #tpu.memory_space<vmem>> -> memref<1x128x128xf32, #tpu.memory_space<vmem>>
        %dma_start3A_237 = tpu.memref_squeeze %dma_start3A_236 : memref<1x128x128xf32, #tpu.memory_space<vmem>> -> memref<128x128xf32, #tpu.memory_space<vmem>>
        %dma_start3A_238 = arith.constant 0 : i32
        %dma_start3A_239 = tpu.memref_slice %arg6[%add3A_220, %dma_start3A_238] : memref<40x128xi32, #tpu.memory_space<vmem>> -> memref<1x128xi32, #tpu.memory_space<vmem>>
        %dma_start3A_240 = tpu.memref_squeeze %dma_start3A_239 : memref<1x128xi32, #tpu.memory_space<vmem>> -> memref<128xi32, #tpu.memory_space<vmem>>
        %dma_start3A_241 = arith.constant 0 : i32
        %dma_start3A_242 = arith.constant 0 : i32
        %dma_start3A_243 = tpu.memref_slice %arg2[%dma_start3A_241, %dma_start3A_242] : memref<20480x128xf32, #tpu.memory_space<hbm>> -> memref<20480x128xf32, #tpu.memory_space<hbm>>
        tpu.enqueue_indirect_dma source(%dma_start3A_243 : memref<20480x128xf32, #tpu.memory_space<hbm>>) target(%dma_start3A_237 : memref<128x128xf32, #tpu.memory_space<vmem>>) offsets(%dma_start3A_240 : memref<128xi32, #tpu.memory_space<vmem>>) semaphore(%run_scoped3A : memref<!tpu.dma_semaphore, #tpu.memory_space<semaphore_mem>>)
        %dma_wait3A_244 = arith.constant 0 : i32
        %dma_wait3A_245 = arith.constant 0 : i32
        %dma_wait3A_246 = arith.constant 0 : i32
        %dma_wait3A_247 = tpu.memref_slice %arg8[%dma_wait3A_244, %dma_wait3A_245, %dma_wait3A_246] : memref<2x128x128xf32, #tpu.memory_space<vmem>> -> memref<1x128x128xf32, #tpu.memory_space<vmem>>
        %dma_wait3A_248 = tpu.memref_squeeze %dma_wait3A_247 : memref<1x128x128xf32, #tpu.memory_space<vmem>> -> memref<128x128xf32, #tpu.memory_space<vmem>>
        %dma_wait3A_249 = arith.constant 0 : i32
        %dma_wait3A_250 = tpu.memref_slice %arg6[%add3A_220, %dma_wait3A_249] : memref<40x128xi32, #tpu.memory_space<vmem>> -> memref<1x128xi32, #tpu.memory_space<vmem>>
        %dma_wait3A_251 = tpu.memref_squeeze %dma_wait3A_250 : memref<1x128xi32, #tpu.memory_space<vmem>> -> memref<128xi32, #tpu.memory_space<vmem>>
        %dma_wait3A_252 = arith.constant 0 : i32
        %dma_wait3A_253 = arith.constant 0 : i32
        %dma_wait3A_254 = tpu.memref_slice %arg2[%dma_wait3A_252, %dma_wait3A_253] : memref<20480x128xf32, #tpu.memory_space<hbm>> -> memref<20480x128xf32, #tpu.memory_space<hbm>>
        tpu.wait_indirect_dma semaphore(%run_scoped3A : memref<!tpu.dma_semaphore, #tpu.memory_space<semaphore_mem>>) src(%dma_wait3A_254 : memref<20480x128xf32, #tpu.memory_space<hbm>>) dst(%dma_wait3A_248 : memref<128x128xf32, #tpu.memory_space<vmem>>)
        %dma_start3A_255 = arith.constant 0 : i32
        %dma_start3A_256 = arith.constant 0 : i32
        %dma_start3A_257 = arith.constant 0 : i32
        %dma_start3A_258 = tpu.memref_slice %arg8[%dma_start3A_255, %dma_start3A_256, %dma_start3A_257] : memref<2x128x128xf32, #tpu.memory_space<vmem>> -> memref<1x128x128xf32, #tpu.memory_space<vmem>>
        %dma_start3A_259 = tpu.memref_squeeze %dma_start3A_258 : memref<1x128x128xf32, #tpu.memory_space<vmem>> -> memref<128x128xf32, #tpu.memory_space<vmem>>
        %dma_start3A_260 = arith.constant 0 : i32
        %dma_start3A_261 = tpu.memref_slice %arg7[%add3A_220, %dma_start3A_260] : memref<40x128xi32, #tpu.memory_space<vmem>> -> memref<1x128xi32, #tpu.memory_space<vmem>>
        %dma_start3A_262 = tpu.memref_squeeze %dma_start3A_261 : memref<1x128xi32, #tpu.memory_space<vmem>> -> memref<128xi32, #tpu.memory_space<vmem>>
        %dma_start3A_263 = arith.constant 0 : i32
        %dma_start3A_264 = arith.constant 0 : i32
        %dma_start3A_265 = tpu.memref_slice %arg9[%dma_start3A_263, %dma_start3A_264] : memref<10240x128xf32, #tpu.memory_space<vmem_shared>> -> memref<10240x128xf32, #tpu.memory_space<vmem_shared>>
        tpu.enqueue_indirect_dma source(%dma_start3A_259 : memref<128x128xf32, #tpu.memory_space<vmem>>) target(%dma_start3A_265 : memref<10240x128xf32, #tpu.memory_space<vmem_shared>>) offsets(%dma_start3A_262 : memref<128xi32, #tpu.memory_space<vmem>>) semaphore(%run_scoped3A_4 : memref<!tpu.dma_semaphore, #tpu.memory_space<semaphore_mem>>) {add = true}
        %add3A_266 = arith.constant 1 : i32
        %add3A_267 = arith.addi %mul3A_218, %add3A_266 : i32
        %sub3A_268 = arith.constant 2 : i32
        %sub3A_269 = arith.subi %add3A_267, %sub3A_268 : i32
        %dma_wait3A_270 = arith.constant 1 : i32
        %dma_wait3A_271 = arith.constant 0 : i32
        %dma_wait3A_272 = arith.constant 0 : i32
        %dma_wait3A_273 = tpu.memref_slice %arg8[%dma_wait3A_270, %dma_wait3A_271, %dma_wait3A_272] : memref<2x128x128xf32, #tpu.memory_space<vmem>> -> memref<1x128x128xf32, #tpu.memory_space<vmem>>
        %dma_wait3A_274 = tpu.memref_squeeze %dma_wait3A_273 : memref<1x128x128xf32, #tpu.memory_space<vmem>> -> memref<128x128xf32, #tpu.memory_space<vmem>>
        %dma_wait3A_275 = arith.constant 0 : i32
        %dma_wait3A_276 = tpu.memref_slice %arg7[%sub3A_269, %dma_wait3A_275] : memref<40x128xi32, #tpu.memory_space<vmem>> -> memref<1x128xi32, #tpu.memory_space<vmem>>
        %dma_wait3A_277 = tpu.memref_squeeze %dma_wait3A_276 : memref<1x128xi32, #tpu.memory_space<vmem>> -> memref<128xi32, #tpu.memory_space<vmem>>
        %dma_wait3A_278 = arith.constant 0 : i32
        %dma_wait3A_279 = arith.constant 0 : i32
        %dma_wait3A_280 = tpu.memref_slice %arg9[%dma_wait3A_278, %dma_wait3A_279] : memref<10240x128xf32, #tpu.memory_space<vmem_shared>> -> memref<10240x128xf32, #tpu.memory_space<vmem_shared>>
        tpu.wait_indirect_dma semaphore(%run_scoped3A_4 : memref<!tpu.dma_semaphore, #tpu.memory_space<semaphore_mem>>) src(%dma_wait3A_274 : memref<128x128xf32, #tpu.memory_space<vmem>>) dst(%dma_wait3A_280 : memref<10240x128xf32, #tpu.memory_space<vmem_shared>>)
        %dma_start3A_281 = arith.constant 1 : i32
        %dma_start3A_282 = arith.constant 0 : i32
        %dma_start3A_283 = arith.constant 0 : i32
        %dma_start3A_284 = tpu.memref_slice %arg8[%dma_start3A_281, %dma_start3A_282, %dma_start3A_283] : memref<2x128x128xf32, #tpu.memory_space<vmem>> -> memref<1x128x128xf32, #tpu.memory_space<vmem>>
        %dma_start3A_285 = tpu.memref_squeeze %dma_start3A_284 : memref<1x128x128xf32, #tpu.memory_space<vmem>> -> memref<128x128xf32, #tpu.memory_space<vmem>>
        %dma_start3A_286 = arith.constant 0 : i32
        %dma_start3A_287 = tpu.memref_slice %arg6[%add3A_267, %dma_start3A_286] : memref<40x128xi32, #tpu.memory_space<vmem>> -> memref<1x128xi32, #tpu.memory_space<vmem>>
        %dma_start3A_288 = tpu.memref_squeeze %dma_start3A_287 : memref<1x128xi32, #tpu.memory_space<vmem>> -> memref<128xi32, #tpu.memory_space<vmem>>
        %dma_start3A_289 = arith.constant 0 : i32
        %dma_start3A_290 = arith.constant 0 : i32
        %dma_start3A_291 = tpu.memref_slice %arg2[%dma_start3A_289, %dma_start3A_290] : memref<20480x128xf32, #tpu.memory_space<hbm>> -> memref<20480x128xf32, #tpu.memory_space<hbm>>
        tpu.enqueue_indirect_dma source(%dma_start3A_291 : memref<20480x128xf32, #tpu.memory_space<hbm>>) target(%dma_start3A_285 : memref<128x128xf32, #tpu.memory_space<vmem>>) offsets(%dma_start3A_288 : memref<128xi32, #tpu.memory_space<vmem>>) semaphore(%run_scoped3A : memref<!tpu.dma_semaphore, #tpu.memory_space<semaphore_mem>>)
        %dma_wait3A_292 = arith.constant 1 : i32
        %dma_wait3A_293 = arith.constant 0 : i32
        %dma_wait3A_294 = arith.constant 0 : i32
        %dma_wait3A_295 = tpu.memref_slice %arg8[%dma_wait3A_292, %dma_wait3A_293, %dma_wait3A_294] : memref<2x128x128xf32, #tpu.memory_space<vmem>> -> memref<1x128x128xf32, #tpu.memory_space<vmem>>
        %dma_wait3A_296 = tpu.memref_squeeze %dma_wait3A_295 : memref<1x128x128xf32, #tpu.memory_space<vmem>> -> memref<128x128xf32, #tpu.memory_space<vmem>>
        %dma_wait3A_297 = arith.constant 0 : i32
        %dma_wait3A_298 = tpu.memref_slice %arg6[%add3A_267, %dma_wait3A_297] : memref<40x128xi32, #tpu.memory_space<vmem>> -> memref<1x128xi32, #tpu.memory_space<vmem>>
        %dma_wait3A_299 = tpu.memref_squeeze %dma_wait3A_298 : memref<1x128xi32, #tpu.memory_space<vmem>> -> memref<128xi32, #tpu.memory_space<vmem>>
        %dma_wait3A_300 = arith.constant 0 : i32
        %dma_wait3A_301 = arith.constant 0 : i32
        %dma_wait3A_302 = tpu.memref_slice %arg2[%dma_wait3A_300, %dma_wait3A_301] : memref<20480x128xf32, #tpu.memory_space<hbm>> -> memref<20480x128xf32, #tpu.memory_space<hbm>>
        tpu.wait_indirect_dma semaphore(%run_scoped3A : memref<!tpu.dma_semaphore, #tpu.memory_space<semaphore_mem>>) src(%dma_wait3A_302 : memref<20480x128xf32, #tpu.memory_space<hbm>>) dst(%dma_wait3A_296 : memref<128x128xf32, #tpu.memory_space<vmem>>)
        %dma_start3A_303 = arith.constant 1 : i32
        %dma_start3A_304 = arith.constant 0 : i32
        %dma_start3A_305 = arith.constant 0 : i32
        %dma_start3A_306 = tpu.memref_slice %arg8[%dma_start3A_303, %dma_start3A_304, %dma_start3A_305] : memref<2x128x128xf32, #tpu.memory_space<vmem>> -> memref<1x128x128xf32, #tpu.memory_space<vmem>>
        %dma_start3A_307 = tpu.memref_squeeze %dma_start3A_306 : memref<1x128x128xf32, #tpu.memory_space<vmem>> -> memref<128x128xf32, #tpu.memory_space<vmem>>
        %dma_start3A_308 = arith.constant 0 : i32
        %dma_start3A_309 = tpu.memref_slice %arg7[%add3A_267, %dma_start3A_308] : memref<40x128xi32, #tpu.memory_space<vmem>> -> memref<1x128xi32, #tpu.memory_space<vmem>>
        %dma_start3A_310 = tpu.memref_squeeze %dma_start3A_309 : memref<1x128xi32, #tpu.memory_space<vmem>> -> memref<128xi32, #tpu.memory_space<vmem>>
        %dma_start3A_311 = arith.constant 0 : i32
        %dma_start3A_312 = arith.constant 0 : i32
        %dma_start3A_313 = tpu.memref_slice %arg9[%dma_start3A_311, %dma_start3A_312] : memref<10240x128xf32, #tpu.memory_space<vmem_shared>> -> memref<10240x128xf32, #tpu.memory_space<vmem_shared>>
        tpu.enqueue_indirect_dma source(%dma_start3A_307 : memref<128x128xf32, #tpu.memory_space<vmem>>) target(%dma_start3A_313 : memref<10240x128xf32, #tpu.memory_space<vmem_shared>>) offsets(%dma_start3A_310 : memref<128xi32, #tpu.memory_space<vmem>>) semaphore(%run_scoped3A_4 : memref<!tpu.dma_semaphore, #tpu.memory_space<semaphore_mem>>) {add = true}
      }
      %scan3A_187 = arith.constant 19 : i32
      %dma_wait3A_188 = arith.constant 0 : i32
      %dma_wait3A_189 = arith.constant 38 : i32
      %dma_wait3A_190 = arith.constant 0 : i32
      %dma_wait3A_191 = arith.constant 0 : i32
      %dma_wait3A_192 = tpu.memref_slice %arg8[%dma_wait3A_188, %dma_wait3A_190, %dma_wait3A_191] : memref<2x128x128xf32, #tpu.memory_space<vmem>> -> memref<1x128x128xf32, #tpu.memory_space<vmem>>
      %dma_wait3A_193 = tpu.memref_squeeze %dma_wait3A_192 : memref<1x128x128xf32, #tpu.memory_space<vmem>> -> memref<128x128xf32, #tpu.memory_space<vmem>>
      %dma_wait3A_194 = arith.constant 0 : i32
      %dma_wait3A_195 = tpu.memref_slice %arg7[%dma_wait3A_189, %dma_wait3A_194] : memref<40x128xi32, #tpu.memory_space<vmem>> -> memref<1x128xi32, #tpu.memory_space<vmem>>
      %dma_wait3A_196 = tpu.memref_squeeze %dma_wait3A_195 : memref<1x128xi32, #tpu.memory_space<vmem>> -> memref<128xi32, #tpu.memory_space<vmem>>
      %dma_wait3A_197 = arith.constant 0 : i32
      %dma_wait3A_198 = arith.constant 0 : i32
      %dma_wait3A_199 = tpu.memref_slice %arg9[%dma_wait3A_197, %dma_wait3A_198] : memref<10240x128xf32, #tpu.memory_space<vmem_shared>> -> memref<10240x128xf32, #tpu.memory_space<vmem_shared>>
      tpu.wait_indirect_dma semaphore(%run_scoped3A_4 : memref<!tpu.dma_semaphore, #tpu.memory_space<semaphore_mem>>) src(%dma_wait3A_193 : memref<128x128xf32, #tpu.memory_space<vmem>>) dst(%dma_wait3A_199 : memref<10240x128xf32, #tpu.memory_space<vmem_shared>>)
      %dma_wait3A_200 = arith.constant 1 : i32
      %dma_wait3A_201 = arith.constant 39 : i32
      %dma_wait3A_202 = arith.constant 0 : i32
      %dma_wait3A_203 = arith.constant 0 : i32
      %dma_wait3A_204 = tpu.memref_slice %arg8[%dma_wait3A_200, %dma_wait3A_202, %dma_wait3A_203] : memref<2x128x128xf32, #tpu.memory_space<vmem>> -> memref<1x128x128xf32, #tpu.memory_space<vmem>>
      %dma_wait3A_205 = tpu.memref_squeeze %dma_wait3A_204 : memref<1x128x128xf32, #tpu.memory_space<vmem>> -> memref<128x128xf32, #tpu.memory_space<vmem>>
      %dma_wait3A_206 = arith.constant 0 : i32
      %dma_wait3A_207 = tpu.memref_slice %arg7[%dma_wait3A_201, %dma_wait3A_206] : memref<40x128xi32, #tpu.memory_space<vmem>> -> memref<1x128xi32, #tpu.memory_space<vmem>>
      %dma_wait3A_208 = tpu.memref_squeeze %dma_wait3A_207 : memref<1x128xi32, #tpu.memory_space<vmem>> -> memref<128xi32, #tpu.memory_space<vmem>>
      %dma_wait3A_209 = arith.constant 0 : i32
      %dma_wait3A_210 = arith.constant 0 : i32
      %dma_wait3A_211 = tpu.memref_slice %arg9[%dma_wait3A_209, %dma_wait3A_210] : memref<10240x128xf32, #tpu.memory_space<vmem_shared>> -> memref<10240x128xf32, #tpu.memory_space<vmem_shared>>
      tpu.wait_indirect_dma semaphore(%run_scoped3A_4 : memref<!tpu.dma_semaphore, #tpu.memory_space<semaphore_mem>>) src(%dma_wait3A_205 : memref<128x128xf32, #tpu.memory_space<vmem>>) dst(%dma_wait3A_211 : memref<10240x128xf32, #tpu.memory_space<vmem_shared>>)
      tpu.yield
    }) : () -> ()
    %barrier3A_3 = arith.constant 0 : index
    tpu.barrier barrier_id(%barrier3A_3)
    "tpu.region"() ({
      %run_scoped3A = tpu.sem_alloc : memref<!tpu.dma_semaphore, #tpu.memory_space<semaphore_mem>>
      %dma_start3A = arith.constant 0 : i32
      %dma_start3A_4 = tpu.memref_slice %arg5[%arg0, %mul3A_0, %dma_start3A] : memref<2x10240x128xf32, #tpu.memory_space<hbm>> -> memref<1x640x128xf32, #tpu.memory_space<hbm>>
      %dma_start3A_5 = tpu.memref_squeeze %dma_start3A_4 : memref<1x640x128xf32, #tpu.memory_space<hbm>> -> memref<640x128xf32, #tpu.memory_space<hbm>>
      %dma_start3A_6 = arith.constant 0 : i32
      %dma_start3A_7 = tpu.memref_slice %arg9[%mul3A_0, %dma_start3A_6] : memref<10240x128xf32, #tpu.memory_space<vmem_shared>> -> memref<640x128xf32, #tpu.memory_space<vmem_shared>>
      tpu.enqueue_dma source(%dma_start3A_7 : memref<640x128xf32, #tpu.memory_space<vmem_shared>>) target(%dma_start3A_5 : memref<640x128xf32, #tpu.memory_space<hbm>>) target_semaphore(%run_scoped3A : memref<!tpu.dma_semaphore, #tpu.memory_space<semaphore_mem>>)
      %dma_wait3A = arith.constant 0 : i32
      %dma_wait3A_8 = tpu.memref_slice %arg5[%arg0, %mul3A_0, %dma_wait3A] : memref<2x10240x128xf32, #tpu.memory_space<hbm>> -> memref<1x640x128xf32, #tpu.memory_space<hbm>>
      %dma_wait3A_9 = tpu.memref_squeeze %dma_wait3A_8 : memref<1x640x128xf32, #tpu.memory_space<hbm>> -> memref<640x128xf32, #tpu.memory_space<hbm>>
      %dma_wait3A_10 = arith.constant 0 : i32
      %dma_wait3A_11 = tpu.memref_slice %arg9[%mul3A_0, %dma_wait3A_10] : memref<10240x128xf32, #tpu.memory_space<vmem_shared>> -> memref<640x128xf32, #tpu.memory_space<vmem_shared>>
      tpu.wait_dma2 semaphore(%run_scoped3A : memref<!tpu.dma_semaphore, #tpu.memory_space<semaphore_mem>>) src(%dma_wait3A_11 : memref<640x128xf32, #tpu.memory_space<vmem_shared>>) dst(%dma_wait3A_9 : memref<640x128xf32, #tpu.memory_space<hbm>>)
      tpu.yield
    }) : () -> ()
    return
  }
}

module attributes {stable_mosaic.version = 14 : i64} {
  func.func @_tc1_body(%arg0: i32, %arg1: memref<2x10240x128xf32, #tpu.memory_space<vmem>>, %arg2: memref<10240x128xf32, #tpu.memory_space<vmem>>, %arg3: memref<1x10240x128xf32, #tpu.memory_space<vmem>>, %arg4: memref<10240x1xf32, #tpu.memory_space<vmem>>) attributes {dimension_semantics = [#tpu.dimension_semantics<arbitrary>], iteration_bounds = array<i64: 2>, scalar_prefetch = 0 : i64, scratch_operands = 0 : i64, tpu.core_type = #tpu.core_type<tc>, window_params = [{pipeline_mode = #tpu.pipeline_mode<synchronous>, transform_indices = @transform_0, window_bounds = array<i64: 2, 10240, 128>}, {transform_indices = @transform_1, window_bounds = array<i64: 10240, 128>}, {transform_indices = @transform_2, window_bounds = array<i64: 1, 10240, 128>}, {pipeline_mode = #tpu.pipeline_mode<synchronous>, transform_indices = @transform_3, window_bounds = array<i64: 10240, 1>}]} {
    %get3A = arith.constant 0 : index
    %get3A_0 = arith.constant 0 : index
    %get3A_1 = arith.constant 0 : index
    %get3A_2 = vector.load %arg1[%get3A, %get3A_0, %get3A_1] : memref<2x10240x128xf32, #tpu.memory_space<vmem>>, vector<1x10240x1xf32>
    %get3A_3 = vector.shape_cast %get3A_2 : vector<1x10240x1xf32> to vector<10240x1xf32>
    %get3A_4 = arith.constant 1 : index
    %get3A_5 = arith.constant 0 : index
    %get3A_6 = arith.constant 0 : index
    %get3A_7 = vector.load %arg1[%get3A_4, %get3A_5, %get3A_6] : memref<2x10240x128xf32, #tpu.memory_space<vmem>>, vector<1x10240x1xf32>
    %get3A_8 = vector.shape_cast %get3A_7 : vector<1x10240x1xf32> to vector<10240x1xf32>
    %add3A = arith.addf %get3A_3, %get3A_8 : vector<10240x1xf32>
    %add3A_9 = arith.constant 1.000000e+00 : f32
    %add3A_10 = vector.broadcast %add3A_9 : f32 to vector<10240x1xf32>
    %add3A_11 = arith.addf %add3A, %add3A_10 : vector<10240x1xf32>
    %rsqrt3A = math.rsqrt %add3A_11 : vector<10240x1xf32>
    %swap3A = arith.constant 0 : index
    %swap3A_12 = arith.constant 0 : index
    %swap3A_13 = vector.load %arg4[%swap3A, %swap3A_12] : memref<10240x1xf32, #tpu.memory_space<vmem>>, vector<10240x1xf32>
    tpu.vector_store %arg4[%swap3A, %swap3A_12], %rsqrt3A {strides = array<i32>} : memref<10240x1xf32, #tpu.memory_space<vmem>>, vector<10240x1xf32>,
    %get3A_14 = arith.constant 0 : index
    %get3A_15 = arith.constant 0 : index
    %get3A_16 = vector.load %arg2[%get3A_14, %get3A_15] : memref<10240x128xf32, #tpu.memory_space<vmem>>, vector<10240x128xf32>
    %mul3A = vector.broadcast %rsqrt3A : vector<10240x1xf32> to vector<10240x128xf32>
    %mul3A_17 = arith.mulf %get3A_16, %mul3A : vector<10240x128xf32>
    %swap3A_18 = arith.constant 0 : index
    %swap3A_19 = arith.constant 0 : index
    %swap3A_20 = arith.constant 0 : index
    %swap3A_21 = vector.load %arg3[%swap3A_18, %swap3A_19, %swap3A_20] : memref<1x10240x128xf32, #tpu.memory_space<vmem>>, vector<1x10240x128xf32>
    %swap3A_22 = vector.shape_cast %swap3A_21 : vector<1x10240x128xf32> to vector<10240x128xf32>
    %swap3A_23 = vector.shape_cast %mul3A_17 : vector<10240x128xf32> to vector<1x10240x128xf32>
    tpu.vector_store %arg3[%swap3A_18, %swap3A_19, %swap3A_20], %swap3A_23 {strides = array<i32>} : memref<1x10240x128xf32, #tpu.memory_space<vmem>>, vector<1x10240x128xf32>,
    return
  }
  func.func @transform_0(%arg0: i32) -> (i32, i32, i32) {
    %c0_i32 = arith.constant 0 : i32
    %c0_i32_0 = arith.constant 0 : i32
    %c0_i32_1 = arith.constant 0 : i32
    %c0_i32_2 = arith.constant 0 : i32
    return %c0_i32, %c0_i32_0, %c0_i32_1 : i32, i32, i32
  }
  func.func @transform_1(%arg0: i32) -> (i32, i32) {
    %c0_i32 = arith.constant 0 : i32
    %c0_i32_0 = arith.constant 0 : i32
    return %c0_i32, %arg0 : i32, i32
  }
  func.func @transform_2(%arg0: i32) -> (i32, i32, i32) {
    %c0_i32 = arith.constant 0 : i32
    %c0_i32_0 = arith.constant 0 : i32
    %c0_i32_1 = arith.constant 0 : i32
    return %arg0, %c0_i32, %c0_i32_0 : i32, i32, i32
  }
  func.func @transform_3(%arg0: i32) -> (i32, i32) {
    %c0_i32 = arith.constant 0 : i32
    %c0_i32_0 = arith.constant 0 : i32
    %c0_i32_1 = arith.constant 0 : i32
    return %c0_i32, %c0_i32_0 : i32, i32
  }
}

module attributes {stable_mosaic.version = 14 : i64} {
  func.func @_tc2_body(%arg0: i32, %arg1: memref<2x2560x128xf32, #tpu.memory_space<vmem>>, %arg2: memref<2560x1xf32, #tpu.memory_space<vmem>>, %arg3: memref<2560x512xbf16, #tpu.memory_space<vmem>>, %arg4: memref<256x512xf32, #tpu.memory_space<vmem>>, %arg5: memref<1x512xf32, #tpu.memory_space<vmem>>, %arg6: memref<512x256xf32, #tpu.memory_space<vmem>>, %arg7: memref<2x2560x128xf32, #tpu.memory_space<vmem>>) attributes {dimension_semantics = [#tpu.dimension_semantics<arbitrary>], iteration_bounds = array<i64: 4>, scalar_prefetch = 0 : i64, scratch_operands = 0 : i64, tpu.core_type = #tpu.core_type<tc>, window_params = [{transform_indices = @transform_0, window_bounds = array<i64: 2, 2560, 128>}, {transform_indices = @transform_1, window_bounds = array<i64: 2560, 1>}, {transform_indices = @transform_2, window_bounds = array<i64: 2560, 512>}, {pipeline_mode = #tpu.pipeline_mode<synchronous>, transform_indices = @transform_3, window_bounds = array<i64: 256, 512>}, {pipeline_mode = #tpu.pipeline_mode<synchronous>, transform_indices = @transform_4, window_bounds = array<i64: 1, 512>}, {pipeline_mode = #tpu.pipeline_mode<synchronous>, transform_indices = @transform_5, window_bounds = array<i64: 512, 256>}, {transform_indices = @transform_6, window_bounds = array<i64: 2, 2560, 128>}]} {
    %get3A = arith.constant 0 : index
    %get3A_0 = arith.constant 0 : index
    %get3A_1 = vector.load %arg2[%get3A, %get3A_0] : memref<2560x1xf32, #tpu.memory_space<vmem>>, vector<2560x1xf32>
    %get3A_2 = arith.constant 0 : index
    %get3A_3 = arith.constant 0 : index
    %get3A_4 = arith.constant 0 : index
    %get3A_5 = vector.load %arg1[%get3A_2, %get3A_3, %get3A_4] : memref<2x2560x128xf32, #tpu.memory_space<vmem>>, vector<1x2560x128xf32>
    %get3A_6 = vector.shape_cast %get3A_5 : vector<1x2560x128xf32> to vector<2560x128xf32>
    %mul3A = vector.broadcast %get3A_1 : vector<2560x1xf32> to vector<2560x128xf32>
    %mul3A_7 = arith.mulf %get3A_6, %mul3A : vector<2560x128xf32>
    %get3A_8 = arith.constant 1 : index
    %get3A_9 = arith.constant 0 : index
    %get3A_10 = arith.constant 0 : index
    %get3A_11 = vector.load %arg1[%get3A_8, %get3A_9, %get3A_10] : memref<2x2560x128xf32, #tpu.memory_space<vmem>>, vector<1x2560x128xf32>
    %get3A_12 = vector.shape_cast %get3A_11 : vector<1x2560x128xf32> to vector<2560x128xf32>
    %mul3A_13 = vector.broadcast %get3A_1 : vector<2560x1xf32> to vector<2560x128xf32>
    %mul3A_14 = arith.mulf %get3A_12, %mul3A_13 : vector<2560x128xf32>
    %concatenate3A = tpu.concatenate %mul3A_7, %mul3A_14 in 1 : vector<2560x128xf32>, vector<2560x128xf32> -> vector<2560x256xf32>
    %get3A_15 = arith.constant 0 : index
    %get3A_16 = arith.constant 0 : index
    %get3A_17 = vector.load %arg4[%get3A_15, %get3A_16] : memref<256x512xf32, #tpu.memory_space<vmem>>, vector<256x512xf32>
    %dot_general3A = arith.constant dense<0.000000e+00> : vector<2560x512xf32>
    %dot_general3A_18 = tpu.matmul %concatenate3A, %get3A_17, %dot_general3A {dimension_numbers = #tpu.dot_dimension_numbers<[1], [0], [0], [1], [0, 0, 1, 1], [], []>, transpose_lhs_hint = false} : vector<2560x256xf32>, vector<256x512xf32>, vector<2560x512xf32> -> vector<2560x512xf32>
    %get3A_19 = arith.constant 0 : index
    %get3A_20 = arith.constant 0 : index
    %get3A_21 = vector.load %arg5[%get3A_19, %get3A_20] : memref<1x512xf32, #tpu.memory_space<vmem>>, vector<1x512xf32>
    %add3A = vector.broadcast %get3A_21 : vector<1x512xf32> to vector<2560x512xf32>
    %add3A_22 = arith.addf %dot_general3A_18, %add3A : vector<2560x512xf32>
    %gt3A = arith.constant 0.000000e+00 : f32
    %gt3A_23 = vector.broadcast %gt3A : f32 to vector<2560x512xf32>
    %gt3A_24 = arith.cmpf ogt, %add3A_22, %gt3A_23 : vector<2560x512xf32>
    %mul3A_25 = arith.constant 0.00999999977 : f32
    %mul3A_26 = vector.broadcast %mul3A_25 : f32 to vector<2560x512xf32>
    %mul3A_27 = arith.mulf %mul3A_26, %add3A_22 : vector<2560x512xf32>
    %select_n3A = arith.select %gt3A_24, %add3A_22, %mul3A_27 : vector<2560x512xi1>, vector<2560x512xf32>
    %get3A_28 = arith.constant 0 : index
    %get3A_29 = arith.constant 0 : index
    %get3A_30 = vector.load %arg3[%get3A_28, %get3A_29] : memref<2560x512xbf16, #tpu.memory_space<vmem>>, vector<2560x512xbf16>
    %convert_element_type3A = arith.extf %get3A_30 : vector<2560x512xbf16> to vector<2560x512xf32>
    %mul3A_31 = arith.mulf %select_n3A, %convert_element_type3A : vector<2560x512xf32>
    %get3A_32 = arith.constant 0 : index
    %get3A_33 = arith.constant 0 : index
    %get3A_34 = vector.load %arg6[%get3A_32, %get3A_33] : memref<512x256xf32, #tpu.memory_space<vmem>>, vector<512x256xf32>
    %dot_general3A_35 = arith.constant dense<0.000000e+00> : vector<2560x256xf32>
    %dot_general3A_36 = tpu.matmul %mul3A_31, %get3A_34, %dot_general3A_35 {dimension_numbers = #tpu.dot_dimension_numbers<[1], [0], [0], [1], [0, 0, 1, 1], [], []>, transpose_lhs_hint = false} : vector<2560x512xf32>, vector<512x256xf32>, vector<2560x256xf32> -> vector<2560x256xf32>
    %slice3A = vector.extract_strided_slice %dot_general3A_36 {offsets = [0, 0], sizes = [2560, 128], strides = [1, 1]} : vector<2560x256xf32> to vector<2560x128xf32>
    %mul3A_37 = vector.broadcast %get3A_1 : vector<2560x1xf32> to vector<2560x128xf32>
    %mul3A_38 = arith.mulf %slice3A, %mul3A_37 : vector<2560x128xf32>
    %swap3A = arith.constant 0 : index
    %swap3A_39 = arith.constant 0 : index
    %swap3A_40 = arith.constant 0 : index
    %swap3A_41 = vector.load %arg7[%swap3A, %swap3A_39, %swap3A_40] : memref<2x2560x128xf32, #tpu.memory_space<vmem>>, vector<1x2560x128xf32>
    %swap3A_42 = vector.shape_cast %swap3A_41 : vector<1x2560x128xf32> to vector<2560x128xf32>
    %swap3A_43 = vector.shape_cast %mul3A_38 : vector<2560x128xf32> to vector<1x2560x128xf32>
    tpu.vector_store %arg7[%swap3A, %swap3A_39, %swap3A_40], %swap3A_43 {strides = array<i32>} : memref<2x2560x128xf32, #tpu.memory_space<vmem>>, vector<1x2560x128xf32>,
    %slice3A_44 = vector.extract_strided_slice %dot_general3A_36 {offsets = [0, 128], sizes = [2560, 128], strides = [1, 1]} : vector<2560x256xf32> to vector<2560x128xf32>
    %mul3A_45 = vector.broadcast %get3A_1 : vector<2560x1xf32> to vector<2560x128xf32>
    %mul3A_46 = arith.mulf %slice3A_44, %mul3A_45 : vector<2560x128xf32>
    %swap3A_47 = arith.constant 1 : index
    %swap3A_48 = arith.constant 0 : index
    %swap3A_49 = arith.constant 0 : index
    %swap3A_50 = vector.load %arg7[%swap3A_47, %swap3A_48, %swap3A_49] : memref<2x2560x128xf32, #tpu.memory_space<vmem>>, vector<1x2560x128xf32>
    %swap3A_51 = vector.shape_cast %swap3A_50 : vector<1x2560x128xf32> to vector<2560x128xf32>
    %swap3A_52 = vector.shape_cast %mul3A_46 : vector<2560x128xf32> to vector<1x2560x128xf32>
    tpu.vector_store %arg7[%swap3A_47, %swap3A_48, %swap3A_49], %swap3A_52 {strides = array<i32>} : memref<2x2560x128xf32, #tpu.memory_space<vmem>>, vector<1x2560x128xf32>,
    return
  }
  func.func @transform_0(%arg0: i32) -> (i32, i32, i32) {
    %c0_i32 = arith.constant 0 : i32
    %c0_i32_0 = arith.constant 0 : i32
    %c0_i32_1 = arith.constant 0 : i32
    return %c0_i32, %arg0, %c0_i32_0 : i32, i32, i32
  }
  func.func @transform_1(%arg0: i32) -> (i32, i32) {
    %c0_i32 = arith.constant 0 : i32
    %c0_i32_0 = arith.constant 0 : i32
    return %arg0, %c0_i32 : i32, i32
  }
  func.func @transform_2(%arg0: i32) -> (i32, i32) {
    %c0_i32 = arith.constant 0 : i32
    %c0_i32_0 = arith.constant 0 : i32
    return %arg0, %c0_i32 : i32, i32
  }
  func.func @transform_3(%arg0: i32) -> (i32, i32) {
    %c0_i32 = arith.constant 0 : i32
    %c0_i32_0 = arith.constant 0 : i32
    %c0_i32_1 = arith.constant 0 : i32
    return %c0_i32, %c0_i32_0 : i32, i32
  }
  func.func @transform_4(%arg0: i32) -> (i32, i32) {
    %c0_i32 = arith.constant 0 : i32
    %c0_i32_0 = arith.constant 0 : i32
    %c0_i32_1 = arith.constant 0 : i32
    return %c0_i32, %c0_i32_0 : i32, i32
  }
  func.func @transform_5(%arg0: i32) -> (i32, i32) {
    %c0_i32 = arith.constant 0 : i32
    %c0_i32_0 = arith.constant 0 : i32
    %c0_i32_1 = arith.constant 0 : i32
    return %c0_i32, %c0_i32_0 : i32, i32
  }
  func.func @transform_6(%arg0: i32) -> (i32, i32, i32) {
    %c0_i32 = arith.constant 0 : i32
    %c0_i32_0 = arith.constant 0 : i32
    %c0_i32_1 = arith.constant 0 : i32
    return %c0_i32, %arg0, %c0_i32_0 : i32, i32, i32
  }
}

module attributes {stable_mosaic.version = 14 : i64} {
  func.func @_tc3_body(%arg0: i32, %arg1: memref<2x2000x128xf32, #tpu.memory_space<vmem>>, %arg2: memref<2000x1xf32, #tpu.memory_space<vmem>>, %arg3: memref<1x256xf32, #tpu.memory_space<vmem>>, %arg4: memref<2000x256xf32, #tpu.memory_space<vmem>>) attributes {dimension_semantics = [#tpu.dimension_semantics<arbitrary>], iteration_bounds = array<i64: 5>, scalar_prefetch = 0 : i64, scratch_operands = 0 : i64, tpu.core_type = #tpu.core_type<tc>, window_params = [{transform_indices = @transform_0, window_bounds = array<i64: 2, 2000, 128>}, {transform_indices = @transform_1, window_bounds = array<i64: 2000, 1>}, {pipeline_mode = #tpu.pipeline_mode<synchronous>, transform_indices = @transform_2, window_bounds = array<i64: 1, 256>}, {transform_indices = @transform_3, window_bounds = array<i64: 2000, 256>}]} {
    %get3A = arith.constant 0 : index
    %get3A_0 = arith.constant 0 : index
    %get3A_1 = vector.load %arg2[%get3A, %get3A_0] : memref<2000x1xf32, #tpu.memory_space<vmem>>, vector<2000x1xf32>
    %get3A_2 = arith.constant 0 : index
    %get3A_3 = arith.constant 0 : index
    %get3A_4 = arith.constant 0 : index
    %get3A_5 = vector.load %arg1[%get3A_2, %get3A_3, %get3A_4] : memref<2x2000x128xf32, #tpu.memory_space<vmem>>, vector<1x2000x128xf32>
    %get3A_6 = vector.shape_cast %get3A_5 : vector<1x2000x128xf32> to vector<2000x128xf32>
    %mul3A = vector.broadcast %get3A_1 : vector<2000x1xf32> to vector<2000x128xf32>
    %mul3A_7 = arith.mulf %get3A_6, %mul3A : vector<2000x128xf32>
    %get3A_8 = arith.constant 1 : index
    %get3A_9 = arith.constant 0 : index
    %get3A_10 = arith.constant 0 : index
    %get3A_11 = vector.load %arg1[%get3A_8, %get3A_9, %get3A_10] : memref<2x2000x128xf32, #tpu.memory_space<vmem>>, vector<1x2000x128xf32>
    %get3A_12 = vector.shape_cast %get3A_11 : vector<1x2000x128xf32> to vector<2000x128xf32>
    %mul3A_13 = vector.broadcast %get3A_1 : vector<2000x1xf32> to vector<2000x128xf32>
    %mul3A_14 = arith.mulf %get3A_12, %mul3A_13 : vector<2000x128xf32>
    %concatenate3A = tpu.concatenate %mul3A_7, %mul3A_14 in 1 : vector<2000x128xf32>, vector<2000x128xf32> -> vector<2000x256xf32>
    %get3A_15 = arith.constant 0 : index
    %get3A_16 = arith.constant 0 : index
    %get3A_17 = vector.load %arg3[%get3A_15, %get3A_16] : memref<1x256xf32, #tpu.memory_space<vmem>>, vector<1x256xf32>
    %add3A = vector.broadcast %get3A_17 : vector<1x256xf32> to vector<2000x256xf32>
    %add3A_18 = arith.addf %concatenate3A, %add3A : vector<2000x256xf32>
    %gt3A = arith.constant 0.000000e+00 : f32
    %gt3A_19 = vector.broadcast %gt3A : f32 to vector<2000x256xf32>
    %gt3A_20 = arith.cmpf ogt, %add3A_18, %gt3A_19 : vector<2000x256xf32>
    %mul3A_21 = arith.constant 0.00999999977 : f32
    %mul3A_22 = vector.broadcast %mul3A_21 : f32 to vector<2000x256xf32>
    %mul3A_23 = arith.mulf %mul3A_22, %add3A_18 : vector<2000x256xf32>
    %select_n3A = arith.select %gt3A_20, %add3A_18, %mul3A_23 : vector<2000x256xi1>, vector<2000x256xf32>
    %swap3A = arith.constant 0 : index
    %swap3A_24 = arith.constant 0 : index
    %swap3A_25 = vector.load %arg4[%swap3A, %swap3A_24] : memref<2000x256xf32, #tpu.memory_space<vmem>>, vector<2000x256xf32>
    tpu.vector_store %arg4[%swap3A, %swap3A_24], %select_n3A {strides = array<i32>} : memref<2000x256xf32, #tpu.memory_space<vmem>>, vector<2000x256xf32>,
    return
  }
  func.func @transform_0(%arg0: i32) -> (i32, i32, i32) {
    %c0_i32 = arith.constant 0 : i32
    %c0_i32_0 = arith.constant 0 : i32
    %c0_i32_1 = arith.constant 0 : i32
    return %c0_i32, %arg0, %c0_i32_0 : i32, i32, i32
  }
  func.func @transform_1(%arg0: i32) -> (i32, i32) {
    %c0_i32 = arith.constant 0 : i32
    %c0_i32_0 = arith.constant 0 : i32
    return %arg0, %c0_i32 : i32, i32
  }
  func.func @transform_2(%arg0: i32) -> (i32, i32) {
    %c0_i32 = arith.constant 0 : i32
    %c0_i32_0 = arith.constant 0 : i32
    %c0_i32_1 = arith.constant 0 : i32
    return %c0_i32, %c0_i32_0 : i32, i32
  }
  func.func @transform_3(%arg0: i32) -> (i32, i32) {
    %c0_i32 = arith.constant 0 : i32
    %c0_i32_0 = arith.constant 0 : i32
    return %arg0, %c0_i32 : i32, i32
  }
}

</mosaic_0001>

<sc_bundles>
// kernel: kernel.11.cloned.1.call-start
scs
__scs_entry_jumppad:
0x0: {  	(pc) =	sbr.rel $0x88, $3  }
0x1: {  	(tag) =	ssettag $0x0;
	lr =	simm.s32 $0x1  }
0x2: {  	[smem:$0x3F9B] =	sst lr;
	_ =	strace $0xD0000000  }
0x3: {  	_ = 	snop  }
0x4: {  	_ = 	snop  }
0x5: {  	_ = 	snop  }
0x6: {  	_ = 	snop  }
0x7: {  	_ = 	snop  }
__scs_overlays_trampoline_lowered:
0x8: {  	[smem:$0x3FAA] =	sst s0  }
0x9: {  	[smem:$0x3FAB] =	sst s1  }
0xa: {  	[smem:$0x3FAC] =	sst s2  }
0xb: {  	[smem:$0x3FAD] =	sst s3  }
0xc: {  	[smem:$0x3FAE] =	sst s4  }
0xd: {  	[smem:$0x3FAF] =	sst s5  }
0xe: {  	[smem:$0x3FB0] =	sst s6  }
0xf: {  	[smem:$0x3FB1] =	sst s7  }
0x10: {  	[smem:$0x3FB2] =	sst s8  }
0x11: {  	[smem:$0x3FB3] =	sst s9;
	s0 =	simm.s32 @!p0 $0x0  }
0x12: {  	s1 =	sld [smem:$0x3F99];
	s0 =	simm.s32 @p0 $0x1  }
0x13: {  	[smem:$0x3FB4] =	sst s0;
	s0 =	simm.s32 @!p1 $0x0  }
0x14: {  	s2 =	sld [smem:$0x3F98];
	s0 =	simm.s32 @p1 $0x1  }
0x15: {  	[smem:$0x3FB5] =	sst s0;
	s0 =	simm.s32 @!p2 $0x0  }
0x16: {  	s3 =	sld [smem:$0x3FDB];
	s0 =	simm.s32 @p2 $0x1  }
0x17: {  	s4 =	simm.s32 $0x1BF5;
	[smem:$0x3FB7] =	sst s0  }
0x18: {  	s0 =	sld [smem:$0x3F9A];
	_ =	swait.ge [sflag:s4], $0x0  }
0x19: {  	s7 =	sld [smem:$0x3F9B]  }
0x1a: {  	s8 =	sadd.s32 $0xFFFFE003, lr  }
0x1b: {  	s9 =	sadd.s32 $0xFFFFFEF7, lr;
	s5 =	simm.s32 $0xFFFFFFFF;
	p2 =	slt.u32 s8, $0xFFFFF086  }
0x1c: {  	p1 =	slt.u32 s9, $0xF7A;
	s5 =	simm.s32 @!p2 $0x0  }
0x1d: {  	s5 =	simm.s32 @p1 $0x1;
	p0 =	seq.s32 s7, s2  }
0x1e: {  	s7 =	smul.u32 @!p0 $0xF7A, s2;
	p2 =	seq.s32 @!p0 s5, $0x0  }
0x1f: {  	s9 =	smul.u32 $0xF7A, s1;
	s8 =	simm.s32 @!p0 $0x1BF5;
	p2 =	por !p2, p0  }
0x20: {  	[sflag:s8] =	ssyncset.s32 @!p0 $0xFFFFF086;
	s6 =	sadd.s32 @!p0 s3, s7;
	s7 =	simm.s32 @!p0 $0x108  }
0x21: {  	s3 =	sadd.s32 s3, s9;
	s6 =	sadd.s32 @!p0 $0x88, s6;
	s7 =	simm.s32 @p2 $0x1082  }
0x22: {  	[simem:s7], [sflag:s8] =	dma.local @!p0 [hbm:s6], $0xF7A  }
0x23: {  	s9 =	sor.u32 $0xD0000000, s2;
	s6 =	simm.s32 $0x108;
	_ =	swait.ge @!p0 [sflag:s8], $0x0  }
0x24: {  	s3 =	sadd.s32 $0x88, s3;
	s6 =	simm.s32 @!p1 $0x1082;
	[sflag:s4] =	ssyncset.s32 $0xFFFFF086  }
0x25: {  	[simem:s6], [sflag:s4] =	dma.local [hbm:s3], $0xF7A  }
0x26: {  	[smem:$0x3F9B] =	sst s1;
	(tag) =	ssettag s2;
	_ =	strace s9  }
0x27: {  	s1 =	sld [smem:$0x3FAB]  }
0x28: {  	s2 =	sld [smem:$0x3FAC]  }
0x29: {  	s4 =	sld [smem:$0x3FAE]  }
0x2a: {  	p0 =	seq.s32 s5, $0x0;
	s5 =	sld [smem:$0x3FAF]  }
0x2b: {  	s6 =	sld [smem:$0x3FB0]  }
0x2c: {  	s7 =	sld [smem:$0x3FB1]  }
0x2d: {  	s3 =	simm.s32 $0x108;
	s8 =	sld [smem:$0x3FB2]  }
0x2e: {  	s3 =	simm.s32 @!p0 $0x1082;
	s9 =	sld [smem:$0x3FB3]  }
0x2f: {  	lr =	sadd.s32 s0, s3;
	s0 =	sld [smem:$0x3FAA]  }
0x30: {  	s3 =	sld [smem:$0x3FAD]  }
0x31: {  	[smem:$0x3FB6] =	sst s10  }
0x32: {  	s10 =	sld [smem:$0x3FB4];
	_ =	sdelay $0x3  }
0x33: {  	p0 =	seq.s32 s10, $0x1;
	s10 =	sld [smem:$0x3FB6];
	_ =	sdelay $0x3  }
0x34: {  	[smem:$0x3FB6] =	sst s10  }
0x35: {  	s10 =	sld [smem:$0x3FB5];
	_ =	sdelay $0x3  }
0x36: {  	p1 =	seq.s32 s10, $0x1;
	s10 =	sld [smem:$0x3FB6];
	_ =	sdelay $0x3  }
0x37: {  	[smem:$0x3FB6] =	sst s10  }
0x38: {  	s10 =	sld [smem:$0x3FB7]  }
0x39: {  	_ = 	snop;
	(pc) =	sbr.ind lr, $3  }
0x3a: {  	_ = 	snop  }
0x3b: {  	_ = 	snop  }
0x3c: {  	p2 =	seq.s32 s10, $0x1;
	s10 =	sld [smem:$0x3FB6]  }
0x3d: {  	_ =	shalt  }
0x3e: {  	_ =	shalt  }
0x3f: {  	_ =	shalt  }
0x40: {  	_ =	shalt  }
0x41: {  	_ =	shalt  }
0x42: {  	_ =	shalt  }
0x43: {  	_ =	shalt  }
0x44: {  	_ =	shalt  }
0x45: {  	_ =	shalt  }
0x46: {  	_ =	shalt  }
0x47: {  	_ =	shalt  }
0x48: {  	_ =	shalt  }
0x49: {  	_ =	shalt  }
0x4a: {  	_ =	shalt  }
0x4b: {  	_ =	shalt  }
0x4c: {  	_ =	shalt  }
0x4d: {  	_ =	shalt  }
0x4e: {  	_ =	shalt  }
0x4f: {  	_ =	shalt  }
0x50: {  	_ =	shalt  }
0x51: {  	_ =	shalt  }
0x52: {  	_ =	shalt  }
0x53: {  	_ =	shalt  }
0x54: {  	_ =	shalt  }
0x55: {  	_ =	shalt  }
0x56: {  	_ =	shalt  }
0x57: {  	_ =	shalt  }
0x58: {  	_ =	shalt  }
0x59: {  	_ =	shalt  }
0x5a: {  	_ =	shalt  }
0x5b: {  	_ =	shalt  }
0x5c: {  	_ =	shalt  }
0x5d: {  	_ =	shalt  }
0x5e: {  	_ =	shalt  }
0x5f: {  	_ =	shalt  }
0x60: {  	_ =	shalt  }
0x61: {  	_ =	shalt  }
0x62: {  	_ =	shalt  }
0x63: {  	_ =	shalt  }
0x64: {  	_ =	shalt  }
0x65: {  	_ =	shalt  }
0x66: {  	_ =	shalt  }
0x67: {  	_ =	shalt  }
0x68: {  	_ =	shalt  }
0x69: {  	_ =	shalt  }
0x6a: {  	_ =	shalt  }
0x6b: {  	_ =	shalt  }
0x6c: {  	_ =	shalt  }
0x6d: {  	_ =	shalt  }
0x6e: {  	_ =	shalt  }
0x6f: {  	_ =	shalt  }
0x70: {  	_ =	shalt  }
0x71: {  	_ =	shalt  }
0x72: {  	_ =	shalt  }
0x73: {  	_ =	shalt  }
0x74: {  	_ =	shalt  }
0x75: {  	_ =	shalt  }
0x76: {  	_ =	shalt  }
0x77: {  	_ =	shalt  }
0x78: {  	_ =	shalt  }
0x79: {  	_ =	shalt  }
0x7a: {  	_ =	shalt  }
0x7b: {  	_ =	shalt  }
0x7c: {  	_ =	shalt  }
0x7d: {  	_ =	shalt  }
0x7e: {  	_ =	shalt  }
0x7f: {  	_ =	shalt  }
0x80: {  	_ =	shalt  }
0x81: {  	_ =	shalt  }
0x82: {  	_ =	shalt  }
0x83: {  	_ =	shalt  }
0x84: {  	_ =	shalt  }
0x85: {  	_ =	shalt  }
0x86: {  	_ =	shalt  }
0x87: {  	_ =	shalt  }
.Lfunc_end0:
.L_simem_size_0:
called_computation.1_lowered:
.L_overlay_start_0:
0x88: {  	s2 =	sld [smem:$0x3FD9]  }
0x89: {  	s3 =	sld [smem:$0x3FFE];
	_ =	sdelay $0x1  }
0x8a: {  	s1 =	srdreg.scid  }
0x8b: {  	s0 =	sand.u32 $0x1, s1  }
0x8c: {  	s16 =	sshll.u32 s0, $0xA;
	s2 =	sadd.s32 s3, s2  }
0x8d: {  	s2 =	sadd.s32 s2, s16  }
0x8e: {  	[smem:$0x3FC2] =	sst s2  }
0x8f: {  	_ = 	snop  }
0x90: {  	(tm) =	ssettm $0x1  }
0x91: {  	s17 =	sld [smem:$0x3FFB];
	_ =	sdelay $0x3  }
0x92: {  	_ =	strace s17  }
0x93: {  	s2 =	sld [smem:$0x3FFC];
	_ =	sdelay $0x3  }
0x94: {  	_ =	strace s2  }
0x95: {  	s2 =	sld [smem:$0x3FFD];
	_ =	sdelay $0x3  }
0x96: {  	_ =	strace s2  }
0x97: {  	_ =	strace $0x8FFFFFFF  }
0x98: {  	s18 =	sld [smem:$0x3FDB];
	_ =	sdelay $0x1  }
0x99: {  	s19 =	simm.s32 $_scs_section_size  }
0x9a: {  	s4 =	simm.s32 $_size__tile_overlayer_lowered;
	s5 =	simm.s32 $_tile_overlayer_lowered  }
0x9b: {  	s22 =	simm.s32 $0x1BFF;
	s21 =	sshll.u32 s5, $0x1;
	s2 =	sadd.s32 s19, s18  }
0x9c: {  	s6 =	simm.s32 $0x0;
	s20 =	sshll.u32 s4, $0x1;
	s4 =	sadd.s32 s21, s2  }
0x9d: {  	[timem:s6], [sflag:s22] =	dma.local [hbm:s4], s20  }
0x9e: {  	_ =	swait.ge [sflag:s22], s20  }
0x9f: {  	s3 =	ssub.s32 $0x0, s20;
	[sflag:s22] =	ssyncset.done $0x0  }
0xa0: {  	[sflag:s22] =	ssyncadd.s32 s3;
	_ =	sdelay $0x1  }
0xa1: {  	s23 =	simm.s32 $0x1B8B  }
0xa2: {  	_ =	swait.ge [sflag:s23], $0x1  }
0xa3: {  	[sflag:s23] =	ssyncset.done $0x0  }
0xa4: {  	s25 =	simm.s32 $0x1B8E;
	s24 =	sld [smem:$0x3FFE];
	[sflag:s23] =	ssyncadd.s32 $0xFFFFFFFF  }
0xa5: {  	s26 =	simm.s32 $execute0_lowered;
	[smem:$0x3FD2] =	sst s25  }
0xa6: {  	s4 =	sshll.u32 s26, $0x1;
	_ =	strace $0x80000049;
	[dreg:$0x1] =	wrdreg $0xFFFFFFFF  }
0xa7: {  	s28 =	simm.s32 $_size_execute0_lowered;
	s2 =	sadd.s32 s2, s4;
	[dreg:$0x0] =	wrdreg $0x0  }
0xa8: {  	s4 =	sshll.u32 s28, $0x1;
	[dreg:$0x2] =	wrdreg s2  }
0xa9: {  	[dreg:$0x3] =	wrdreg s4  }
0xaa: {  	[dreg:$0x4] =	wrdreg $0xC0  }
0xab: {  	_ =	task [dreg:s6], $0x5FFFF  }
0xac: {  	[dreg:$0x1] =	wrdreg $0xFFFFFFFF  }
0xad: {  	[dreg:$0x0] =	wrdreg $0x60  }
0xae: {  	[dreg:$0x2] =	wrdreg s24  }
0xaf: {  	[dreg:$0x3] =	wrdreg $0xA8000  }
0xb0: {  	[dreg:$0x4] =	wrdreg $0x9  }
0xb1: {  	_ =	task.clear_ibuf [dreg:s6], $0x5FFFF;
	_ =	strace $0x90000049  }
0xb2: {  	s29 =	simm.s32 $0x9;
	_ =	strace $0x8000004B  }
0xb3: {  	_ =	swait.ge [sflag:s29], $0x1  }
0xb4: {  	[sflag:s29] =	ssyncadd.s32 $0xFFFFFFFF  }
0xb5: {  	_ =	strace $0x9000004B  }
0xb6: {  	_ =	sfence  }
0xb7: {  	s30 =	sld [smem:$0x0];
	_ =	sdelay $0x2  }
0xb8: {  	s31 =	sshll.u32 s1, $0xD;
	s1 =	sshrl.u32 s1, $0x2  }
0xb9: {  	s3 =	sand.u32 $0x4000, s31;
	s1 =	sadd.s32 s1, s30  }
0xba: {  	s0 =	sor.u32 s3, s0;
	s1 =	sshll.u32 s1, $0x11  }
0xbb: {  	s0 =	sor.u32 s1, s0  }
0xbc: {  	s0 =	sadd.s32 $0x8F2B, s0  }
0xbd: {  	[sflag:s0] =	ssyncadd.remote.s32 $0x1  }
0xbe: {  	_ =	sfence.sel $0xFFFF  }
0xbf: {  	[dreg:$0x0] =	wrdreg $0xFFFFFFFF;
	(pc) =	sbr.abs _section_cstart, $3  }
0xc0: {  	[dreg:$0x1] =	wrdreg $0xFFFFFFFF  }
0xc1: {  	_ =	task.clear_ibuf [dreg:s6], $0x2FFFF;
	_ =	strace $0x9FFFFFFF  }
0xc2: {  	(tm) =	ssettm $0x7FFFFFFF  }
0xc3: {  	_ =	shalt  }
tec
execute0_lowered:
.L_overlay_start_1:
0x0: {  	(tag) =	ssettag $0x1  }
0x1: {  	s5 =	rddreg [dreg:$0x0]  }
0x2: {  	s1 =	rddreg [dreg:$0x1];
	s2 =	srdreg.scid  }
0x3: {  	s0 =	rddreg [dreg:$0x2];
	s3 =	simm.s32 $0x0;
	s18 =	simm.s32 $0x2800  }
0x4: {  	s19 =	simm.s32 $0x6800;
	s20 =	simm.s32 $0x1480;
	s6 =	sand.u32 $0x1, s2  }
0x5: {  	s21 =	simm.s32 $0x2;
	s2 =	stileid.u32;
	s7 =	smul.u32 $0x140000, s6  }
0x6: {  	s22 =	simm.s32 $0x0;
	[smem:$0x7FF] =	sst s3;
	s8 =	smul.u32 $0x14000, s2  }
0x7: {  	s4 =	sadd.s32 $0x7E00, s5;
	s10 =	sadd.s32 $0xA8600, s5;
	s9 =	smul.u32 $0x50000, s2  }
0x8: {  	s12 =	sadd.s32 $0x2E00, s5;
	_ =	strace $0x8000004A;
	s24 =	smul.u32 $0x28000, s6  }
0x9: {  	s11 =	smul.u32 $0x2800, s2;
	s25 =	ssub.s32 $0x2, s6;
	s29 =	sshll.u32 s2, $0x6  }
0xa: {  	s6 =	sshrl.u32 s25, $0x1;
	s7 =	sadd.s32 s8, s7;
	s26 =	sshrl.u32 s9, $0x2  }
0xb: {  	s28 =	sadd.s32 s11, s24;
	s14 =	ssub.s32 s25, s6;
	s31 =	sadd.s32 $0x1400, s11  }
0xc: {  	s6 =	sor.u32 $0x1C01, s29;
	s11 =	sshrl.u32 s11, $0x3;
	s7 =	sshrl.u32 s7, $0x3  }
0xd: {  	s15 =	sadd.s32 s26, s1;
	s30 =	sshrl.u32 s28, $0x3;
	s8 =	sadd.s32 s24, s31  }
0xe: {  	s17 =	sshrl.u32 s31, $0x3;
	s13 =	sadd.s32 s7, s5;
	s5 =	sadd.s32 s4, s28  }
0xf: {  	s7 =	sadd.s32 s10, s30;
	s16 =	sshrl.u32 s8, $0x3;
	s8 =	sadd.s32 s12, s11  }
0x10: {  	s9 =	sadd.s32 s10, s16;
	s10 =	sadd.s32 s12, s17;
	s11 =	sadd.s32 $0x57E00, s13  }
0x11: {  	s12 =	smax.u32 s14, $0x1;
	s13 =	sshrl.u32 s15, $0x3;
	s14 =	simm.s32 $0x1  }
0x12: {  	s15 =	simm.s32 $0x3;
	s16 =	simm.s32 $0x1400;
	s17 =	simm.s32 $0x80  }
.LBB2_1:
0x13: {  	[spmem:s13], [sflag:s6] =	dma.local [hbm:s5], $0x2800  }
0x14: {  	_ =	swait.ge [sflag:s14], $0x2800  }
0x15: {  	[sflag:s14] =	ssyncset.done $0x0  }
0x16: {  	[sflag:s14] =	ssyncadd.s32 $0xFFFFD800  }
0x17: {  	[bflag:$0x0] =	sbarrier.arrive $0xFFFF  }
0x18: {  	[tilespmem:s3], [sflag:$0x3] =	stream.linear.gather [hbm4b:s7+s3], $0x1400, $0x38;
	[tilespmem:$0x1E800] =	vst v63  }
0x19: {  	_ =	swait.ge [sflag:s15], $0x1400  }
0x1a: {  	[sflag:s15] =	ssyncset.done $0x0  }
0x1b: {  	[sflag:s15] =	ssyncadd.s32 $0xFFFFEC00  }
0x1c: {  	[tilespmem:s16], [sflag:$0x3] =	stream.linear.gather [hbm4b:s8+s3], $0x1400, $0x38;
	[tilespmem:$0x1E800] =	vst v63  }
0x1d: {  	_ =	swait.ge [sflag:s15], $0x1400  }
0x1e: {  	[sflag:s15] =	ssyncset.done $0x0  }
0x1f: {  	[sflag:s15] =	ssyncadd.s32 $0xFFFFEC00  }
0x20: {  	[tilespmem:s18], [sflag:$0x1] =	stream.indirect.gather [hbm4b:s4+s17], $0x80, s3, s17, $0xb8;
	[tilespmem:$0x1E800] =	vst v63  }
0x21: {  	_ = 	snop  }
0x22: {  	[tilespmem:s19], [sflag:$0x1] =	stream.indirect.gather [hbm4b:s4+s17], $0x80, s17, s17, $0xb8;
	[tilespmem:$0x1E800] =	vst v63  }
0x23: {  	_ =	swait.ge [sflag:s14], $0x4000  }
0x24: {  	[sflag:s14] =	ssyncset.done $0x0  }
0x25: {  	[sflag:s14] =	ssyncadd.s32 $0xFFFFC000  }
0x26: {  	[spmem:s1] =	stream.indirect.scatter.add.f32 [tilespmem:s18], [sflag:$0x2], $0x80, s16, s17, $0xb8;
	[tilespmem:$0x1E800] =	vst v63  }
0x27: {  	_ =	swait.ge [sflag:s14], $0x4000  }
0x28: {  	[sflag:s14] =	ssyncset.done $0x0  }
0x29: {  	[sflag:s14] =	ssyncadd.s32 $0xFFFFC000  }
0x2a: {  	[spmem:s1] =	stream.indirect.scatter.add.f32 [tilespmem:s19], [sflag:$0x2], $0x80, s20, s17, $0xb8;
	[tilespmem:$0x1E800] =	vst v63  }
0x2b: {  	_ =	swait.ge [sflag:s21], $0x4000  }
0x2c: {  	[sflag:s21] =	ssyncset.done $0x0  }
0x2d: {  	s23 =	simm.s32 $0x100;
	[sflag:s21] =	ssyncadd.s32 $0xFFFFC000  }
0x2e: {  	[tilespmem:s18], [sflag:$0x1] =	stream.indirect.gather [hbm4b:s4+s17], $0x80, s23, s17, $0xb8;
	[tilespmem:$0x1E800] =	vst v63  }
0x2f: {  	_ =	swait.ge [sflag:s14], $0x4000  }
0x30: {  	[sflag:s14] =	ssyncset.done $0x0  }
0x31: {  	s30 =	simm.s32 $0x1500;
	[sflag:s14] =	ssyncadd.s32 $0xFFFFC000  }
0x32: {  	[spmem:s1] =	stream.indirect.scatter.add.f32 [tilespmem:s18], [sflag:$0x2], $0x80, s30, s17, $0xb8;
	[tilespmem:$0x1E800] =	vst v63  }
0x33: {  	_ =	swait.ge [sflag:s21], $0x4000  }
0x34: {  	[sflag:s21] =	ssyncset.done $0x0  }
0x35: {  	s31 =	simm.s32 $0x180;
	[sflag:s21] =	ssyncadd.s32 $0xFFFFC000  }
0x36: {  	[tilespmem:s19], [sflag:$0x1] =	stream.indirect.gather [hbm4b:s4+s17], $0x80, s31, s17, $0xb8;
	[tilespmem:$0x1E800] =	vst v63  }
0x37: {  	_ =	swait.ge [sflag:s14], $0x4000  }
0x38: {  	[sflag:s14] =	ssyncset.done $0x0  }
0x39: {  	s24 =	simm.s32 $0x1580;
	s23 =	simm.s32 $0xFFFFB800;
	[sflag:s14] =	ssyncadd.s32 $0xFFFFC000  }
.LBB2_2:
0x3a: {  	[spmem:s1] =	stream.indirect.scatter.add.f32 [tilespmem:s19], [sflag:$0x2], $0x80, s24, s17, $0xb8;
	[tilespmem:$0x1E800] =	vst v63  }
0x3b: {  	s24 =	smov.u32 s23  }
0x3c: {  	p0 =	sne.s32 s23, $0xFFFFFC00;
	s23 =	sadd.s32 $0x400, s23;
	_ =	swait.ge [sflag:s21], $0x4000  }
0x3d: {  	s24 =	sshra.s32 s24, $0x2;
	[sflag:s21] =	ssyncset.done $0x0  }
0x3e: {  	s25 =	sadd.s32 $0x1400, s24;
	[sflag:s21] =	ssyncadd.s32 $0xFFFFC000  }
0x3f: {  	[tilespmem:s18], [sflag:$0x1] =	stream.indirect.gather [hbm4b:s4+s17], $0x80, s25, s17, $0xb8;
	[tilespmem:$0x1E800] =	vst v63  }
0x40: {  	_ =	swait.ge [sflag:s14], $0x4000  }
0x41: {  	[sflag:s14] =	ssyncset.done $0x0  }
0x42: {  	s25 =	sadd.s32 $0x2800, s24;
	[sflag:s14] =	ssyncadd.s32 $0xFFFFC000  }
0x43: {  	[spmem:s1] =	stream.indirect.scatter.add.f32 [tilespmem:s18], [sflag:$0x2], $0x80, s25, s17, $0xb8;
	[tilespmem:$0x1E800] =	vst v63  }
0x44: {  	_ =	swait.ge [sflag:s21], $0x4000  }
0x45: {  	[sflag:s21] =	ssyncset.done $0x0  }
.Ltmp0:
0x46: {  	s25 =	sadd.s32 $0x1480, s24;
	[sflag:s21] =	ssyncadd.s32 $0xFFFFC000;
	(pc) =	sbr.rel @p0 .LBB2_2-.Ltmp0, $4  }
0x47: {  	[tilespmem:s19], [sflag:$0x1] =	stream.indirect.gather [hbm4b:s4+s17], $0x80, s25, s17, $0xb8;
	[tilespmem:$0x1E800] =	vst v63  }
0x48: {  	_ =	swait.ge [sflag:s14], $0x4000  }
0x49: {  	[sflag:s14] =	ssyncset.done $0x0  }
0x4a: {  	s24 =	sadd.s32 $0x2880, s24;
	[sflag:s14] =	ssyncadd.s32 $0xFFFFC000  }
0x4b: {  	[spmem:s1] =	stream.indirect.scatter.add.f32 [tilespmem:s19], [sflag:$0x2], $0x80, s24, s17, $0xb8;
	[tilespmem:$0x1E800] =	vst v63  }
0x4c: {  	_ =	swait.ge [sflag:s21], $0x4000  }
0x4d: {  	[sflag:s21] =	ssyncset.done $0x0  }
0x4e: {  	[sflag:s21] =	ssyncadd.s32 $0xFFFFC000  }
0x4f: {  	_ =	swait.ge [sflag:s21], $0x4000  }
0x50: {  	[sflag:s21] =	ssyncset.done $0x0  }
0x51: {  	[sflag:s21] =	ssyncadd.s32 $0xFFFFC000  }
0x52: {  	[tilespmem:s3], [sflag:$0x3] =	stream.linear.gather [hbm4b:s9+s3], $0x1400, $0x38;
	[tilespmem:$0x1E800] =	vst v63  }
0x53: {  	_ =	swait.ge [sflag:s15], $0x1400  }
0x54: {  	[sflag:s15] =	ssyncset.done $0x0  }
0x55: {  	[sflag:s15] =	ssyncadd.s32 $0xFFFFEC00  }
0x56: {  	[tilespmem:s16], [sflag:$0x3] =	stream.linear.gather [hbm4b:s10+s3], $0x1400, $0x38;
	[tilespmem:$0x1E800] =	vst v63  }
0x57: {  	_ =	swait.ge [sflag:s15], $0x1400  }
0x58: {  	[sflag:s15] =	ssyncset.done $0x0  }
0x59: {  	[sflag:s15] =	ssyncadd.s32 $0xFFFFEC00  }
0x5a: {  	[tilespmem:s18], [sflag:$0x1] =	stream.indirect.gather [hbm4b:s4+s17], $0x80, s3, s17, $0xb8;
	[tilespmem:$0x1E800] =	vst v63  }
0x5b: {  	_ = 	snop  }
0x5c: {  	[tilespmem:s19], [sflag:$0x1] =	stream.indirect.gather [hbm4b:s4+s17], $0x80, s17, s17, $0xb8;
	[tilespmem:$0x1E800] =	vst v63  }
0x5d: {  	_ =	swait.ge [sflag:s14], $0x4000  }
0x5e: {  	[sflag:s14] =	ssyncset.done $0x0  }
0x5f: {  	[sflag:s14] =	ssyncadd.s32 $0xFFFFC000  }
0x60: {  	[spmem:s1] =	stream.indirect.scatter.add.f32 [tilespmem:s18], [sflag:$0x2], $0x80, s16, s17, $0xb8;
	[tilespmem:$0x1E800] =	vst v63  }
0x61: {  	_ =	swait.ge [sflag:s14], $0x4000  }
0x62: {  	[sflag:s14] =	ssyncset.done $0x0  }
0x63: {  	[sflag:s14] =	ssyncadd.s32 $0xFFFFC000  }
0x64: {  	[spmem:s1] =	stream.indirect.scatter.add.f32 [tilespmem:s19], [sflag:$0x2], $0x80, s20, s17, $0xb8;
	[tilespmem:$0x1E800] =	vst v63  }
0x65: {  	_ =	swait.ge [sflag:s21], $0x4000  }
0x66: {  	[sflag:s21] =	ssyncset.done $0x0  }
0x67: {  	s23 =	simm.s32 $0x100;
	[sflag:s21] =	ssyncadd.s32 $0xFFFFC000  }
0x68: {  	[tilespmem:s18], [sflag:$0x1] =	stream.indirect.gather [hbm4b:s4+s17], $0x80, s23, s17, $0xb8;
	[tilespmem:$0x1E800] =	vst v63  }
0x69: {  	_ =	swait.ge [sflag:s14], $0x4000  }
0x6a: {  	[sflag:s14] =	ssyncset.done $0x0  }
0x6b: {  	s30 =	simm.s32 $0x1500;
	[sflag:s14] =	ssyncadd.s32 $0xFFFFC000  }
0x6c: {  	[spmem:s1] =	stream.indirect.scatter.add.f32 [tilespmem:s18], [sflag:$0x2], $0x80, s30, s17, $0xb8;
	[tilespmem:$0x1E800] =	vst v63  }
0x6d: {  	_ =	swait.ge [sflag:s21], $0x4000  }
0x6e: {  	[sflag:s21] =	ssyncset.done $0x0  }
0x6f: {  	s31 =	simm.s32 $0x180;
	[sflag:s21] =	ssyncadd.s32 $0xFFFFC000  }
0x70: {  	[tilespmem:s19], [sflag:$0x1] =	stream.indirect.gather [hbm4b:s4+s17], $0x80, s31, s17, $0xb8;
	[tilespmem:$0x1E800] =	vst v63  }
0x71: {  	_ =	swait.ge [sflag:s14], $0x4000  }
0x72: {  	[sflag:s14] =	ssyncset.done $0x0  }
0x73: {  	s24 =	simm.s32 $0x1580;
	s23 =	simm.s32 $0xFFFFB800;
	[sflag:s14] =	ssyncadd.s32 $0xFFFFC000  }
.LBB2_4:
0x74: {  	[spmem:s1] =	stream.indirect.scatter.add.f32 [tilespmem:s19], [sflag:$0x2], $0x80, s24, s17, $0xb8;
	[tilespmem:$0x1E800] =	vst v63  }
0x75: {  	s24 =	smov.u32 s23  }
0x76: {  	p0 =	sne.s32 s23, $0xFFFFFC00;
	s23 =	sadd.s32 $0x400, s23;
	_ =	swait.ge [sflag:s21], $0x4000  }
0x77: {  	s24 =	sshra.s32 s24, $0x2;
	[sflag:s21] =	ssyncset.done $0x0  }
0x78: {  	s25 =	sadd.s32 $0x1400, s24;
	[sflag:s21] =	ssyncadd.s32 $0xFFFFC000  }
0x79: {  	[tilespmem:s18], [sflag:$0x1] =	stream.indirect.gather [hbm4b:s4+s17], $0x80, s25, s17, $0xb8;
	[tilespmem:$0x1E800] =	vst v63  }
0x7a: {  	_ =	swait.ge [sflag:s14], $0x4000  }
0x7b: {  	[sflag:s14] =	ssyncset.done $0x0  }
0x7c: {  	s25 =	sadd.s32 $0x2800, s24;
	[sflag:s14] =	ssyncadd.s32 $0xFFFFC000  }
0x7d: {  	[spmem:s1] =	stream.indirect.scatter.add.f32 [tilespmem:s18], [sflag:$0x2], $0x80, s25, s17, $0xb8;
	[tilespmem:$0x1E800] =	vst v63  }
0x7e: {  	_ =	swait.ge [sflag:s21], $0x4000  }
0x7f: {  	[sflag:s21] =	ssyncset.done $0x0  }
.Ltmp1:
0x80: {  	s25 =	sadd.s32 $0x1480, s24;
	[sflag:s21] =	ssyncadd.s32 $0xFFFFC000;
	(pc) =	sbr.rel @p0 .LBB2_4-.Ltmp1, $4  }
0x81: {  	[tilespmem:s19], [sflag:$0x1] =	stream.indirect.gather [hbm4b:s4+s17], $0x80, s25, s17, $0xb8;
	[tilespmem:$0x1E800] =	vst v63  }
0x82: {  	_ =	swait.ge [sflag:s14], $0x4000  }
0x83: {  	[sflag:s14] =	ssyncset.done $0x0  }
0x84: {  	s24 =	sadd.s32 $0x2880, s24;
	[sflag:s14] =	ssyncadd.s32 $0xFFFFC000  }
0x85: {  	[spmem:s1] =	stream.indirect.scatter.add.f32 [tilespmem:s19], [sflag:$0x2], $0x80, s24, s17, $0xb8;
	[tilespmem:$0x1E800] =	vst v63  }
0x86: {  	_ =	swait.ge [sflag:s21], $0x4000  }
0x87: {  	[sflag:s21] =	ssyncset.done $0x0  }
0x88: {  	[sflag:s21] =	ssyncadd.s32 $0xFFFFC000  }
0x89: {  	_ =	swait.ge [sflag:s21], $0x4000  }
0x8a: {  	s22 =	sadd.s32 $0x1, s22;
	[sflag:s21] =	ssyncset.done $0x0  }
0x8b: {  	p0 =	sne.s32 s22, s12;
	[sflag:s21] =	ssyncadd.s32 $0xFFFFC000  }
.Ltmp2:
0x8c: {  	[bflag:$0x0] =	sbarrier.arrive $0xFFFF;
	(pc) =	sbr.rel @p0 .LBB2_1-.Ltmp2, $4  }
0x8d: {  	[hbm:s11], [sflag:s6] =	dma.local [spmem:s13], $0x2800  }
0x8e: {  	_ =	swait.ge [sflag:s14], $0x2800  }
0x8f: {  	[sflag:s14] =	ssyncset.done $0x0  }
0x90: {  	[sflag:s14] =	ssyncadd.s32 $0xFFFFD800  }
0x91: {  	_ =	sfence.sel $0x180000  }
0x92: {  	[bflag:$0x0] =	sbarrier.arrive $0xFFFF  }
0x93: {  	p0 =	sne.s32 s2, $0x0;
	_ =	strace $0x9000004A  }
0x94: {  	s0 =	sadd.s32 @!p0 $0x100000, s0;
	[bflag:$0x2] =	sbarrier.arrive $0xFFFF  }
0x95: {  	[sflag:s0] =	ssyncadd.tile.s32 @!p0 $0x1;
	_ =	shalt  }
.Lfunc_end2:
_tile_overlayer_lowered:
.L_overlay_start_2:
0x96: {  	(tag) =	ssettag $0x2  }
0x97: {  	s0 =	rddreg [dreg:$0x0];
	s2 =	stileid.u32  }
0x98: {  	s1 =	rddreg [dreg:$0x1];
	p0 =	sne.s32 s2, $0x0  }
0x99: {  	s3 =	rddreg [dreg:$0x2];
	[bflag:$0x3] =	sbarrier.arrive $0xFFFF;
	s2 =	simm.s32 @!p0 $0x1C01  }
0x9a: {  	[timem:s3], [sflag:s2] =	dma.local @!p0 [hbm:s0], s1  }
0x9b: {  	s0 =	simm.s32 @!p0 $0x1  }
0x9c: {  	_ =	swait.ge @!p0 [sflag:s0], s1  }
0x9d: {  	s1 =	ssub.s32 @!p0 $0x0, s1;
	[sflag:s0] =	ssyncset.done @!p0 $0x0  }
0x9e: {  	[sflag:s0] =	ssyncadd.s32 @!p0 s1  }
0x9f: {  	[bflag:$0x3] =	sbarrier.arrive $0xFFFF  }
0xa0: {  	_ =	shalt  }

// kernel: kernel.14.cloned.1.call-start
scs
__scs_entry_jumppad:
0x0: {  	(pc) =	sbr.rel $0x88, $3  }
0x1: {  	(tag) =	ssettag $0x0;
	lr =	simm.s32 $0x1  }
0x2: {  	[smem:$0x3F9B] =	sst lr;
	_ =	strace $0xD0000000  }
0x3: {  	_ = 	snop  }
0x4: {  	_ = 	snop  }
0x5: {  	_ = 	snop  }
0x6: {  	_ = 	snop  }
0x7: {  	_ = 	snop  }
__scs_overlays_trampoline_lowered:
0x8: {  	[smem:$0x3FAA] =	sst s0  }
0x9: {  	[smem:$0x3FAB] =	sst s1  }
0xa: {  	[smem:$0x3FAC] =	sst s2  }
0xb: {  	[smem:$0x3FAD] =	sst s3  }
0xc: {  	[smem:$0x3FAE] =	sst s4  }
0xd: {  	[smem:$0x3FAF] =	sst s5  }
0xe: {  	[smem:$0x3FB0] =	sst s6  }
0xf: {  	[smem:$0x3FB1] =	sst s7  }
0x10: {  	[smem:$0x3FB2] =	sst s8  }
0x11: {  	[smem:$0x3FB3] =	sst s9;
	s0 =	simm.s32 @!p0 $0x0  }
0x12: {  	s1 =	sld [smem:$0x3F99];
	s0 =	simm.s32 @p0 $0x1  }
0x13: {  	[smem:$0x3FB4] =	sst s0;
	s0 =	simm.s32 @!p1 $0x0  }
0x14: {  	s2 =	sld [smem:$0x3F98];
	s0 =	simm.s32 @p1 $0x1  }
0x15: {  	[smem:$0x3FB5] =	sst s0;
	s0 =	simm.s32 @!p2 $0x0  }
0x16: {  	s3 =	sld [smem:$0x3FDB];
	s0 =	simm.s32 @p2 $0x1  }
0x17: {  	s4 =	simm.s32 $0x1BF5;
	[smem:$0x3FB7] =	sst s0  }
0x18: {  	s0 =	sld [smem:$0x3F9A];
	_ =	swait.ge [sflag:s4], $0x0  }
0x19: {  	s7 =	sld [smem:$0x3F9B]  }
0x1a: {  	s8 =	sadd.s32 $0xFFFFE003, lr  }
0x1b: {  	s9 =	sadd.s32 $0xFFFFFEF7, lr;
	s5 =	simm.s32 $0xFFFFFFFF;
	p2 =	slt.u32 s8, $0xFFFFF086  }
0x1c: {  	p1 =	slt.u32 s9, $0xF7A;
	s5 =	simm.s32 @!p2 $0x0  }
0x1d: {  	s5 =	simm.s32 @p1 $0x1;
	p0 =	seq.s32 s7, s2  }
0x1e: {  	s7 =	smul.u32 @!p0 $0xF7A, s2;
	p2 =	seq.s32 @!p0 s5, $0x0  }
0x1f: {  	s9 =	smul.u32 $0xF7A, s1;
	s8 =	simm.s32 @!p0 $0x1BF5;
	p2 =	por !p2, p0  }
0x20: {  	[sflag:s8] =	ssyncset.s32 @!p0 $0xFFFFF086;
	s6 =	sadd.s32 @!p0 s3, s7;
	s7 =	simm.s32 @!p0 $0x108  }
0x21: {  	s3 =	sadd.s32 s3, s9;
	s6 =	sadd.s32 @!p0 $0x88, s6;
	s7 =	simm.s32 @p2 $0x1082  }
0x22: {  	[simem:s7], [sflag:s8] =	dma.local @!p0 [hbm:s6], $0xF7A  }
0x23: {  	s9 =	sor.u32 $0xD0000000, s2;
	s6 =	simm.s32 $0x108;
	_ =	swait.ge @!p0 [sflag:s8], $0x0  }
0x24: {  	s3 =	sadd.s32 $0x88, s3;
	s6 =	simm.s32 @!p1 $0x1082;
	[sflag:s4] =	ssyncset.s32 $0xFFFFF086  }
0x25: {  	[simem:s6], [sflag:s4] =	dma.local [hbm:s3], $0xF7A  }
0x26: {  	[smem:$0x3F9B] =	sst s1;
	(tag) =	ssettag s2;
	_ =	strace s9  }
0x27: {  	s1 =	sld [smem:$0x3FAB]  }
0x28: {  	s2 =	sld [smem:$0x3FAC]  }
0x29: {  	s4 =	sld [smem:$0x3FAE]  }
0x2a: {  	p0 =	seq.s32 s5, $0x0;
	s5 =	sld [smem:$0x3FAF]  }
0x2b: {  	s6 =	sld [smem:$0x3FB0]  }
0x2c: {  	s7 =	sld [smem:$0x3FB1]  }
0x2d: {  	s3 =	simm.s32 $0x108;
	s8 =	sld [smem:$0x3FB2]  }
0x2e: {  	s3 =	simm.s32 @!p0 $0x1082;
	s9 =	sld [smem:$0x3FB3]  }
0x2f: {  	lr =	sadd.s32 s0, s3;
	s0 =	sld [smem:$0x3FAA]  }
0x30: {  	s3 =	sld [smem:$0x3FAD]  }
0x31: {  	[smem:$0x3FB6] =	sst s10  }
0x32: {  	s10 =	sld [smem:$0x3FB4];
	_ =	sdelay $0x3  }
0x33: {  	p0 =	seq.s32 s10, $0x1;
	s10 =	sld [smem:$0x3FB6];
	_ =	sdelay $0x3  }
0x34: {  	[smem:$0x3FB6] =	sst s10  }
0x35: {  	s10 =	sld [smem:$0x3FB5];
	_ =	sdelay $0x3  }
0x36: {  	p1 =	seq.s32 s10, $0x1;
	s10 =	sld [smem:$0x3FB6];
	_ =	sdelay $0x3  }
0x37: {  	[smem:$0x3FB6] =	sst s10  }
0x38: {  	s10 =	sld [smem:$0x3FB7]  }
0x39: {  	_ = 	snop;
	(pc) =	sbr.ind lr, $3  }
0x3a: {  	_ = 	snop  }
0x3b: {  	_ = 	snop  }
0x3c: {  	p2 =	seq.s32 s10, $0x1;
	s10 =	sld [smem:$0x3FB6]  }
0x3d: {  	_ =	shalt  }
0x3e: {  	_ =	shalt  }
0x3f: {  	_ =	shalt  }
0x40: {  	_ =	shalt  }
0x41: {  	_ =	shalt  }
0x42: {  	_ =	shalt  }
0x43: {  	_ =	shalt  }
0x44: {  	_ =	shalt  }
0x45: {  	_ =	shalt  }
0x46: {  	_ =	shalt  }
0x47: {  	_ =	shalt  }
0x48: {  	_ =	shalt  }
0x49: {  	_ =	shalt  }
0x4a: {  	_ =	shalt  }
0x4b: {  	_ =	shalt  }
0x4c: {  	_ =	shalt  }
0x4d: {  	_ =	shalt  }
0x4e: {  	_ =	shalt  }
0x4f: {  	_ =	shalt  }
0x50: {  	_ =	shalt  }
0x51: {  	_ =	shalt  }
0x52: {  	_ =	shalt  }
0x53: {  	_ =	shalt  }
0x54: {  	_ =	shalt  }
0x55: {  	_ =	shalt  }
0x56: {  	_ =	shalt  }
0x57: {  	_ =	shalt  }
0x58: {  	_ =	shalt  }
0x59: {  	_ =	shalt  }
0x5a: {  	_ =	shalt  }
0x5b: {  	_ =	shalt  }
0x5c: {  	_ =	shalt  }
0x5d: {  	_ =	shalt  }
0x5e: {  	_ =	shalt  }
0x5f: {  	_ =	shalt  }
0x60: {  	_ =	shalt  }
0x61: {  	_ =	shalt  }
0x62: {  	_ =	shalt  }
0x63: {  	_ =	shalt  }
0x64: {  	_ =	shalt  }
0x65: {  	_ =	shalt  }
0x66: {  	_ =	shalt  }
0x67: {  	_ =	shalt  }
0x68: {  	_ =	shalt  }
0x69: {  	_ =	shalt  }
0x6a: {  	_ =	shalt  }
0x6b: {  	_ =	shalt  }
0x6c: {  	_ =	shalt  }
0x6d: {  	_ =	shalt  }
0x6e: {  	_ =	shalt  }
0x6f: {  	_ =	shalt  }
0x70: {  	_ =	shalt  }
0x71: {  	_ =	shalt  }
0x72: {  	_ =	shalt  }
0x73: {  	_ =	shalt  }
0x74: {  	_ =	shalt  }
0x75: {  	_ =	shalt  }
0x76: {  	_ =	shalt  }
0x77: {  	_ =	shalt  }
0x78: {  	_ =	shalt  }
0x79: {  	_ =	shalt  }
0x7a: {  	_ =	shalt  }
0x7b: {  	_ =	shalt  }
0x7c: {  	_ =	shalt  }
0x7d: {  	_ =	shalt  }
0x7e: {  	_ =	shalt  }
0x7f: {  	_ =	shalt  }
0x80: {  	_ =	shalt  }
0x81: {  	_ =	shalt  }
0x82: {  	_ =	shalt  }
0x83: {  	_ =	shalt  }
0x84: {  	_ =	shalt  }
0x85: {  	_ =	shalt  }
0x86: {  	_ =	shalt  }
0x87: {  	_ =	shalt  }
.Lfunc_end0:
.L_simem_size_0:
called_computation.2_lowered:
.L_overlay_start_0:
0x88: {  	s2 =	sld [smem:$0x3FD9]  }
0x89: {  	s3 =	sld [smem:$0x3FFE];
	_ =	sdelay $0x1  }
0x8a: {  	s1 =	srdreg.scid  }
0x8b: {  	s0 =	sand.u32 $0x1, s1  }
0x8c: {  	s16 =	sshll.u32 s0, $0xA;
	s2 =	sadd.s32 s3, s2  }
0x8d: {  	s2 =	sadd.s32 s2, s16  }
0x8e: {  	[smem:$0x3FC2] =	sst s2  }
0x8f: {  	_ = 	snop  }
0x90: {  	(tm) =	ssettm $0x1  }
0x91: {  	s17 =	sld [smem:$0x3FFB];
	_ =	sdelay $0x3  }
0x92: {  	_ =	strace s17  }
0x93: {  	s2 =	sld [smem:$0x3FFC];
	_ =	sdelay $0x3  }
0x94: {  	_ =	strace s2  }
0x95: {  	s2 =	sld [smem:$0x3FFD];
	_ =	sdelay $0x3  }
0x96: {  	_ =	strace s2  }
0x97: {  	_ =	strace $0x8FFFFFFF  }
0x98: {  	s18 =	sld [smem:$0x3FDB];
	_ =	sdelay $0x1  }
0x99: {  	s19 =	simm.s32 $_scs_section_size  }
0x9a: {  	s4 =	simm.s32 $_size__tile_overlayer_lowered;
	s5 =	simm.s32 $_tile_overlayer_lowered  }
0x9b: {  	s22 =	simm.s32 $0x1BFF;
	s21 =	sshll.u32 s5, $0x1;
	s2 =	sadd.s32 s19, s18  }
0x9c: {  	s6 =	simm.s32 $0x0;
	s20 =	sshll.u32 s4, $0x1;
	s4 =	sadd.s32 s21, s2  }
0x9d: {  	[timem:s6], [sflag:s22] =	dma.local [hbm:s4], s20  }
0x9e: {  	_ =	swait.ge [sflag:s22], s20  }
0x9f: {  	s3 =	ssub.s32 $0x0, s20;
	[sflag:s22] =	ssyncset.done $0x0  }
0xa0: {  	[sflag:s22] =	ssyncadd.s32 s3;
	_ =	sdelay $0x1  }
0xa1: {  	s23 =	simm.s32 $0x1B8B  }
0xa2: {  	_ =	swait.ge [sflag:s23], $0x1  }
0xa3: {  	[sflag:s23] =	ssyncset.done $0x0  }
0xa4: {  	s25 =	simm.s32 $0x1B8E;
	s24 =	sld [smem:$0x3FFE];
	[sflag:s23] =	ssyncadd.s32 $0xFFFFFFFF  }
0xa5: {  	s26 =	simm.s32 $execute0_lowered;
	[smem:$0x3FD2] =	sst s25  }
0xa6: {  	s4 =	sshll.u32 s26, $0x1;
	_ =	strace $0x8000004C;
	[dreg:$0x1] =	wrdreg $0xFFFFFFFF  }
0xa7: {  	s28 =	simm.s32 $_size_execute0_lowered;
	s2 =	sadd.s32 s2, s4;
	[dreg:$0x0] =	wrdreg $0x0  }
0xa8: {  	s4 =	sshll.u32 s28, $0x1;
	[dreg:$0x2] =	wrdreg s2  }
0xa9: {  	[dreg:$0x3] =	wrdreg s4  }
0xaa: {  	[dreg:$0x4] =	wrdreg $0xC0  }
0xab: {  	_ =	task [dreg:s6], $0x5FFFF  }
0xac: {  	[dreg:$0x1] =	wrdreg $0xFFFFFFFF  }
0xad: {  	[dreg:$0x0] =	wrdreg $0x60  }
0xae: {  	[dreg:$0x2] =	wrdreg s24  }
0xaf: {  	[dreg:$0x3] =	wrdreg $0xA8000  }
0xb0: {  	[dreg:$0x4] =	wrdreg $0x9  }
0xb1: {  	_ =	task.clear_ibuf [dreg:s6], $0x5FFFF;
	_ =	strace $0x9000004C  }
0xb2: {  	s29 =	simm.s32 $0x9;
	_ =	strace $0x8000004E  }
0xb3: {  	_ =	swait.ge [sflag:s29], $0x1  }
0xb4: {  	[sflag:s29] =	ssyncadd.s32 $0xFFFFFFFF  }
0xb5: {  	_ =	strace $0x9000004E  }
0xb6: {  	_ =	sfence  }
0xb7: {  	s30 =	sld [smem:$0x0];
	_ =	sdelay $0x2  }
0xb8: {  	s31 =	sshll.u32 s1, $0xD;
	s1 =	sshrl.u32 s1, $0x2  }
0xb9: {  	s3 =	sand.u32 $0x4000, s31;
	s1 =	sadd.s32 s1, s30  }
0xba: {  	s0 =	sor.u32 s3, s0;
	s1 =	sshll.u32 s1, $0x11  }
0xbb: {  	s0 =	sor.u32 s1, s0  }
0xbc: {  	s0 =	sadd.s32 $0x8F2B, s0  }
0xbd: {  	[sflag:s0] =	ssyncadd.remote.s32 $0x1  }
0xbe: {  	_ =	sfence.sel $0xFFFF  }
0xbf: {  	[dreg:$0x0] =	wrdreg $0xFFFFFFFF;
	(pc) =	sbr.abs _section_cstart, $3  }
0xc0: {  	[dreg:$0x1] =	wrdreg $0xFFFFFFFF  }
0xc1: {  	_ =	task.clear_ibuf [dreg:s6], $0x2FFFF;
	_ =	strace $0x9FFFFFFF  }
0xc2: {  	(tm) =	ssettm $0x7FFFFFFF  }
0xc3: {  	_ =	shalt  }
tec
execute0_lowered:
.L_overlay_start_1:
0x0: {  	(tag) =	ssettag $0x1  }
0x1: {  	s5 =	rddreg [dreg:$0x0]  }
0x2: {  	s1 =	rddreg [dreg:$0x1];
	s2 =	srdreg.scid  }
0x3: {  	s0 =	rddreg [dreg:$0x2];
	s3 =	simm.s32 $0x0;
	s18 =	simm.s32 $0x2800  }
0x4: {  	s19 =	simm.s32 $0x6800;
	s20 =	simm.s32 $0x1480;
	s6 =	sand.u32 $0x1, s2  }
0x5: {  	s21 =	simm.s32 $0x2;
	s2 =	stileid.u32;
	s7 =	smul.u32 $0x140000, s6  }
0x6: {  	s22 =	simm.s32 $0x0;
	[smem:$0x7FF] =	sst s3;
	s8 =	smul.u32 $0x14000, s2  }
0x7: {  	s4 =	sadd.s32 $0x7E00, s5;
	s10 =	sadd.s32 $0xA8600, s5;
	s9 =	smul.u32 $0x50000, s2  }
0x8: {  	s12 =	sadd.s32 $0x2E00, s5;
	_ =	strace $0x8000004D;
	s24 =	smul.u32 $0x28000, s6  }
0x9: {  	s11 =	smul.u32 $0x2800, s2;
	s25 =	ssub.s32 $0x2, s6;
	s29 =	sshll.u32 s2, $0x6  }
0xa: {  	s6 =	sshrl.u32 s25, $0x1;
	s7 =	sadd.s32 s8, s7;
	s26 =	sshrl.u32 s9, $0x2  }
0xb: {  	s28 =	sadd.s32 s11, s24;
	s14 =	ssub.s32 s25, s6;
	s31 =	sadd.s32 $0x1400, s11  }
0xc: {  	s6 =	sor.u32 $0x1C01, s29;
	s11 =	sshrl.u32 s11, $0x3;
	s7 =	sshrl.u32 s7, $0x3  }
0xd: {  	s15 =	sadd.s32 s26, s1;
	s30 =	sshrl.u32 s28, $0x3;
	s8 =	sadd.s32 s24, s31  }
0xe: {  	s17 =	sshrl.u32 s31, $0x3;
	s13 =	sadd.s32 s7, s5;
	s5 =	sadd.s32 s4, s28  }
0xf: {  	s7 =	sadd.s32 s10, s30;
	s16 =	sshrl.u32 s8, $0x3;
	s8 =	sadd.s32 s12, s11  }
0x10: {  	s9 =	sadd.s32 s10, s16;
	s10 =	sadd.s32 s12, s17;
	s11 =	sadd.s32 $0x57E00, s13  }
0x11: {  	s12 =	smax.u32 s14, $0x1;
	s13 =	sshrl.u32 s15, $0x3;
	s14 =	simm.s32 $0x1  }
0x12: {  	s15 =	simm.s32 $0x3;
	s16 =	simm.s32 $0x1400;
	s17 =	simm.s32 $0x80  }
.LBB2_1:
0x13: {  	[spmem:s13], [sflag:s6] =	dma.local [hbm:s5], $0x2800  }
0x14: {  	_ =	swait.ge [sflag:s14], $0x2800  }
0x15: {  	[sflag:s14] =	ssyncset.done $0x0  }
0x16: {  	[sflag:s14] =	ssyncadd.s32 $0xFFFFD800  }
0x17: {  	[bflag:$0x0] =	sbarrier.arrive $0xFFFF  }
0x18: {  	[tilespmem:s3], [sflag:$0x3] =	stream.linear.gather [hbm4b:s7+s3], $0x1400, $0x38;
	[tilespmem:$0x1E800] =	vst v63  }
0x19: {  	_ =	swait.ge [sflag:s15], $0x1400  }
0x1a: {  	[sflag:s15] =	ssyncset.done $0x0  }
0x1b: {  	[sflag:s15] =	ssyncadd.s32 $0xFFFFEC00  }
0x1c: {  	[tilespmem:s16], [sflag:$0x3] =	stream.linear.gather [hbm4b:s8+s3], $0x1400, $0x38;
	[tilespmem:$0x1E800] =	vst v63  }
0x1d: {  	_ =	swait.ge [sflag:s15], $0x1400  }
0x1e: {  	[sflag:s15] =	ssyncset.done $0x0  }
0x1f: {  	[sflag:s15] =	ssyncadd.s32 $0xFFFFEC00  }
0x20: {  	[tilespmem:s18], [sflag:$0x1] =	stream.indirect.gather [hbm4b:s4+s17], $0x80, s3, s17, $0xb8;
	[tilespmem:$0x1E800] =	vst v63  }
0x21: {  	_ = 	snop  }
0x22: {  	[tilespmem:s19], [sflag:$0x1] =	stream.indirect.gather [hbm4b:s4+s17], $0x80, s17, s17, $0xb8;
	[tilespmem:$0x1E800] =	vst v63  }
0x23: {  	_ =	swait.ge [sflag:s14], $0x4000  }
0x24: {  	[sflag:s14] =	ssyncset.done $0x0  }
0x25: {  	[sflag:s14] =	ssyncadd.s32 $0xFFFFC000  }
0x26: {  	[spmem:s1] =	stream.indirect.scatter.add.f32 [tilespmem:s18], [sflag:$0x2], $0x80, s16, s17, $0xb8;
	[tilespmem:$0x1E800] =	vst v63  }
0x27: {  	_ =	swait.ge [sflag:s14], $0x4000  }
0x28: {  	[sflag:s14] =	ssyncset.done $0x0  }
0x29: {  	[sflag:s14] =	ssyncadd.s32 $0xFFFFC000  }
0x2a: {  	[spmem:s1] =	stream.indirect.scatter.add.f32 [tilespmem:s19], [sflag:$0x2], $0x80, s20, s17, $0xb8;
	[tilespmem:$0x1E800] =	vst v63  }
0x2b: {  	_ =	swait.ge [sflag:s21], $0x4000  }
0x2c: {  	[sflag:s21] =	ssyncset.done $0x0  }
0x2d: {  	s23 =	simm.s32 $0x100;
	[sflag:s21] =	ssyncadd.s32 $0xFFFFC000  }
0x2e: {  	[tilespmem:s18], [sflag:$0x1] =	stream.indirect.gather [hbm4b:s4+s17], $0x80, s23, s17, $0xb8;
	[tilespmem:$0x1E800] =	vst v63  }
0x2f: {  	_ =	swait.ge [sflag:s14], $0x4000  }
0x30: {  	[sflag:s14] =	ssyncset.done $0x0  }
0x31: {  	s30 =	simm.s32 $0x1500;
	[sflag:s14] =	ssyncadd.s32 $0xFFFFC000  }
0x32: {  	[spmem:s1] =	stream.indirect.scatter.add.f32 [tilespmem:s18], [sflag:$0x2], $0x80, s30, s17, $0xb8;
	[tilespmem:$0x1E800] =	vst v63  }
0x33: {  	_ =	swait.ge [sflag:s21], $0x4000  }
0x34: {  	[sflag:s21] =	ssyncset.done $0x0  }
0x35: {  	s31 =	simm.s32 $0x180;
	[sflag:s21] =	ssyncadd.s32 $0xFFFFC000  }
0x36: {  	[tilespmem:s19], [sflag:$0x1] =	stream.indirect.gather [hbm4b:s4+s17], $0x80, s31, s17, $0xb8;
	[tilespmem:$0x1E800] =	vst v63  }
0x37: {  	_ =	swait.ge [sflag:s14], $0x4000  }
0x38: {  	[sflag:s14] =	ssyncset.done $0x0  }
0x39: {  	s24 =	simm.s32 $0x1580;
	s23 =	simm.s32 $0xFFFFB800;
	[sflag:s14] =	ssyncadd.s32 $0xFFFFC000  }
.LBB2_2:
0x3a: {  	[spmem:s1] =	stream.indirect.scatter.add.f32 [tilespmem:s19], [sflag:$0x2], $0x80, s24, s17, $0xb8;
	[tilespmem:$0x1E800] =	vst v63  }
0x3b: {  	s24 =	smov.u32 s23  }
0x3c: {  	p0 =	sne.s32 s23, $0xFFFFFC00;
	s23 =	sadd.s32 $0x400, s23;
	_ =	swait.ge [sflag:s21], $0x4000  }
0x3d: {  	s24 =	sshra.s32 s24, $0x2;
	[sflag:s21] =	ssyncset.done $0x0  }
0x3e: {  	s25 =	sadd.s32 $0x1400, s24;
	[sflag:s21] =	ssyncadd.s32 $0xFFFFC000  }
0x3f: {  	[tilespmem:s18], [sflag:$0x1] =	stream.indirect.gather [hbm4b:s4+s17], $0x80, s25, s17, $0xb8;
	[tilespmem:$0x1E800] =	vst v63  }
0x40: {  	_ =	swait.ge [sflag:s14], $0x4000  }
0x41: {  	[sflag:s14] =	ssyncset.done $0x0  }
0x42: {  	s25 =	sadd.s32 $0x2800, s24;
	[sflag:s14] =	ssyncadd.s32 $0xFFFFC000  }
0x43: {  	[spmem:s1] =	stream.indirect.scatter.add.f32 [tilespmem:s18], [sflag:$0x2], $0x80, s25, s17, $0xb8;
	[tilespmem:$0x1E800] =	vst v63  }
0x44: {  	_ =	swait.ge [sflag:s21], $0x4000  }
0x45: {  	[sflag:s21] =	ssyncset.done $0x0  }
.Ltmp0:
0x46: {  	s25 =	sadd.s32 $0x1480, s24;
	[sflag:s21] =	ssyncadd.s32 $0xFFFFC000;
	(pc) =	sbr.rel @p0 .LBB2_2-.Ltmp0, $4  }
0x47: {  	[tilespmem:s19], [sflag:$0x1] =	stream.indirect.gather [hbm4b:s4+s17], $0x80, s25, s17, $0xb8;
	[tilespmem:$0x1E800] =	vst v63  }
0x48: {  	_ =	swait.ge [sflag:s14], $0x4000  }
0x49: {  	[sflag:s14] =	ssyncset.done $0x0  }
0x4a: {  	s24 =	sadd.s32 $0x2880, s24;
	[sflag:s14] =	ssyncadd.s32 $0xFFFFC000  }
0x4b: {  	[spmem:s1] =	stream.indirect.scatter.add.f32 [tilespmem:s19], [sflag:$0x2], $0x80, s24, s17, $0xb8;
	[tilespmem:$0x1E800] =	vst v63  }
0x4c: {  	_ =	swait.ge [sflag:s21], $0x4000  }
0x4d: {  	[sflag:s21] =	ssyncset.done $0x0  }
0x4e: {  	[sflag:s21] =	ssyncadd.s32 $0xFFFFC000  }
0x4f: {  	_ =	swait.ge [sflag:s21], $0x4000  }
0x50: {  	[sflag:s21] =	ssyncset.done $0x0  }
0x51: {  	[sflag:s21] =	ssyncadd.s32 $0xFFFFC000  }
0x52: {  	[tilespmem:s3], [sflag:$0x3] =	stream.linear.gather [hbm4b:s9+s3], $0x1400, $0x38;
	[tilespmem:$0x1E800] =	vst v63  }
0x53: {  	_ =	swait.ge [sflag:s15], $0x1400  }
0x54: {  	[sflag:s15] =	ssyncset.done $0x0  }
0x55: {  	[sflag:s15] =	ssyncadd.s32 $0xFFFFEC00  }
0x56: {  	[tilespmem:s16], [sflag:$0x3] =	stream.linear.gather [hbm4b:s10+s3], $0x1400, $0x38;
	[tilespmem:$0x1E800] =	vst v63  }
0x57: {  	_ =	swait.ge [sflag:s15], $0x1400  }
0x58: {  	[sflag:s15] =	ssyncset.done $0x0  }
0x59: {  	[sflag:s15] =	ssyncadd.s32 $0xFFFFEC00  }
0x5a: {  	[tilespmem:s18], [sflag:$0x1] =	stream.indirect.gather [hbm4b:s4+s17], $0x80, s3, s17, $0xb8;
	[tilespmem:$0x1E800] =	vst v63  }
0x5b: {  	_ = 	snop  }
0x5c: {  	[tilespmem:s19], [sflag:$0x1] =	stream.indirect.gather [hbm4b:s4+s17], $0x80, s17, s17, $0xb8;
	[tilespmem:$0x1E800] =	vst v63  }
0x5d: {  	_ =	swait.ge [sflag:s14], $0x4000  }
0x5e: {  	[sflag:s14] =	ssyncset.done $0x0  }
0x5f: {  	[sflag:s14] =	ssyncadd.s32 $0xFFFFC000  }
0x60: {  	[spmem:s1] =	stream.indirect.scatter.add.f32 [tilespmem:s18], [sflag:$0x2], $0x80, s16, s17, $0xb8;
	[tilespmem:$0x1E800] =	vst v63  }
0x61: {  	_ =	swait.ge [sflag:s14], $0x4000  }
0x62: {  	[sflag:s14] =	ssyncset.done $0x0  }
0x63: {  	[sflag:s14] =	ssyncadd.s32 $0xFFFFC000  }
0x64: {  	[spmem:s1] =	stream.indirect.scatter.add.f32 [tilespmem:s19], [sflag:$0x2], $0x80, s20, s17, $0xb8;
	[tilespmem:$0x1E800] =	vst v63  }
0x65: {  	_ =	swait.ge [sflag:s21], $0x4000  }
0x66: {  	[sflag:s21] =	ssyncset.done $0x0  }
0x67: {  	s23 =	simm.s32 $0x100;
	[sflag:s21] =	ssyncadd.s32 $0xFFFFC000  }
0x68: {  	[tilespmem:s18], [sflag:$0x1] =	stream.indirect.gather [hbm4b:s4+s17], $0x80, s23, s17, $0xb8;
	[tilespmem:$0x1E800] =	vst v63  }
0x69: {  	_ =	swait.ge [sflag:s14], $0x4000  }
0x6a: {  	[sflag:s14] =	ssyncset.done $0x0  }
0x6b: {  	s30 =	simm.s32 $0x1500;
	[sflag:s14] =	ssyncadd.s32 $0xFFFFC000  }
0x6c: {  	[spmem:s1] =	stream.indirect.scatter.add.f32 [tilespmem:s18], [sflag:$0x2], $0x80, s30, s17, $0xb8;
	[tilespmem:$0x1E800] =	vst v63  }
0x6d: {  	_ =	swait.ge [sflag:s21], $0x4000  }
0x6e: {  	[sflag:s21] =	ssyncset.done $0x0  }
0x6f: {  	s31 =	simm.s32 $0x180;
	[sflag:s21] =	ssyncadd.s32 $0xFFFFC000  }
0x70: {  	[tilespmem:s19], [sflag:$0x1] =	stream.indirect.gather [hbm4b:s4+s17], $0x80, s31, s17, $0xb8;
	[tilespmem:$0x1E800] =	vst v63  }
0x71: {  	_ =	swait.ge [sflag:s14], $0x4000  }
0x72: {  	[sflag:s14] =	ssyncset.done $0x0  }
0x73: {  	s24 =	simm.s32 $0x1580;
	s23 =	simm.s32 $0xFFFFB800;
	[sflag:s14] =	ssyncadd.s32 $0xFFFFC000  }
.LBB2_4:
0x74: {  	[spmem:s1] =	stream.indirect.scatter.add.f32 [tilespmem:s19], [sflag:$0x2], $0x80, s24, s17, $0xb8;
	[tilespmem:$0x1E800] =	vst v63  }
0x75: {  	s24 =	smov.u32 s23  }
0x76: {  	p0 =	sne.s32 s23, $0xFFFFFC00;
	s23 =	sadd.s32 $0x400, s23;
	_ =	swait.ge [sflag:s21], $0x4000  }
0x77: {  	s24 =	sshra.s32 s24, $0x2;
	[sflag:s21] =	ssyncset.done $0x0  }
0x78: {  	s25 =	sadd.s32 $0x1400, s24;
	[sflag:s21] =	ssyncadd.s32 $0xFFFFC000  }
0x79: {  	[tilespmem:s18], [sflag:$0x1] =	stream.indirect.gather [hbm4b:s4+s17], $0x80, s25, s17, $0xb8;
	[tilespmem:$0x1E800] =	vst v63  }
0x7a: {  	_ =	swait.ge [sflag:s14], $0x4000  }
0x7b: {  	[sflag:s14] =	ssyncset.done $0x0  }
0x7c: {  	s25 =	sadd.s32 $0x2800, s24;
	[sflag:s14] =	ssyncadd.s32 $0xFFFFC000  }
0x7d: {  	[spmem:s1] =	stream.indirect.scatter.add.f32 [tilespmem:s18], [sflag:$0x2], $0x80, s25, s17, $0xb8;
	[tilespmem:$0x1E800] =	vst v63  }
0x7e: {  	_ =	swait.ge [sflag:s21], $0x4000  }
0x7f: {  	[sflag:s21] =	ssyncset.done $0x0  }
.Ltmp1:
0x80: {  	s25 =	sadd.s32 $0x1480, s24;
	[sflag:s21] =	ssyncadd.s32 $0xFFFFC000;
	(pc) =	sbr.rel @p0 .LBB2_4-.Ltmp1, $4  }
0x81: {  	[tilespmem:s19], [sflag:$0x1] =	stream.indirect.gather [hbm4b:s4+s17], $0x80, s25, s17, $0xb8;
	[tilespmem:$0x1E800] =	vst v63  }
0x82: {  	_ =	swait.ge [sflag:s14], $0x4000  }
0x83: {  	[sflag:s14] =	ssyncset.done $0x0  }
0x84: {  	s24 =	sadd.s32 $0x2880, s24;
	[sflag:s14] =	ssyncadd.s32 $0xFFFFC000  }
0x85: {  	[spmem:s1] =	stream.indirect.scatter.add.f32 [tilespmem:s19], [sflag:$0x2], $0x80, s24, s17, $0xb8;
	[tilespmem:$0x1E800] =	vst v63  }
0x86: {  	_ =	swait.ge [sflag:s21], $0x4000  }
0x87: {  	[sflag:s21] =	ssyncset.done $0x0  }
0x88: {  	[sflag:s21] =	ssyncadd.s32 $0xFFFFC000  }
0x89: {  	_ =	swait.ge [sflag:s21], $0x4000  }
0x8a: {  	s22 =	sadd.s32 $0x1, s22;
	[sflag:s21] =	ssyncset.done $0x0  }
0x8b: {  	p0 =	sne.s32 s22, s12;
	[sflag:s21] =	ssyncadd.s32 $0xFFFFC000  }
.Ltmp2:
0x8c: {  	[bflag:$0x0] =	sbarrier.arrive $0xFFFF;
	(pc) =	sbr.rel @p0 .LBB2_1-.Ltmp2, $4  }
0x8d: {  	[hbm:s11], [sflag:s6] =	dma.local [spmem:s13], $0x2800  }
0x8e: {  	_ =	swait.ge [sflag:s14], $0x2800  }
0x8f: {  	[sflag:s14] =	ssyncset.done $0x0  }
0x90: {  	[sflag:s14] =	ssyncadd.s32 $0xFFFFD800  }
0x91: {  	_ =	sfence.sel $0x180000  }
0x92: {  	[bflag:$0x0] =	sbarrier.arrive $0xFFFF  }
0x93: {  	p0 =	sne.s32 s2, $0x0;
	_ =	strace $0x9000004D  }
0x94: {  	s0 =	sadd.s32 @!p0 $0x100000, s0;
	[bflag:$0x2] =	sbarrier.arrive $0xFFFF  }
0x95: {  	[sflag:s0] =	ssyncadd.tile.s32 @!p0 $0x1;
	_ =	shalt  }
.Lfunc_end2:
_tile_overlayer_lowered:
.L_overlay_start_2:
0x96: {  	(tag) =	ssettag $0x2  }
0x97: {  	s0 =	rddreg [dreg:$0x0];
	s2 =	stileid.u32  }
0x98: {  	s1 =	rddreg [dreg:$0x1];
	p0 =	sne.s32 s2, $0x0  }
0x99: {  	s3 =	rddreg [dreg:$0x2];
	[bflag:$0x3] =	sbarrier.arrive $0xFFFF;
	s2 =	simm.s32 @!p0 $0x1C01  }
0x9a: {  	[timem:s3], [sflag:s2] =	dma.local @!p0 [hbm:s0], s1  }
0x9b: {  	s0 =	simm.s32 @!p0 $0x1  }
0x9c: {  	_ =	swait.ge @!p0 [sflag:s0], s1  }
0x9d: {  	s1 =	ssub.s32 @!p0 $0x0, s1;
	[sflag:s0] =	ssyncset.done @!p0 $0x0  }
0x9e: {  	[sflag:s0] =	ssyncadd.s32 @!p0 s1  }
0x9f: {  	[bflag:$0x3] =	sbarrier.arrive $0xFFFF  }
0xa0: {  	_ =	shalt  }

// kernel: kernel.8.cloned.1.call-start
scs
__scs_entry_jumppad:
0x0: {  	(pc) =	sbr.rel $0x88, $3  }
0x1: {  	(tag) =	ssettag $0x0;
	lr =	simm.s32 $0x1  }
0x2: {  	[smem:$0x3F9B] =	sst lr;
	_ =	strace $0xD0000000  }
0x3: {  	_ = 	snop  }
0x4: {  	_ = 	snop  }
0x5: {  	_ = 	snop  }
0x6: {  	_ = 	snop  }
0x7: {  	_ = 	snop  }
__scs_overlays_trampoline_lowered:
0x8: {  	[smem:$0x3FAA] =	sst s0  }
0x9: {  	[smem:$0x3FAB] =	sst s1  }
0xa: {  	[smem:$0x3FAC] =	sst s2  }
0xb: {  	[smem:$0x3FAD] =	sst s3  }
0xc: {  	[smem:$0x3FAE] =	sst s4  }
0xd: {  	[smem:$0x3FAF] =	sst s5  }
0xe: {  	[smem:$0x3FB0] =	sst s6  }
0xf: {  	[smem:$0x3FB1] =	sst s7  }
0x10: {  	[smem:$0x3FB2] =	sst s8  }
0x11: {  	[smem:$0x3FB3] =	sst s9;
	s0 =	simm.s32 @!p0 $0x0  }
0x12: {  	s1 =	sld [smem:$0x3F99];
	s0 =	simm.s32 @p0 $0x1  }
0x13: {  	[smem:$0x3FB4] =	sst s0;
	s0 =	simm.s32 @!p1 $0x0  }
0x14: {  	s2 =	sld [smem:$0x3F98];
	s0 =	simm.s32 @p1 $0x1  }
0x15: {  	[smem:$0x3FB5] =	sst s0;
	s0 =	simm.s32 @!p2 $0x0  }
0x16: {  	s3 =	sld [smem:$0x3FDB];
	s0 =	simm.s32 @p2 $0x1  }
0x17: {  	s4 =	simm.s32 $0x1BF5;
	[smem:$0x3FB7] =	sst s0  }
0x18: {  	s0 =	sld [smem:$0x3F9A];
	_ =	swait.ge [sflag:s4], $0x0  }
0x19: {  	s7 =	sld [smem:$0x3F9B]  }
0x1a: {  	s8 =	sadd.s32 $0xFFFFE003, lr  }
0x1b: {  	s9 =	sadd.s32 $0xFFFFFEF7, lr;
	s5 =	simm.s32 $0xFFFFFFFF;
	p2 =	slt.u32 s8, $0xFFFFF086  }
0x1c: {  	p1 =	slt.u32 s9, $0xF7A;
	s5 =	simm.s32 @!p2 $0x0  }
0x1d: {  	s5 =	simm.s32 @p1 $0x1;
	p0 =	seq.s32 s7, s2  }
0x1e: {  	s7 =	smul.u32 @!p0 $0xF7A, s2;
	p2 =	seq.s32 @!p0 s5, $0x0  }
0x1f: {  	s9 =	smul.u32 $0xF7A, s1;
	s8 =	simm.s32 @!p0 $0x1BF5;
	p2 =	por !p2, p0  }
0x20: {  	[sflag:s8] =	ssyncset.s32 @!p0 $0xFFFFF086;
	s6 =	sadd.s32 @!p0 s3, s7;
	s7 =	simm.s32 @!p0 $0x108  }
0x21: {  	s3 =	sadd.s32 s3, s9;
	s6 =	sadd.s32 @!p0 $0x88, s6;
	s7 =	simm.s32 @p2 $0x1082  }
0x22: {  	[simem:s7], [sflag:s8] =	dma.local @!p0 [hbm:s6], $0xF7A  }
0x23: {  	s9 =	sor.u32 $0xD0000000, s2;
	s6 =	simm.s32 $0x108;
	_ =	swait.ge @!p0 [sflag:s8], $0x0  }
0x24: {  	s3 =	sadd.s32 $0x88, s3;
	s6 =	simm.s32 @!p1 $0x1082;
	[sflag:s4] =	ssyncset.s32 $0xFFFFF086  }
0x25: {  	[simem:s6], [sflag:s4] =	dma.local [hbm:s3], $0xF7A  }
0x26: {  	[smem:$0x3F9B] =	sst s1;
	(tag) =	ssettag s2;
	_ =	strace s9  }
0x27: {  	s1 =	sld [smem:$0x3FAB]  }
0x28: {  	s2 =	sld [smem:$0x3FAC]  }
0x29: {  	s4 =	sld [smem:$0x3FAE]  }
0x2a: {  	p0 =	seq.s32 s5, $0x0;
	s5 =	sld [smem:$0x3FAF]  }
0x2b: {  	s6 =	sld [smem:$0x3FB0]  }
0x2c: {  	s7 =	sld [smem:$0x3FB1]  }
0x2d: {  	s3 =	simm.s32 $0x108;
	s8 =	sld [smem:$0x3FB2]  }
0x2e: {  	s3 =	simm.s32 @!p0 $0x1082;
	s9 =	sld [smem:$0x3FB3]  }
0x2f: {  	lr =	sadd.s32 s0, s3;
	s0 =	sld [smem:$0x3FAA]  }
0x30: {  	s3 =	sld [smem:$0x3FAD]  }
0x31: {  	[smem:$0x3FB6] =	sst s10  }
0x32: {  	s10 =	sld [smem:$0x3FB4];
	_ =	sdelay $0x3  }
0x33: {  	p0 =	seq.s32 s10, $0x1;
	s10 =	sld [smem:$0x3FB6];
	_ =	sdelay $0x3  }
0x34: {  	[smem:$0x3FB6] =	sst s10  }
0x35: {  	s10 =	sld [smem:$0x3FB5];
	_ =	sdelay $0x3  }
0x36: {  	p1 =	seq.s32 s10, $0x1;
	s10 =	sld [smem:$0x3FB6];
	_ =	sdelay $0x3  }
0x37: {  	[smem:$0x3FB6] =	sst s10  }
0x38: {  	s10 =	sld [smem:$0x3FB7]  }
0x39: {  	_ = 	snop;
	(pc) =	sbr.ind lr, $3  }
0x3a: {  	_ = 	snop  }
0x3b: {  	_ = 	snop  }
0x3c: {  	p2 =	seq.s32 s10, $0x1;
	s10 =	sld [smem:$0x3FB6]  }
0x3d: {  	_ =	shalt  }
0x3e: {  	_ =	shalt  }
0x3f: {  	_ =	shalt  }
0x40: {  	_ =	shalt  }
0x41: {  	_ =	shalt  }
0x42: {  	_ =	shalt  }
0x43: {  	_ =	shalt  }
0x44: {  	_ =	shalt  }
0x45: {  	_ =	shalt  }
0x46: {  	_ =	shalt  }
0x47: {  	_ =	shalt  }
0x48: {  	_ =	shalt  }
0x49: {  	_ =	shalt  }
0x4a: {  	_ =	shalt  }
0x4b: {  	_ =	shalt  }
0x4c: {  	_ =	shalt  }
0x4d: {  	_ =	shalt  }
0x4e: {  	_ =	shalt  }
0x4f: {  	_ =	shalt  }
0x50: {  	_ =	shalt  }
0x51: {  	_ =	shalt  }
0x52: {  	_ =	shalt  }
0x53: {  	_ =	shalt  }
0x54: {  	_ =	shalt  }
0x55: {  	_ =	shalt  }
0x56: {  	_ =	shalt  }
0x57: {  	_ =	shalt  }
0x58: {  	_ =	shalt  }
0x59: {  	_ =	shalt  }
0x5a: {  	_ =	shalt  }
0x5b: {  	_ =	shalt  }
0x5c: {  	_ =	shalt  }
0x5d: {  	_ =	shalt  }
0x5e: {  	_ =	shalt  }
0x5f: {  	_ =	shalt  }
0x60: {  	_ =	shalt  }
0x61: {  	_ =	shalt  }
0x62: {  	_ =	shalt  }
0x63: {  	_ =	shalt  }
0x64: {  	_ =	shalt  }
0x65: {  	_ =	shalt  }
0x66: {  	_ =	shalt  }
0x67: {  	_ =	shalt  }
0x68: {  	_ =	shalt  }
0x69: {  	_ =	shalt  }
0x6a: {  	_ =	shalt  }
0x6b: {  	_ =	shalt  }
0x6c: {  	_ =	shalt  }
0x6d: {  	_ =	shalt  }
0x6e: {  	_ =	shalt  }
0x6f: {  	_ =	shalt  }
0x70: {  	_ =	shalt  }
0x71: {  	_ =	shalt  }
0x72: {  	_ =	shalt  }
0x73: {  	_ =	shalt  }
0x74: {  	_ =	shalt  }
0x75: {  	_ =	shalt  }
0x76: {  	_ =	shalt  }
0x77: {  	_ =	shalt  }
0x78: {  	_ =	shalt  }
0x79: {  	_ =	shalt  }
0x7a: {  	_ =	shalt  }
0x7b: {  	_ =	shalt  }
0x7c: {  	_ =	shalt  }
0x7d: {  	_ =	shalt  }
0x7e: {  	_ =	shalt  }
0x7f: {  	_ =	shalt  }
0x80: {  	_ =	shalt  }
0x81: {  	_ =	shalt  }
0x82: {  	_ =	shalt  }
0x83: {  	_ =	shalt  }
0x84: {  	_ =	shalt  }
0x85: {  	_ =	shalt  }
0x86: {  	_ =	shalt  }
0x87: {  	_ =	shalt  }
.Lfunc_end0:
.L_simem_size_0:
called_computation_lowered:
.L_overlay_start_0:
0x88: {  	s2 =	sld [smem:$0x3FD9]  }
0x89: {  	s3 =	sld [smem:$0x3FFE];
	_ =	sdelay $0x1  }
0x8a: {  	s1 =	srdreg.scid  }
0x8b: {  	s0 =	sand.u32 $0x1, s1  }
0x8c: {  	s17 =	sshll.u32 s0, $0xA;
	s2 =	sadd.s32 s3, s2  }
0x8d: {  	s2 =	sadd.s32 s2, s17  }
0x8e: {  	[smem:$0x3FC2] =	sst s2  }
0x8f: {  	_ = 	snop  }
0x90: {  	s2 =	sld [smem:$0x3FD0];
	(tm) =	ssettm $0x1  }
0x91: {  	s18 =	sld [smem:$0x3FFB];
	_ =	sdelay $0x3  }
0x92: {  	_ =	strace s18  }
0x93: {  	s3 =	sld [smem:$0x3FFC];
	_ =	sdelay $0x3  }
0x94: {  	_ =	strace s3  }
0x95: {  	s3 =	sld [smem:$0x3FFD];
	_ =	sdelay $0x3  }
0x96: {  	_ =	strace s3  }
0x97: {  	_ =	strace $0x8FFFFFFF  }
0x98: {  	s19 =	sld [smem:$0x3FDB];
	_ =	sdelay $0x1  }
0x99: {  	s4 =	simm.s32 $_scs_section_size  }
0x9a: {  	s5 =	simm.s32 $_size__tile_overlayer_lowered;
	s6 =	simm.s32 $_tile_overlayer_lowered  }
0x9b: {  	s22 =	simm.s32 $0x1BFF;
	s21 =	sshll.u32 s6, $0x1;
	s3 =	sadd.s32 s4, s19  }
0x9c: {  	s7 =	simm.s32 $0x0;
	s20 =	sshll.u32 s5, $0x1;
	s5 =	sadd.s32 s21, s3  }
0x9d: {  	[timem:s7], [sflag:s22] =	dma.local [hbm:s5], s20  }
0x9e: {  	_ =	swait.ge [sflag:s22], s20  }
0x9f: {  	s4 =	ssub.s32 $0x0, s20;
	[sflag:s22] =	ssyncset.done $0x0  }
0xa0: {  	[sflag:s22] =	ssyncadd.s32 s4;
	_ =	sdelay $0x1  }
0xa1: {  	s23 =	simm.s32 $0x1B8B  }
0xa2: {  	_ =	swait.ge [sflag:s23], $0x1  }
0xa3: {  	[sflag:s23] =	ssyncset.done $0x0  }
0xa4: {  	s25 =	simm.s32 $0x1B8E;
	s24 =	sld [smem:$0x3FFE];
	[sflag:s23] =	ssyncadd.s32 $0xFFFFFFFF  }
0xa5: {  	s26 =	simm.s32 $execute0_lowered;
	[smem:$0x3FD2] =	sst s25  }
0xa6: {  	s5 =	sshll.u32 s26, $0x1;
	_ =	strace $0x80000046;
	[dreg:$0x1] =	wrdreg $0xFFFFFFFF  }
0xa7: {  	s28 =	simm.s32 $_size_execute0_lowered;
	s3 =	sadd.s32 s3, s5;
	[dreg:$0x0] =	wrdreg $0x0  }
0xa8: {  	s5 =	sshll.u32 s28, $0x1;
	[dreg:$0x2] =	wrdreg s3  }
0xa9: {  	[dreg:$0x3] =	wrdreg s5  }
0xaa: {  	[dreg:$0x4] =	wrdreg $0xC0  }
0xab: {  	_ =	task [dreg:s7], $0x5FFFF  }
0xac: {  	[dreg:$0x1] =	wrdreg $0xFFFFFFFF  }
0xad: {  	[dreg:$0x0] =	wrdreg $0x60  }
0xae: {  	[dreg:$0x2] =	wrdreg s24  }
0xaf: {  	[dreg:$0x3] =	wrdreg s2  }
0xb0: {  	[dreg:$0x4] =	wrdreg $0x54000  }
0xb1: {  	[dreg:$0x5] =	wrdreg $0x9  }
0xb2: {  	_ =	task.clear_ibuf [dreg:s7], $0x6FFFF;
	_ =	strace $0x90000046  }
0xb3: {  	s29 =	simm.s32 $0x9;
	_ =	strace $0x80000048  }
0xb4: {  	_ =	swait.ge [sflag:s29], $0x1  }
0xb5: {  	[sflag:s29] =	ssyncadd.s32 $0xFFFFFFFF  }
0xb6: {  	_ =	strace $0x90000048  }
0xb7: {  	_ =	sfence  }
0xb8: {  	s30 =	sld [smem:$0x0];
	_ =	sdelay $0x2  }
0xb9: {  	s31 =	sshll.u32 s1, $0xD;
	s1 =	sshrl.u32 s1, $0x2  }
0xba: {  	s3 =	sand.u32 $0x4000, s31;
	s1 =	sadd.s32 s1, s30  }
0xbb: {  	s0 =	sor.u32 s3, s0;
	s1 =	sshll.u32 s1, $0x11  }
0xbc: {  	s0 =	sor.u32 s1, s0  }
0xbd: {  	s0 =	sadd.s32 $0x8F2B, s0  }
0xbe: {  	[sflag:s0] =	ssyncadd.remote.s32 $0x1  }
0xbf: {  	_ =	sfence.sel $0xFFFF  }
0xc0: {  	[dreg:$0x0] =	wrdreg $0xFFFFFFFF;
	(pc) =	sbr.abs _section_cstart, $3  }
0xc1: {  	[dreg:$0x1] =	wrdreg $0xFFFFFFFF  }
0xc2: {  	_ =	task.clear_ibuf [dreg:s7], $0x2FFFF;
	_ =	strace $0x9FFFFFFF  }
0xc3: {  	(tm) =	ssettm $0x7FFFFFFF  }
tec
execute0_lowered:
.L_overlay_start_1:
0x0: {  	(tag) =	ssettag $0x1  }
0x1: {  	s0 =	rddreg [dreg:$0x0]  }
0x2: {  	s1 =	rddreg [dreg:$0x1]  }
0x3: {  	s2 =	rddreg [dreg:$0x2]  }
0x4: {  	s3 =	srdreg.scid;
	s11 =	stileid.u32;
	s13 =	simm.s32 $0x80  }
0x5: {  	s16 =	simm.s32 $0xB80;
	s17 =	simm.s32 $0xC00;
	s18 =	simm.s32 $0xC80  }
0x6: {  	s19 =	simm.s32 $0xD00;
	s20 =	simm.s32 $0xD80;
	s21 =	simm.s32 $0xE00  }
0x7: {  	s22 =	simm.s32 $0xE80;
	s23 =	simm.s32 $0xF00;
	s24 =	simm.s32 $0xF80  }
0x8: {  	s28 =	simm.s32 $0x1100;
	s29 =	simm.s32 $0x1180;
	s30 =	simm.s32 $0x1200  }
0x9: {  	s31 =	simm.s32 $0x1280;
	s14 =	simm.s32 $0x0;
	s5 =	sand.u32 $0x1, s3  }
0xa: {  	s4 =	sshll.u32 s11, $0x1;
	s6 =	smul.u32 $0x14000, s11;
	s3 =	simm.s32 $0x0  }
0xb: {  	s9 =	smul.u32 $0x50000, s11;
	s26 =	sshll.u32 s11, $0x6;
	s4 =	sor.u32 s5, s4  }
0xc: {  	s7 =	smul.u32 $0x140000, s5;
	[smem:$0x7FF] =	sst s3;
	s5 =	ssub.s32 $0x2, s5  }
0xd: {  	s11 =	sor.u32 $0x1C01, s26;
	s26 =	simm.s32 $0x1080;
	s4 =	smul.u32 $0x280, s4  }
0xe: {  	_ =	strace $0x80000047;
	s25 =	sshrl.u32 s5, $0x1;
	s9 =	sshrl.u32 s9, $0x2  }
0xf: {  	s7 =	sadd.s32 s6, s7;
	s6 =	sshrl.u32 s6, $0x3;
	s10 =	ssub.s32 s5, s25  }
0x10: {  	s12 =	sadd.s32 s9, s2;
	s9 =	simm.s32 $0x1400;
	s25 =	simm.s32 $0x1000  }
0x11: {  	s8 =	sadd.s32 s4, s0;
	s7 =	sshrl.u32 s7, $0x3;
	s4 =	sadd.s32 $0x7E00, s0  }
0x12: {  	s5 =	sadd.s32 s1, s6;
	s12 =	sshrl.u32 s12, $0x3;
	s1 =	simm.s32 $0x1380  }
0x13: {  	s0 =	sadd.s32 s7, s0;
	s6 =	sadd.s32 $0x2E00, s8;
	s8 =	smax.u32 s10, $0x1  }
0x14: {  	s10 =	simm.s32 $0x1;
	s7 =	sadd.s32 $0x8600, s0;
	s0 =	simm.s32 $0x1300  }
.LBB2_1:
0x15: {  	[tilespmem:s9], [sflag:$0x1] =	stream.linear.gather [hbm4b:s4+s3], $0x4000, $0x38;
	[tilespmem:$0x19400] =	vst v63  }
0x16: {  	_ =	swait.ge [sflag:s10], $0x4000  }
0x17: {  	[sflag:s10] =	ssyncset.done $0x0  }
0x18: {  	[sflag:s10] =	ssyncadd.s32 $0xFFFFC000  }
0x19: {  	[spmem:s12], [sflag:s11] =	dma.local [hbm:s5], $0x2800  }
0x1a: {  	_ =	swait.ge [sflag:s10], $0x2800  }
0x1b: {  	[sflag:s10] =	ssyncset.done $0x0  }
0x1c: {  	[sflag:s10] =	ssyncadd.s32 $0xFFFFD800  }
0x1d: {  	[tilespmem:s3], [sflag:$0x1] =	stream.linear.gather [hbm4b:s6+s3], $0x1400, $0x38;
	[tilespmem:$0x19400] =	vst v63  }
0x1e: {  	_ =	swait.ge [sflag:s10], $0x1400  }
0x1f: {  	[sflag:s10] =	ssyncset.done $0x0  }
0x20: {  	[sflag:s10] =	ssyncadd.s32 $0xFFFFEC00  }
0x21: {  	[bflag:$0x0] =	sbarrier.arrive $0xFFFF  }
0x22: {  	[spmem:s2] =	stream.indirect.scatter.add.f32 [tilespmem:s9], [sflag:$0x1], $0x80, s3, s13, $0xb8;
	[tilespmem:$0x19400] =	vst v63  }
0x23: {  	_ = 	snop  }
0x24: {  	[spmem:s2] =	stream.indirect.scatter.add.f32 [tilespmem:s9], [sflag:$0x1], $0x80, s13, s13, $0xb8;
	[tilespmem:$0x19400] =	vst v63  }
0x25: {  	s15 =	simm.s32 $0x100  }
0x26: {  	[spmem:s2] =	stream.indirect.scatter.add.f32 [tilespmem:s9], [sflag:$0x1], $0x80, s15, s13, $0xb8;
	[tilespmem:$0x19400] =	vst v63  }
0x27: {  	s15 =	simm.s32 $0x180  }
0x28: {  	[spmem:s2] =	stream.indirect.scatter.add.f32 [tilespmem:s9], [sflag:$0x1], $0x80, s15, s13, $0xb8;
	[tilespmem:$0x19400] =	vst v63  }
0x29: {  	s15 =	simm.s32 $0x200  }
0x2a: {  	[spmem:s2] =	stream.indirect.scatter.add.f32 [tilespmem:s9], [sflag:$0x1], $0x80, s15, s13, $0xb8;
	[tilespmem:$0x19400] =	vst v63  }
0x2b: {  	s15 =	simm.s32 $0x280  }
0x2c: {  	[spmem:s2] =	stream.indirect.scatter.add.f32 [tilespmem:s9], [sflag:$0x1], $0x80, s15, s13, $0xb8;
	[tilespmem:$0x19400] =	vst v63  }
0x2d: {  	s15 =	simm.s32 $0x300  }
0x2e: {  	[spmem:s2] =	stream.indirect.scatter.add.f32 [tilespmem:s9], [sflag:$0x1], $0x80, s15, s13, $0xb8;
	[tilespmem:$0x19400] =	vst v63  }
0x2f: {  	s15 =	simm.s32 $0x380  }
0x30: {  	[spmem:s2] =	stream.indirect.scatter.add.f32 [tilespmem:s9], [sflag:$0x1], $0x80, s15, s13, $0xb8;
	[tilespmem:$0x19400] =	vst v63  }
0x31: {  	s15 =	simm.s32 $0x400  }
0x32: {  	[spmem:s2] =	stream.indirect.scatter.add.f32 [tilespmem:s9], [sflag:$0x1], $0x80, s15, s13, $0xb8;
	[tilespmem:$0x19400] =	vst v63  }
0x33: {  	s15 =	simm.s32 $0x480  }
0x34: {  	[spmem:s2] =	stream.indirect.scatter.add.f32 [tilespmem:s9], [sflag:$0x1], $0x80, s15, s13, $0xb8;
	[tilespmem:$0x19400] =	vst v63  }
0x35: {  	s15 =	simm.s32 $0x500  }
0x36: {  	[spmem:s2] =	stream.indirect.scatter.add.f32 [tilespmem:s9], [sflag:$0x1], $0x80, s15, s13, $0xb8;
	[tilespmem:$0x19400] =	vst v63  }
0x37: {  	s15 =	simm.s32 $0x580  }
0x38: {  	[spmem:s2] =	stream.indirect.scatter.add.f32 [tilespmem:s9], [sflag:$0x1], $0x80, s15, s13, $0xb8;
	[tilespmem:$0x19400] =	vst v63  }
0x39: {  	s15 =	simm.s32 $0x600  }
0x3a: {  	[spmem:s2] =	stream.indirect.scatter.add.f32 [tilespmem:s9], [sflag:$0x1], $0x80, s15, s13, $0xb8;
	[tilespmem:$0x19400] =	vst v63  }
0x3b: {  	s15 =	simm.s32 $0x680  }
0x3c: {  	[spmem:s2] =	stream.indirect.scatter.add.f32 [tilespmem:s9], [sflag:$0x1], $0x80, s15, s13, $0xb8;
	[tilespmem:$0x19400] =	vst v63  }
0x3d: {  	s15 =	simm.s32 $0x700  }
0x3e: {  	[spmem:s2] =	stream.indirect.scatter.add.f32 [tilespmem:s9], [sflag:$0x1], $0x80, s15, s13, $0xb8;
	[tilespmem:$0x19400] =	vst v63  }
0x3f: {  	s15 =	simm.s32 $0x780  }
0x40: {  	[spmem:s2] =	stream.indirect.scatter.add.f32 [tilespmem:s9], [sflag:$0x1], $0x80, s15, s13, $0xb8;
	[tilespmem:$0x19400] =	vst v63  }
0x41: {  	s15 =	simm.s32 $0x800  }
0x42: {  	[spmem:s2] =	stream.indirect.scatter.add.f32 [tilespmem:s9], [sflag:$0x1], $0x80, s15, s13, $0xb8;
	[tilespmem:$0x19400] =	vst v63  }
0x43: {  	s15 =	simm.s32 $0x880  }
0x44: {  	[spmem:s2] =	stream.indirect.scatter.add.f32 [tilespmem:s9], [sflag:$0x1], $0x80, s15, s13, $0xb8;
	[tilespmem:$0x19400] =	vst v63  }
0x45: {  	s15 =	simm.s32 $0x900  }
0x46: {  	[spmem:s2] =	stream.indirect.scatter.add.f32 [tilespmem:s9], [sflag:$0x1], $0x80, s15, s13, $0xb8;
	[tilespmem:$0x19400] =	vst v63  }
0x47: {  	s15 =	simm.s32 $0x980  }
0x48: {  	[spmem:s2] =	stream.indirect.scatter.add.f32 [tilespmem:s9], [sflag:$0x1], $0x80, s15, s13, $0xb8;
	[tilespmem:$0x19400] =	vst v63  }
0x49: {  	s15 =	simm.s32 $0xA00  }
0x4a: {  	[spmem:s2] =	stream.indirect.scatter.add.f32 [tilespmem:s9], [sflag:$0x1], $0x80, s15, s13, $0xb8;
	[tilespmem:$0x19400] =	vst v63  }
0x4b: {  	s15 =	simm.s32 $0xA80  }
0x4c: {  	[spmem:s2] =	stream.indirect.scatter.add.f32 [tilespmem:s9], [sflag:$0x1], $0x80, s15, s13, $0xb8;
	[tilespmem:$0x19400] =	vst v63  }
0x4d: {  	s15 =	simm.s32 $0xB00  }
0x4e: {  	[spmem:s2] =	stream.indirect.scatter.add.f32 [tilespmem:s9], [sflag:$0x1], $0x80, s15, s13, $0xb8;
	[tilespmem:$0x19400] =	vst v63  }
0x4f: {  	_ = 	snop  }
0x50: {  	[spmem:s2] =	stream.indirect.scatter.add.f32 [tilespmem:s9], [sflag:$0x1], $0x80, s16, s13, $0xb8;
	[tilespmem:$0x19400] =	vst v63  }
0x51: {  	_ = 	snop  }
0x52: {  	[spmem:s2] =	stream.indirect.scatter.add.f32 [tilespmem:s9], [sflag:$0x1], $0x80, s17, s13, $0xb8;
	[tilespmem:$0x19400] =	vst v63  }
0x53: {  	_ = 	snop  }
0x54: {  	[spmem:s2] =	stream.indirect.scatter.add.f32 [tilespmem:s9], [sflag:$0x1], $0x80, s18, s13, $0xb8;
	[tilespmem:$0x19400] =	vst v63  }
0x55: {  	_ = 	snop  }
0x56: {  	[spmem:s2] =	stream.indirect.scatter.add.f32 [tilespmem:s9], [sflag:$0x1], $0x80, s19, s13, $0xb8;
	[tilespmem:$0x19400] =	vst v63  }
0x57: {  	_ = 	snop  }
0x58: {  	[spmem:s2] =	stream.indirect.scatter.add.f32 [tilespmem:s9], [sflag:$0x1], $0x80, s20, s13, $0xb8;
	[tilespmem:$0x19400] =	vst v63  }
0x59: {  	_ = 	snop  }
0x5a: {  	[spmem:s2] =	stream.indirect.scatter.add.f32 [tilespmem:s9], [sflag:$0x1], $0x80, s21, s13, $0xb8;
	[tilespmem:$0x19400] =	vst v63  }
0x5b: {  	_ = 	snop  }
0x5c: {  	[spmem:s2] =	stream.indirect.scatter.add.f32 [tilespmem:s9], [sflag:$0x1], $0x80, s22, s13, $0xb8;
	[tilespmem:$0x19400] =	vst v63  }
0x5d: {  	_ = 	snop  }
0x5e: {  	[spmem:s2] =	stream.indirect.scatter.add.f32 [tilespmem:s9], [sflag:$0x1], $0x80, s23, s13, $0xb8;
	[tilespmem:$0x19400] =	vst v63  }
0x5f: {  	_ = 	snop  }
0x60: {  	[spmem:s2] =	stream.indirect.scatter.add.f32 [tilespmem:s9], [sflag:$0x1], $0x80, s24, s13, $0xb8;
	[tilespmem:$0x19400] =	vst v63  }
0x61: {  	_ = 	snop  }
0x62: {  	[spmem:s2] =	stream.indirect.scatter.add.f32 [tilespmem:s9], [sflag:$0x1], $0x80, s25, s13, $0xb8;
	[tilespmem:$0x19400] =	vst v63  }
0x63: {  	_ = 	snop  }
0x64: {  	[spmem:s2] =	stream.indirect.scatter.add.f32 [tilespmem:s9], [sflag:$0x1], $0x80, s26, s13, $0xb8;
	[tilespmem:$0x19400] =	vst v63  }
0x65: {  	_ = 	snop  }
0x66: {  	[spmem:s2] =	stream.indirect.scatter.add.f32 [tilespmem:s9], [sflag:$0x1], $0x80, s28, s13, $0xb8;
	[tilespmem:$0x19400] =	vst v63  }
0x67: {  	_ = 	snop  }
0x68: {  	[spmem:s2] =	stream.indirect.scatter.add.f32 [tilespmem:s9], [sflag:$0x1], $0x80, s29, s13, $0xb8;
	[tilespmem:$0x19400] =	vst v63  }
0x69: {  	_ = 	snop  }
0x6a: {  	[spmem:s2] =	stream.indirect.scatter.add.f32 [tilespmem:s9], [sflag:$0x1], $0x80, s30, s13, $0xb8;
	[tilespmem:$0x19400] =	vst v63  }
0x6b: {  	_ = 	snop  }
0x6c: {  	[spmem:s2] =	stream.indirect.scatter.add.f32 [tilespmem:s9], [sflag:$0x1], $0x80, s31, s13, $0xb8;
	[tilespmem:$0x19400] =	vst v63  }
0x6d: {  	_ = 	snop  }
0x6e: {  	[spmem:s2] =	stream.indirect.scatter.add.f32 [tilespmem:s9], [sflag:$0x1], $0x80, s0, s13, $0xb8;
	[tilespmem:$0x19400] =	vst v63  }
0x6f: {  	_ = 	snop  }
0x70: {  	[spmem:s2] =	stream.indirect.scatter.add.f32 [tilespmem:s9], [sflag:$0x1], $0x80, s1, s13, $0xb8;
	[tilespmem:$0x19400] =	vst v63  }
0x71: {  	_ =	swait.ge [sflag:s10], $0x4000  }
0x72: {  	s15 =	simm.s32 $0x27;
	[sflag:s10] =	ssyncset.done $0x0  }
.LBB2_2:
0x73: {  	p0 =	sne.s32 s15, $0x1;
	s15 =	sadd.s32 $0xFFFFFFFF, s15;
	[sflag:s10] =	ssyncadd.s32 $0xFFFFC000  }
.Ltmp0:
0x74: {  	(pc) =	sbr.rel @p0 .LBB2_2-.Ltmp0, $3  }
0x75: {  	_ =	sdelay $0x1  }
0x76: {  	_ =	swait.ge [sflag:s10], $0x4000  }
0x77: {  	[sflag:s10] =	ssyncset.done $0x0  }
0x78: {  	s14 =	sadd.s32 $0x1, s14  }
0x79: {  	[sflag:s10] =	ssyncadd.s32 $0xFFFFC000;
	p0 =	sne.s32 s14, s8  }
.Ltmp1:
0x7a: {  	[bflag:$0x0] =	sbarrier.arrive $0xFFFF;
	(pc) =	sbr.rel @p0 .LBB2_1-.Ltmp1, $4  }
0x7b: {  	[hbm:s7], [sflag:s11] =	dma.local [spmem:s12], $0x2800  }
0x7c: {  	_ =	swait.ge [sflag:s10], $0x2800  }
0x7d: {  	[sflag:s10] =	ssyncset.done $0x0  }
0x7e: {  	[sflag:s10] =	ssyncadd.s32 $0xFFFFD800  }
0x7f: {  	_ =	sfence.sel $0x180000  }
0x80: {  	[bflag:$0x0] =	sbarrier.arrive $0xFFFF  }
0x81: {  	_ =	strace $0x90000047  }
0x82: {  	s0 =	stileid.u32;
	[bflag:$0x2] =	sbarrier.arrive $0xFFFF  }
0x83: {  	p0 =	sne.s32 s0, $0x0;
	s0 =	rddreg [dreg:$0x3]  }
0x84: {  	s0 =	sadd.s32 @!p0 $0x100000, s0  }
0x85: {  	[sflag:s0] =	ssyncadd.tile.s32 @!p0 $0x1;
	_ =	shalt  }
.Lfunc_end2:
_tile_overlayer_lowered:
.L_overlay_start_2:
0x86: {  	(tag) =	ssettag $0x2  }
0x87: {  	s0 =	rddreg [dreg:$0x0];
	s2 =	stileid.u32  }
0x88: {  	s1 =	rddreg [dreg:$0x1];
	p0 =	sne.s32 s2, $0x0  }
0x89: {  	s3 =	rddreg [dreg:$0x2];
	[bflag:$0x3] =	sbarrier.arrive $0xFFFF;
	s2 =	simm.s32 @!p0 $0x1C01  }
0x8a: {  	[timem:s3], [sflag:s2] =	dma.local @!p0 [hbm:s0], s1  }
0x8b: {  	s0 =	simm.s32 @!p0 $0x1  }
0x8c: {  	_ =	swait.ge @!p0 [sflag:s0], s1  }
0x8d: {  	s1 =	ssub.s32 @!p0 $0x0, s1;
	[sflag:s0] =	ssyncset.done @!p0 $0x0  }
0x8e: {  	[sflag:s0] =	ssyncadd.s32 @!p0 s1  }
0x8f: {  	[bflag:$0x3] =	sbarrier.arrive $0xFFFF  }
0x90: {  	_ =	shalt  }

</sc_bundles>
